<compile_context>
chip_gen: v7x
topology: tpu7x:2x2x1
jax: 0.10.2.dev20260603
libtpu: 0.0.44.dev20260713+nightly
codegen_flags: <defaults>
</compile_context>

<pallas_src>
import functools
import jax
import jax.numpy as jnp
from jax import lax
from jax.experimental import pallas as pl
from jax.experimental.pallas import tpu as pltpu
from jax.experimental.pallas import tpu_sc as plsc

NC, NS = 2, 16
NW = NC * NS
G = 80
NBUF = 10
LAG = 5
RB = 1000


def _gather_body(n_chunks, per_w, dv,
                 k_hbm, v_hbm, vj_hbm,
                 idx_v, rows_v, *sems):
    gs = sems[:NBUF]
    ws = sems[NBUF:]
    wid = lax.axis_index("s") * NC + lax.axis_index("c")
    base = wid * per_w
    table = v_hbm.at[base // (n_chunks * G * NW // v_hbm.shape[0])]

    pltpu.sync_copy(k_hbm.at[wid], idx_v)

    def start_gather(c, b):
        pltpu.async_copy(table.at[idx_v.at[c]], rows_v.at[b], gs[b])

    def wait_gather(b):
        pltpu.make_async_copy(table.at[idx_v.at[0]], rows_v.at[b],
                              gs[b]).wait()

    def start_write(c, b):
        pltpu.async_copy(rows_v.at[b], vj_hbm.at[pl.ds(base + c * G, G)],
                         ws[b])

    def wait_write(b):
        pltpu.make_async_copy(rows_v.at[b], vj_hbm.at[pl.ds(base, G)],
                              ws[b]).wait()

    assert n_chunks % NBUF == LAG and n_chunks >= NBUF + LAG

    for b in range(LAG):
        start_gather(b, b)
    for t in range(NBUF):
        bg = (LAG + t) % NBUF
        if LAG + t - NBUF >= 0:
            wait_write(bg)
        start_gather(LAG + t, bg)
        wait_gather(t)
        start_write(t, t)

    def block(s, _):
        c0 = s * NBUF
        for t in range(NBUF):
            bg = (LAG + t) % NBUF
            wait_write(bg)
            start_gather(c0 + LAG + t, bg)
            wait_gather(t)
            start_write(c0 + t, t)
        return _

    lax.fori_loop(1, (n_chunks - LAG) // NBUF, block, None)

    tail = n_chunks - LAG
    for r in range(LAG):
        wait_gather(r)
        start_write(tail + r, r)
    for b in range(NBUF):
        wait_write(b)


def _broadcast_body(kk, dv, v_ref, out_ref):
    out_ref[...] = jnp.broadcast_to(v_ref[...][:, None, :],
                                    (v_ref.shape[0], kk, dv))


def kernel(V, K):
    Z, N, Dv = V.shape
    Kk = K.shape[2]
    B = Z * N * Kk
    per_w = B // NW
    n_chunks = per_w // G
    assert per_w % (N * Kk) == 0 or (N * Kk) % per_w == 0

    k_flat = K.reshape(NW, n_chunks, G)

    mesh = plsc.VectorSubcoreMesh(
        core_axis_name="c", subcore_axis_name="s",
        num_cores=NC, num_subcores=NS)

    run = pl.kernel(
        functools.partial(_gather_body, n_chunks, per_w, Dv),
        out_type=jax.ShapeDtypeStruct((B, Dv), jnp.float32),
        mesh=mesh,
        scratch_types=[
            pltpu.VMEM((n_chunks, G), jnp.int32),
            pltpu.VMEM((NBUF, G, Dv), jnp.float32),
        ] + [pltpu.SemaphoreType.DMA] * (2 * NBUF),
    )
    Vj = run(k_flat, V).reshape(Z, N, Kk, Dv)

    vi_flat = pl.pallas_call(
        functools.partial(_broadcast_body, Kk, Dv),
        grid=(Z * N // RB,),
        in_specs=[pl.BlockSpec((RB, Dv), lambda i: (i, 0))],
        out_specs=pl.BlockSpec((RB, Kk, Dv), lambda i: (i, 0, 0)),
        out_shape=jax.ShapeDtypeStruct((Z * N, Kk, Dv), jnp.float32),
    )(V.reshape(Z * N, Dv))
    Vi = vi_flat.reshape(Z, N, Kk, Dv)
    return (Vi, Vj)

# --- scband reference (transcript-rebuilt; emitter-appended) ---
"""Pipeline reference for scband-gnn-62569083568893 (READ-ONLY COPY).

The authoritative reference and input builder live on the scoring server;
editing this copy changes nothing except your own understanding.
"""

import jax, jax.numpy as jnp
import numpy as np

Z, N, Dv, Kk = 2, 10000, 128, 16

def setup_inputs(seed: int = 0) -> dict:
    key = jax.random.key(seed)
    k1, k2 = jax.random.split(key)
    V = jax.random.normal(k1, (Z, N, Dv), dtype=jnp.float32)
    K = jax.random.randint(k2, (Z, N, Kk), 0, N, dtype=jnp.int32)
    return {"V": V, "K": K}

def reference(V, K):
    # Faithful translation of GNN.gather_nodes (the module's effective forward):
    # Vi = V.unsqueeze(2).expand(-1,-1,K,-1); Ki = K.unsqueeze(3).expand(-1,-1,-1,Dv)
    # Vj = torch.gather(Vi, 1, Ki)  ->  Vj[z,n,k,d] = V[z, K[z,n,k], d]
    dimZ, dimN, dimDv = V.shape
    dimK = K.shape[2]
    Vi = jnp.broadcast_to(V[:, :, None, :], (dimZ, dimN, dimK, dimDv))
    Ki = jnp.broadcast_to(K[:, :, :, None], (dimZ, dimN, dimK, dimDv))
    Vj = jnp.take_along_axis(Vi, Ki, axis=1)
    return (Vi, Vj)

if __name__ == "__main__":
    import jax
    _d = setup_inputs()
    print(jax.jit(kernel)(*tuple(_d.values())))

</pallas_src>

<mosaic_0001>
#map = affine_map<(d0, d1) -> (0, 0, 0)>
#map1 = affine_map<(d0, d1) -> (0, 0)>
module attributes {stable_mosaic.version = 14 : i64} {
  func.func @_gather_body(%arg0: i32, %arg1: i32, %arg2: memref<32x125x80xi32, #tpu.memory_space<hbm>>, %arg3: memref<2x10000x128xf32, #tpu.memory_space<hbm>>, %arg4: memref<320000x128xf32, #tpu.memory_space<hbm>>, %arg5: memref<125x80xi32, #tpu.memory_space<vmem>>, %arg6: memref<10x80x128xf32, #tpu.memory_space<vmem>>, %arg7: memref<!tpu.dma_semaphore, #tpu.memory_space<semaphore_mem>>, %arg8: memref<!tpu.dma_semaphore, #tpu.memory_space<semaphore_mem>>, %arg9: memref<!tpu.dma_semaphore, #tpu.memory_space<semaphore_mem>>, %arg10: memref<!tpu.dma_semaphore, #tpu.memory_space<semaphore_mem>>, %arg11: memref<!tpu.dma_semaphore, #tpu.memory_space<semaphore_mem>>, %arg12: memref<!tpu.dma_semaphore, #tpu.memory_space<semaphore_mem>>, %arg13: memref<!tpu.dma_semaphore, #tpu.memory_space<semaphore_mem>>, %arg14: memref<!tpu.dma_semaphore, #tpu.memory_space<semaphore_mem>>, %arg15: memref<!tpu.dma_semaphore, #tpu.memory_space<semaphore_mem>>, %arg16: memref<!tpu.dma_semaphore, #tpu.memory_space<semaphore_mem>>, %arg17: memref<!tpu.dma_semaphore, #tpu.memory_space<semaphore_mem>>, %arg18: memref<!tpu.dma_semaphore, #tpu.memory_space<semaphore_mem>>, %arg19: memref<!tpu.dma_semaphore, #tpu.memory_space<semaphore_mem>>, %arg20: memref<!tpu.dma_semaphore, #tpu.memory_space<semaphore_mem>>, %arg21: memref<!tpu.dma_semaphore, #tpu.memory_space<semaphore_mem>>, %arg22: memref<!tpu.dma_semaphore, #tpu.memory_space<semaphore_mem>>, %arg23: memref<!tpu.dma_semaphore, #tpu.memory_space<semaphore_mem>>, %arg24: memref<!tpu.dma_semaphore, #tpu.memory_space<semaphore_mem>>, %arg25: memref<!tpu.dma_semaphore, #tpu.memory_space<semaphore_mem>>, %arg26: memref<!tpu.dma_semaphore, #tpu.memory_space<semaphore_mem>>) attributes {dimension_semantics = [#tpu.dimension_semantics<core_parallel>, #tpu.dimension_semantics<subcore_parallel>], iteration_bounds = array<i64: 2, 16>, scalar_prefetch = 0 : i64, scratch_operands = 22 : i64, tpu.core_type = #tpu.core_type<sc_vector_subcore>, window_params = [{transform_indices = #map}, {transform_indices = #map}, {transform_indices = #map1}]} {
    %mul3A = arith.constant 2 : i32
    %mul3A_0 = arith.muli %arg1, %mul3A : i32
    %add3A = arith.addi %mul3A_0, %arg0 : i32
    %mul3A_1 = arith.constant 10000 : i32
    %mul3A_2 = arith.muli %add3A, %mul3A_1 : i32
    %jit3A = arith.constant 160000 : i32
    %div3A = arith.divsi %mul3A_2, %jit3A : i32
    %sign3A = arith.constant 0 : i32
    %sign3A_3 = arith.cmpi sgt, %mul3A_2, %sign3A : i32
    %sign3A_4 = arith.extui %sign3A_3 : i1 to i32
    %sign3A_5 = arith.constant 0 : i32
    %sign3A_6 = arith.cmpi slt, %mul3A_2, %sign3A_5 : i32
    %sign3A_7 = arith.extui %sign3A_6 : i1 to i32
    %sign3A_8 = arith.subi %sign3A_4, %sign3A_7 : i32
    %sign3A_9 = arith.constant 0 : i32
    %sign3A_10 = arith.cmpi sgt, %jit3A, %sign3A_9 : i32
    %sign3A_11 = arith.extui %sign3A_10 : i1 to i32
    %sign3A_12 = arith.constant 0 : i32
    %sign3A_13 = arith.cmpi slt, %jit3A, %sign3A_12 : i32
    %sign3A_14 = arith.extui %sign3A_13 : i1 to i32
    %sign3A_15 = arith.subi %sign3A_11, %sign3A_14 : i32
    %ne3A = arith.cmpi ne, %sign3A_8, %sign3A_15 : i32
    %rem3A = arith.remsi %mul3A_2, %jit3A : i32
    %ne3A_16 = arith.constant 0 : i32
    %ne3A_17 = arith.cmpi ne, %rem3A, %ne3A_16 : i32
    %and3A = arith.andi %ne3A, %ne3A_17 : i1
    %sub3A = arith.constant 1 : i32
    %sub3A_18 = arith.subi %div3A, %sub3A : i32
    %select_n3A = arith.select %and3A, %sub3A_18, %div3A : i32
    "tpu.region"() ({
      %run_scoped3A = tpu.sem_alloc : memref<!tpu.dma_semaphore, #tpu.memory_space<semaphore_mem>>
      %dma_start3A_921 = arith.constant 0 : i32
      %dma_start3A_922 = arith.constant 0 : i32
      %dma_start3A_923 = tpu.memref_slice %arg2[%add3A, %dma_start3A_921, %dma_start3A_922] : memref<32x125x80xi32, #tpu.memory_space<hbm>> -> memref<1x125x80xi32, #tpu.memory_space<hbm>>
      %dma_start3A_924 = tpu.memref_squeeze %dma_start3A_923 : memref<1x125x80xi32, #tpu.memory_space<hbm>> -> memref<125x80xi32, #tpu.memory_space<hbm>>
      %dma_start3A_925 = arith.constant 0 : i32
      %dma_start3A_926 = arith.constant 0 : i32
      %dma_start3A_927 = tpu.memref_slice %arg2[%add3A, %dma_start3A_925, %dma_start3A_926] : memref<32x125x80xi32, #tpu.memory_space<hbm>> -> memref<1x125x80xi32, #tpu.memory_space<hbm>>
      %dma_start3A_928 = tpu.memref_squeeze %dma_start3A_927 : memref<1x125x80xi32, #tpu.memory_space<hbm>> -> memref<125x80xi32, #tpu.memory_space<hbm>>
      tpu.enqueue_dma source(%dma_start3A_928 : memref<125x80xi32, #tpu.memory_space<hbm>>) target(%arg5 : memref<125x80xi32, #tpu.memory_space<vmem>>) target_semaphore(%run_scoped3A : memref<!tpu.dma_semaphore, #tpu.memory_space<semaphore_mem>>)
      %dma_wait3A_929 = arith.constant 0 : i32
      %dma_wait3A_930 = arith.constant 0 : i32
      %dma_wait3A_931 = tpu.memref_slice %arg2[%add3A, %dma_wait3A_929, %dma_wait3A_930] : memref<32x125x80xi32, #tpu.memory_space<hbm>> -> memref<1x125x80xi32, #tpu.memory_space<hbm>>
      %dma_wait3A_932 = tpu.memref_squeeze %dma_wait3A_931 : memref<1x125x80xi32, #tpu.memory_space<hbm>> -> memref<125x80xi32, #tpu.memory_space<hbm>>
      %dma_wait3A_933 = arith.constant 0 : i32
      %dma_wait3A_934 = arith.constant 0 : i32
      %dma_wait3A_935 = tpu.memref_slice %arg2[%add3A, %dma_wait3A_933, %dma_wait3A_934] : memref<32x125x80xi32, #tpu.memory_space<hbm>> -> memref<1x125x80xi32, #tpu.memory_space<hbm>>
      %dma_wait3A_936 = tpu.memref_squeeze %dma_wait3A_935 : memref<1x125x80xi32, #tpu.memory_space<hbm>> -> memref<125x80xi32, #tpu.memory_space<hbm>>
      tpu.wait_dma2 semaphore(%run_scoped3A : memref<!tpu.dma_semaphore, #tpu.memory_space<semaphore_mem>>) src(%dma_wait3A_936 : memref<125x80xi32, #tpu.memory_space<hbm>>) dst(%arg5 : memref<125x80xi32, #tpu.memory_space<vmem>>)
      tpu.yield
    }) : () -> ()
    %dma_start3A = arith.constant 0 : i32
    %dma_start3A_19 = arith.constant 0 : i32
    %dma_start3A_20 = arith.constant 0 : i32
    %dma_start3A_21 = arith.constant 0 : i32
    %dma_start3A_22 = tpu.memref_slice %arg6[%dma_start3A_19, %dma_start3A_20, %dma_start3A_21] : memref<10x80x128xf32, #tpu.memory_space<vmem>> -> memref<1x80x128xf32, #tpu.memory_space<vmem>>
    %dma_start3A_23 = tpu.memref_squeeze %dma_start3A_22 : memref<1x80x128xf32, #tpu.memory_space<vmem>> -> memref<80x128xf32, #tpu.memory_space<vmem>>
    %dma_start3A_24 = arith.constant 0 : i32
    %dma_start3A_25 = tpu.memref_slice %arg5[%dma_start3A, %dma_start3A_24] : memref<125x80xi32, #tpu.memory_space<vmem>> -> memref<1x80xi32, #tpu.memory_space<vmem>>
    %dma_start3A_26 = tpu.memref_squeeze %dma_start3A_25 : memref<1x80xi32, #tpu.memory_space<vmem>> -> memref<80xi32, #tpu.memory_space<vmem>>
    %dma_start3A_27 = arith.constant 0 : i32
    %dma_start3A_28 = arith.constant 0 : i32
    %dma_start3A_29 = tpu.memref_slice %arg3[%select_n3A, %dma_start3A_27, %dma_start3A_28] : memref<2x10000x128xf32, #tpu.memory_space<hbm>> -> memref<1x10000x128xf32, #tpu.memory_space<hbm>>
    %dma_start3A_30 = tpu.memref_squeeze %dma_start3A_29 : memref<1x10000x128xf32, #tpu.memory_space<hbm>> -> memref<10000x128xf32, #tpu.memory_space<hbm>>
    %dma_start3A_31 = arith.constant 0 : i32
    %dma_start3A_32 = arith.constant 0 : i32
    %dma_start3A_33 = tpu.memref_slice %dma_start3A_30[%dma_start3A_31, %dma_start3A_32] : memref<10000x128xf32, #tpu.memory_space<hbm>> -> memref<10000x128xf32, #tpu.memory_space<hbm>>
    tpu.enqueue_indirect_dma source(%dma_start3A_33 : memref<10000x128xf32, #tpu.memory_space<hbm>>) target(%dma_start3A_23 : memref<80x128xf32, #tpu.memory_space<vmem>>) offsets(%dma_start3A_26 : memref<80xi32, #tpu.memory_space<vmem>>) semaphore(%arg7 : memref<!tpu.dma_semaphore, #tpu.memory_space<semaphore_mem>>)
    %dma_start3A_34 = arith.constant 1 : i32
    %dma_start3A_35 = arith.constant 1 : i32
    %dma_start3A_36 = arith.constant 0 : i32
    %dma_start3A_37 = arith.constant 0 : i32
    %dma_start3A_38 = tpu.memref_slice %arg6[%dma_start3A_35, %dma_start3A_36, %dma_start3A_37] : memref<10x80x128xf32, #tpu.memory_space<vmem>> -> memref<1x80x128xf32, #tpu.memory_space<vmem>>
    %dma_start3A_39 = tpu.memref_squeeze %dma_start3A_38 : memref<1x80x128xf32, #tpu.memory_space<vmem>> -> memref<80x128xf32, #tpu.memory_space<vmem>>
    %dma_start3A_40 = arith.constant 0 : i32
    %dma_start3A_41 = tpu.memref_slice %arg5[%dma_start3A_34, %dma_start3A_40] : memref<125x80xi32, #tpu.memory_space<vmem>> -> memref<1x80xi32, #tpu.memory_space<vmem>>
    %dma_start3A_42 = tpu.memref_squeeze %dma_start3A_41 : memref<1x80xi32, #tpu.memory_space<vmem>> -> memref<80xi32, #tpu.memory_space<vmem>>
    %dma_start3A_43 = arith.constant 0 : i32
    %dma_start3A_44 = arith.constant 0 : i32
    %dma_start3A_45 = tpu.memref_slice %arg3[%select_n3A, %dma_start3A_43, %dma_start3A_44] : memref<2x10000x128xf32, #tpu.memory_space<hbm>> -> memref<1x10000x128xf32, #tpu.memory_space<hbm>>
    %dma_start3A_46 = tpu.memref_squeeze %dma_start3A_45 : memref<1x10000x128xf32, #tpu.memory_space<hbm>> -> memref<10000x128xf32, #tpu.memory_space<hbm>>
    %dma_start3A_47 = arith.constant 0 : i32
    %dma_start3A_48 = arith.constant 0 : i32
    %dma_start3A_49 = tpu.memref_slice %dma_start3A_46[%dma_start3A_47, %dma_start3A_48] : memref<10000x128xf32, #tpu.memory_space<hbm>> -> memref<10000x128xf32, #tpu.memory_space<hbm>>
    tpu.enqueue_indirect_dma source(%dma_start3A_49 : memref<10000x128xf32, #tpu.memory_space<hbm>>) target(%dma_start3A_39 : memref<80x128xf32, #tpu.memory_space<vmem>>) offsets(%dma_start3A_42 : memref<80xi32, #tpu.memory_space<vmem>>) semaphore(%arg8 : memref<!tpu.dma_semaphore, #tpu.memory_space<semaphore_mem>>)
    %dma_start3A_50 = arith.constant 2 : i32
    %dma_start3A_51 = arith.constant 2 : i32
    %dma_start3A_52 = arith.constant 0 : i32
    %dma_start3A_53 = arith.constant 0 : i32
    %dma_start3A_54 = tpu.memref_slice %arg6[%dma_start3A_51, %dma_start3A_52, %dma_start3A_53] : memref<10x80x128xf32, #tpu.memory_space<vmem>> -> memref<1x80x128xf32, #tpu.memory_space<vmem>>
    %dma_start3A_55 = tpu.memref_squeeze %dma_start3A_54 : memref<1x80x128xf32, #tpu.memory_space<vmem>> -> memref<80x128xf32, #tpu.memory_space<vmem>>
    %dma_start3A_56 = arith.constant 0 : i32
    %dma_start3A_57 = tpu.memref_slice %arg5[%dma_start3A_50, %dma_start3A_56] : memref<125x80xi32, #tpu.memory_space<vmem>> -> memref<1x80xi32, #tpu.memory_space<vmem>>
    %dma_start3A_58 = tpu.memref_squeeze %dma_start3A_57 : memref<1x80xi32, #tpu.memory_space<vmem>> -> memref<80xi32, #tpu.memory_space<vmem>>
    %dma_start3A_59 = arith.constant 0 : i32
    %dma_start3A_60 = arith.constant 0 : i32
    %dma_start3A_61 = tpu.memref_slice %arg3[%select_n3A, %dma_start3A_59, %dma_start3A_60] : memref<2x10000x128xf32, #tpu.memory_space<hbm>> -> memref<1x10000x128xf32, #tpu.memory_space<hbm>>
    %dma_start3A_62 = tpu.memref_squeeze %dma_start3A_61 : memref<1x10000x128xf32, #tpu.memory_space<hbm>> -> memref<10000x128xf32, #tpu.memory_space<hbm>>
    %dma_start3A_63 = arith.constant 0 : i32
    %dma_start3A_64 = arith.constant 0 : i32
    %dma_start3A_65 = tpu.memref_slice %dma_start3A_62[%dma_start3A_63, %dma_start3A_64] : memref<10000x128xf32, #tpu.memory_space<hbm>> -> memref<10000x128xf32, #tpu.memory_space<hbm>>
    tpu.enqueue_indirect_dma source(%dma_start3A_65 : memref<10000x128xf32, #tpu.memory_space<hbm>>) target(%dma_start3A_55 : memref<80x128xf32, #tpu.memory_space<vmem>>) offsets(%dma_start3A_58 : memref<80xi32, #tpu.memory_space<vmem>>) semaphore(%arg9 : memref<!tpu.dma_semaphore, #tpu.memory_space<semaphore_mem>>)
    %dma_start3A_66 = arith.constant 3 : i32
    %dma_start3A_67 = arith.constant 3 : i32
    %dma_start3A_68 = arith.constant 0 : i32
    %dma_start3A_69 = arith.constant 0 : i32
    %dma_start3A_70 = tpu.memref_slice %arg6[%dma_start3A_67, %dma_start3A_68, %dma_start3A_69] : memref<10x80x128xf32, #tpu.memory_space<vmem>> -> memref<1x80x128xf32, #tpu.memory_space<vmem>>
    %dma_start3A_71 = tpu.memref_squeeze %dma_start3A_70 : memref<1x80x128xf32, #tpu.memory_space<vmem>> -> memref<80x128xf32, #tpu.memory_space<vmem>>
    %dma_start3A_72 = arith.constant 0 : i32
    %dma_start3A_73 = tpu.memref_slice %arg5[%dma_start3A_66, %dma_start3A_72] : memref<125x80xi32, #tpu.memory_space<vmem>> -> memref<1x80xi32, #tpu.memory_space<vmem>>
    %dma_start3A_74 = tpu.memref_squeeze %dma_start3A_73 : memref<1x80xi32, #tpu.memory_space<vmem>> -> memref<80xi32, #tpu.memory_space<vmem>>
    %dma_start3A_75 = arith.constant 0 : i32
    %dma_start3A_76 = arith.constant 0 : i32
    %dma_start3A_77 = tpu.memref_slice %arg3[%select_n3A, %dma_start3A_75, %dma_start3A_76] : memref<2x10000x128xf32, #tpu.memory_space<hbm>> -> memref<1x10000x128xf32, #tpu.memory_space<hbm>>
    %dma_start3A_78 = tpu.memref_squeeze %dma_start3A_77 : memref<1x10000x128xf32, #tpu.memory_space<hbm>> -> memref<10000x128xf32, #tpu.memory_space<hbm>>
    %dma_start3A_79 = arith.constant 0 : i32
    %dma_start3A_80 = arith.constant 0 : i32
    %dma_start3A_81 = tpu.memref_slice %dma_start3A_78[%dma_start3A_79, %dma_start3A_80] : memref<10000x128xf32, #tpu.memory_space<hbm>> -> memref<10000x128xf32, #tpu.memory_space<hbm>>
    tpu.enqueue_indirect_dma source(%dma_start3A_81 : memref<10000x128xf32, #tpu.memory_space<hbm>>) target(%dma_start3A_71 : memref<80x128xf32, #tpu.memory_space<vmem>>) offsets(%dma_start3A_74 : memref<80xi32, #tpu.memory_space<vmem>>) semaphore(%arg10 : memref<!tpu.dma_semaphore, #tpu.memory_space<semaphore_mem>>)
    %dma_start3A_82 = arith.constant 4 : i32
    %dma_start3A_83 = arith.constant 4 : i32
    %dma_start3A_84 = arith.constant 0 : i32
    %dma_start3A_85 = arith.constant 0 : i32
    %dma_start3A_86 = tpu.memref_slice %arg6[%dma_start3A_83, %dma_start3A_84, %dma_start3A_85] : memref<10x80x128xf32, #tpu.memory_space<vmem>> -> memref<1x80x128xf32, #tpu.memory_space<vmem>>
    %dma_start3A_87 = tpu.memref_squeeze %dma_start3A_86 : memref<1x80x128xf32, #tpu.memory_space<vmem>> -> memref<80x128xf32, #tpu.memory_space<vmem>>
    %dma_start3A_88 = arith.constant 0 : i32
    %dma_start3A_89 = tpu.memref_slice %arg5[%dma_start3A_82, %dma_start3A_88] : memref<125x80xi32, #tpu.memory_space<vmem>> -> memref<1x80xi32, #tpu.memory_space<vmem>>
    %dma_start3A_90 = tpu.memref_squeeze %dma_start3A_89 : memref<1x80xi32, #tpu.memory_space<vmem>> -> memref<80xi32, #tpu.memory_space<vmem>>
    %dma_start3A_91 = arith.constant 0 : i32
    %dma_start3A_92 = arith.constant 0 : i32
    %dma_start3A_93 = tpu.memref_slice %arg3[%select_n3A, %dma_start3A_91, %dma_start3A_92] : memref<2x10000x128xf32, #tpu.memory_space<hbm>> -> memref<1x10000x128xf32, #tpu.memory_space<hbm>>
    %dma_start3A_94 = tpu.memref_squeeze %dma_start3A_93 : memref<1x10000x128xf32, #tpu.memory_space<hbm>> -> memref<10000x128xf32, #tpu.memory_space<hbm>>
    %dma_start3A_95 = arith.constant 0 : i32
    %dma_start3A_96 = arith.constant 0 : i32
    %dma_start3A_97 = tpu.memref_slice %dma_start3A_94[%dma_start3A_95, %dma_start3A_96] : memref<10000x128xf32, #tpu.memory_space<hbm>> -> memref<10000x128xf32, #tpu.memory_space<hbm>>
    tpu.enqueue_indirect_dma source(%dma_start3A_97 : memref<10000x128xf32, #tpu.memory_space<hbm>>) target(%dma_start3A_87 : memref<80x128xf32, #tpu.memory_space<vmem>>) offsets(%dma_start3A_90 : memref<80xi32, #tpu.memory_space<vmem>>) semaphore(%arg11 : memref<!tpu.dma_semaphore, #tpu.memory_space<semaphore_mem>>)
    %dma_start3A_98 = arith.constant 5 : i32
    %dma_start3A_99 = arith.constant 5 : i32
    %dma_start3A_100 = arith.constant 0 : i32
    %dma_start3A_101 = arith.constant 0 : i32
    %dma_start3A_102 = tpu.memref_slice %arg6[%dma_start3A_99, %dma_start3A_100, %dma_start3A_101] : memref<10x80x128xf32, #tpu.memory_space<vmem>> -> memref<1x80x128xf32, #tpu.memory_space<vmem>>
    %dma_start3A_103 = tpu.memref_squeeze %dma_start3A_102 : memref<1x80x128xf32, #tpu.memory_space<vmem>> -> memref<80x128xf32, #tpu.memory_space<vmem>>
    %dma_start3A_104 = arith.constant 0 : i32
    %dma_start3A_105 = tpu.memref_slice %arg5[%dma_start3A_98, %dma_start3A_104] : memref<125x80xi32, #tpu.memory_space<vmem>> -> memref<1x80xi32, #tpu.memory_space<vmem>>
    %dma_start3A_106 = tpu.memref_squeeze %dma_start3A_105 : memref<1x80xi32, #tpu.memory_space<vmem>> -> memref<80xi32, #tpu.memory_space<vmem>>
    %dma_start3A_107 = arith.constant 0 : i32
    %dma_start3A_108 = arith.constant 0 : i32
    %dma_start3A_109 = tpu.memref_slice %arg3[%select_n3A, %dma_start3A_107, %dma_start3A_108] : memref<2x10000x128xf32, #tpu.memory_space<hbm>> -> memref<1x10000x128xf32, #tpu.memory_space<hbm>>
    %dma_start3A_110 = tpu.memref_squeeze %dma_start3A_109 : memref<1x10000x128xf32, #tpu.memory_space<hbm>> -> memref<10000x128xf32, #tpu.memory_space<hbm>>
    %dma_start3A_111 = arith.constant 0 : i32
    %dma_start3A_112 = arith.constant 0 : i32
    %dma_start3A_113 = tpu.memref_slice %dma_start3A_110[%dma_start3A_111, %dma_start3A_112] : memref<10000x128xf32, #tpu.memory_space<hbm>> -> memref<10000x128xf32, #tpu.memory_space<hbm>>
    tpu.enqueue_indirect_dma source(%dma_start3A_113 : memref<10000x128xf32, #tpu.memory_space<hbm>>) target(%dma_start3A_103 : memref<80x128xf32, #tpu.memory_space<vmem>>) offsets(%dma_start3A_106 : memref<80xi32, #tpu.memory_space<vmem>>) semaphore(%arg12 : memref<!tpu.dma_semaphore, #tpu.memory_space<semaphore_mem>>)
    %dma_wait3A = arith.constant 0 : i32
    %dma_wait3A_114 = arith.constant 0 : i32
    %dma_wait3A_115 = arith.constant 0 : i32
    %dma_wait3A_116 = arith.constant 0 : i32
    %dma_wait3A_117 = tpu.memref_slice %arg6[%dma_wait3A_114, %dma_wait3A_115, %dma_wait3A_116] : memref<10x80x128xf32, #tpu.memory_space<vmem>> -> memref<1x80x128xf32, #tpu.memory_space<vmem>>
    %dma_wait3A_118 = tpu.memref_squeeze %dma_wait3A_117 : memref<1x80x128xf32, #tpu.memory_space<vmem>> -> memref<80x128xf32, #tpu.memory_space<vmem>>
    %dma_wait3A_119 = arith.constant 0 : i32
    %dma_wait3A_120 = tpu.memref_slice %arg5[%dma_wait3A, %dma_wait3A_119] : memref<125x80xi32, #tpu.memory_space<vmem>> -> memref<1x80xi32, #tpu.memory_space<vmem>>
    %dma_wait3A_121 = tpu.memref_squeeze %dma_wait3A_120 : memref<1x80xi32, #tpu.memory_space<vmem>> -> memref<80xi32, #tpu.memory_space<vmem>>
    %dma_wait3A_122 = arith.constant 0 : i32
    %dma_wait3A_123 = arith.constant 0 : i32
    %dma_wait3A_124 = tpu.memref_slice %arg3[%select_n3A, %dma_wait3A_122, %dma_wait3A_123] : memref<2x10000x128xf32, #tpu.memory_space<hbm>> -> memref<1x10000x128xf32, #tpu.memory_space<hbm>>
    %dma_wait3A_125 = tpu.memref_squeeze %dma_wait3A_124 : memref<1x10000x128xf32, #tpu.memory_space<hbm>> -> memref<10000x128xf32, #tpu.memory_space<hbm>>
    %dma_wait3A_126 = arith.constant 0 : i32
    %dma_wait3A_127 = arith.constant 0 : i32
    %dma_wait3A_128 = tpu.memref_slice %dma_wait3A_125[%dma_wait3A_126, %dma_wait3A_127] : memref<10000x128xf32, #tpu.memory_space<hbm>> -> memref<10000x128xf32, #tpu.memory_space<hbm>>
    tpu.wait_indirect_dma semaphore(%arg7 : memref<!tpu.dma_semaphore, #tpu.memory_space<semaphore_mem>>) src(%dma_wait3A_128 : memref<10000x128xf32, #tpu.memory_space<hbm>>) dst(%dma_wait3A_118 : memref<80x128xf32, #tpu.memory_space<vmem>>)
    %add3A_129 = arith.constant 0 : i32
    %add3A_130 = arith.addi %mul3A_2, %add3A_129 : i32
    %dma_start3A_131 = arith.constant 0 : i32
    %dma_start3A_132 = arith.constant 0 : i32
    %dma_start3A_133 = arith.constant 0 : i32
    %dma_start3A_134 = tpu.memref_slice %arg6[%dma_start3A_131, %dma_start3A_132, %dma_start3A_133] : memref<10x80x128xf32, #tpu.memory_space<vmem>> -> memref<1x80x128xf32, #tpu.memory_space<vmem>>
    %dma_start3A_135 = tpu.memref_squeeze %dma_start3A_134 : memref<1x80x128xf32, #tpu.memory_space<vmem>> -> memref<80x128xf32, #tpu.memory_space<vmem>>
    %dma_start3A_136 = arith.constant 0 : i32
    %dma_start3A_137 = tpu.memref_slice %arg4[%add3A_130, %dma_start3A_136] : memref<320000x128xf32, #tpu.memory_space<hbm>> -> memref<80x128xf32, #tpu.memory_space<hbm>>
    %dma_start3A_138 = arith.constant 0 : i32
    %dma_start3A_139 = tpu.memref_slice %arg4[%add3A_130, %dma_start3A_138] : memref<320000x128xf32, #tpu.memory_space<hbm>> -> memref<80x128xf32, #tpu.memory_space<hbm>>
    %dma_start3A_140 = arith.constant 0 : i32
    %dma_start3A_141 = arith.constant 0 : i32
    %dma_start3A_142 = tpu.memref_slice %arg6[%dma_start3A_131, %dma_start3A_140, %dma_start3A_141] : memref<10x80x128xf32, #tpu.memory_space<vmem>> -> memref<1x80x128xf32, #tpu.memory_space<vmem>>
    %dma_start3A_143 = tpu.memref_squeeze %dma_start3A_142 : memref<1x80x128xf32, #tpu.memory_space<vmem>> -> memref<80x128xf32, #tpu.memory_space<vmem>>
    tpu.enqueue_dma source(%dma_start3A_143 : memref<80x128xf32, #tpu.memory_space<vmem>>) target(%dma_start3A_139 : memref<80x128xf32, #tpu.memory_space<hbm>>) target_semaphore(%arg17 : memref<!tpu.dma_semaphore, #tpu.memory_space<semaphore_mem>>)
    %dma_start3A_144 = arith.constant 6 : i32
    %dma_start3A_145 = arith.constant 6 : i32
    %dma_start3A_146 = arith.constant 0 : i32
    %dma_start3A_147 = arith.constant 0 : i32
    %dma_start3A_148 = tpu.memref_slice %arg6[%dma_start3A_145, %dma_start3A_146, %dma_start3A_147] : memref<10x80x128xf32, #tpu.memory_space<vmem>> -> memref<1x80x128xf32, #tpu.memory_space<vmem>>
    %dma_start3A_149 = tpu.memref_squeeze %dma_start3A_148 : memref<1x80x128xf32, #tpu.memory_space<vmem>> -> memref<80x128xf32, #tpu.memory_space<vmem>>
    %dma_start3A_150 = arith.constant 0 : i32
    %dma_start3A_151 = tpu.memref_slice %arg5[%dma_start3A_144, %dma_start3A_150] : memref<125x80xi32, #tpu.memory_space<vmem>> -> memref<1x80xi32, #tpu.memory_space<vmem>>
    %dma_start3A_152 = tpu.memref_squeeze %dma_start3A_151 : memref<1x80xi32, #tpu.memory_space<vmem>> -> memref<80xi32, #tpu.memory_space<vmem>>
    %dma_start3A_153 = arith.constant 0 : i32
    %dma_start3A_154 = arith.constant 0 : i32
    %dma_start3A_155 = tpu.memref_slice %arg3[%select_n3A, %dma_start3A_153, %dma_start3A_154] : memref<2x10000x128xf32, #tpu.memory_space<hbm>> -> memref<1x10000x128xf32, #tpu.memory_space<hbm>>
    %dma_start3A_156 = tpu.memref_squeeze %dma_start3A_155 : memref<1x10000x128xf32, #tpu.memory_space<hbm>> -> memref<10000x128xf32, #tpu.memory_space<hbm>>
    %dma_start3A_157 = arith.constant 0 : i32
    %dma_start3A_158 = arith.constant 0 : i32
    %dma_start3A_159 = tpu.memref_slice %dma_start3A_156[%dma_start3A_157, %dma_start3A_158] : memref<10000x128xf32, #tpu.memory_space<hbm>> -> memref<10000x128xf32, #tpu.memory_space<hbm>>
    tpu.enqueue_indirect_dma source(%dma_start3A_159 : memref<10000x128xf32, #tpu.memory_space<hbm>>) target(%dma_start3A_149 : memref<80x128xf32, #tpu.memory_space<vmem>>) offsets(%dma_start3A_152 : memref<80xi32, #tpu.memory_space<vmem>>) semaphore(%arg13 : memref<!tpu.dma_semaphore, #tpu.memory_space<semaphore_mem>>)
    %dma_wait3A_160 = arith.constant 0 : i32
    %dma_wait3A_161 = arith.constant 1 : i32
    %dma_wait3A_162 = arith.constant 0 : i32
    %dma_wait3A_163 = arith.constant 0 : i32
    %dma_wait3A_164 = tpu.memref_slice %arg6[%dma_wait3A_161, %dma_wait3A_162, %dma_wait3A_163] : memref<10x80x128xf32, #tpu.memory_space<vmem>> -> memref<1x80x128xf32, #tpu.memory_space<vmem>>
    %dma_wait3A_165 = tpu.memref_squeeze %dma_wait3A_164 : memref<1x80x128xf32, #tpu.memory_space<vmem>> -> memref<80x128xf32, #tpu.memory_space<vmem>>
    %dma_wait3A_166 = arith.constant 0 : i32
    %dma_wait3A_167 = tpu.memref_slice %arg5[%dma_wait3A_160, %dma_wait3A_166] : memref<125x80xi32, #tpu.memory_space<vmem>> -> memref<1x80xi32, #tpu.memory_space<vmem>>
    %dma_wait3A_168 = tpu.memref_squeeze %dma_wait3A_167 : memref<1x80xi32, #tpu.memory_space<vmem>> -> memref<80xi32, #tpu.memory_space<vmem>>
    %dma_wait3A_169 = arith.constant 0 : i32
    %dma_wait3A_170 = arith.constant 0 : i32
    %dma_wait3A_171 = tpu.memref_slice %arg3[%select_n3A, %dma_wait3A_169, %dma_wait3A_170] : memref<2x10000x128xf32, #tpu.memory_space<hbm>> -> memref<1x10000x128xf32, #tpu.memory_space<hbm>>
    %dma_wait3A_172 = tpu.memref_squeeze %dma_wait3A_171 : memref<1x10000x128xf32, #tpu.memory_space<hbm>> -> memref<10000x128xf32, #tpu.memory_space<hbm>>
    %dma_wait3A_173 = arith.constant 0 : i32
    %dma_wait3A_174 = arith.constant 0 : i32
    %dma_wait3A_175 = tpu.memref_slice %dma_wait3A_172[%dma_wait3A_173, %dma_wait3A_174] : memref<10000x128xf32, #tpu.memory_space<hbm>> -> memref<10000x128xf32, #tpu.memory_space<hbm>>
    tpu.wait_indirect_dma semaphore(%arg8 : memref<!tpu.dma_semaphore, #tpu.memory_space<semaphore_mem>>) src(%dma_wait3A_175 : memref<10000x128xf32, #tpu.memory_space<hbm>>) dst(%dma_wait3A_165 : memref<80x128xf32, #tpu.memory_space<vmem>>)
    %add3A_176 = arith.constant 80 : i32
    %add3A_177 = arith.addi %mul3A_2, %add3A_176 : i32
    %dma_start3A_178 = arith.constant 1 : i32
    %dma_start3A_179 = arith.constant 0 : i32
    %dma_start3A_180 = arith.constant 0 : i32
    %dma_start3A_181 = tpu.memref_slice %arg6[%dma_start3A_178, %dma_start3A_179, %dma_start3A_180] : memref<10x80x128xf32, #tpu.memory_space<vmem>> -> memref<1x80x128xf32, #tpu.memory_space<vmem>>
    %dma_start3A_182 = tpu.memref_squeeze %dma_start3A_181 : memref<1x80x128xf32, #tpu.memory_space<vmem>> -> memref<80x128xf32, #tpu.memory_space<vmem>>
    %dma_start3A_183 = arith.constant 0 : i32
    %dma_start3A_184 = tpu.memref_slice %arg4[%add3A_177, %dma_start3A_183] : memref<320000x128xf32, #tpu.memory_space<hbm>> -> memref<80x128xf32, #tpu.memory_space<hbm>>
    %dma_start3A_185 = arith.constant 0 : i32
    %dma_start3A_186 = tpu.memref_slice %arg4[%add3A_177, %dma_start3A_185] : memref<320000x128xf32, #tpu.memory_space<hbm>> -> memref<80x128xf32, #tpu.memory_space<hbm>>
    %dma_start3A_187 = arith.constant 0 : i32
    %dma_start3A_188 = arith.constant 0 : i32
    %dma_start3A_189 = tpu.memref_slice %arg6[%dma_start3A_178, %dma_start3A_187, %dma_start3A_188] : memref<10x80x128xf32, #tpu.memory_space<vmem>> -> memref<1x80x128xf32, #tpu.memory_space<vmem>>
    %dma_start3A_190 = tpu.memref_squeeze %dma_start3A_189 : memref<1x80x128xf32, #tpu.memory_space<vmem>> -> memref<80x128xf32, #tpu.memory_space<vmem>>
    tpu.enqueue_dma source(%dma_start3A_190 : memref<80x128xf32, #tpu.memory_space<vmem>>) target(%dma_start3A_186 : memref<80x128xf32, #tpu.memory_space<hbm>>) target_semaphore(%arg18 : memref<!tpu.dma_semaphore, #tpu.memory_space<semaphore_mem>>)
    %dma_start3A_191 = arith.constant 7 : i32
    %dma_start3A_192 = arith.constant 7 : i32
    %dma_start3A_193 = arith.constant 0 : i32
    %dma_start3A_194 = arith.constant 0 : i32
    %dma_start3A_195 = tpu.memref_slice %arg6[%dma_start3A_192, %dma_start3A_193, %dma_start3A_194] : memref<10x80x128xf32, #tpu.memory_space<vmem>> -> memref<1x80x128xf32, #tpu.memory_space<vmem>>
    %dma_start3A_196 = tpu.memref_squeeze %dma_start3A_195 : memref<1x80x128xf32, #tpu.memory_space<vmem>> -> memref<80x128xf32, #tpu.memory_space<vmem>>
    %dma_start3A_197 = arith.constant 0 : i32
    %dma_start3A_198 = tpu.memref_slice %arg5[%dma_start3A_191, %dma_start3A_197] : memref<125x80xi32, #tpu.memory_space<vmem>> -> memref<1x80xi32, #tpu.memory_space<vmem>>
    %dma_start3A_199 = tpu.memref_squeeze %dma_start3A_198 : memref<1x80xi32, #tpu.memory_space<vmem>> -> memref<80xi32, #tpu.memory_space<vmem>>
    %dma_start3A_200 = arith.constant 0 : i32
    %dma_start3A_201 = arith.constant 0 : i32
    %dma_start3A_202 = tpu.memref_slice %arg3[%select_n3A, %dma_start3A_200, %dma_start3A_201] : memref<2x10000x128xf32, #tpu.memory_space<hbm>> -> memref<1x10000x128xf32, #tpu.memory_space<hbm>>
    %dma_start3A_203 = tpu.memref_squeeze %dma_start3A_202 : memref<1x10000x128xf32, #tpu.memory_space<hbm>> -> memref<10000x128xf32, #tpu.memory_space<hbm>>
    %dma_start3A_204 = arith.constant 0 : i32
    %dma_start3A_205 = arith.constant 0 : i32
    %dma_start3A_206 = tpu.memref_slice %dma_start3A_203[%dma_start3A_204, %dma_start3A_205] : memref<10000x128xf32, #tpu.memory_space<hbm>> -> memref<10000x128xf32, #tpu.memory_space<hbm>>
    tpu.enqueue_indirect_dma source(%dma_start3A_206 : memref<10000x128xf32, #tpu.memory_space<hbm>>) target(%dma_start3A_196 : memref<80x128xf32, #tpu.memory_space<vmem>>) offsets(%dma_start3A_199 : memref<80xi32, #tpu.memory_space<vmem>>) semaphore(%arg14 : memref<!tpu.dma_semaphore, #tpu.memory_space<semaphore_mem>>)
    %dma_wait3A_207 = arith.constant 0 : i32
    %dma_wait3A_208 = arith.constant 2 : i32
    %dma_wait3A_209 = arith.constant 0 : i32
    %dma_wait3A_210 = arith.constant 0 : i32
    %dma_wait3A_211 = tpu.memref_slice %arg6[%dma_wait3A_208, %dma_wait3A_209, %dma_wait3A_210] : memref<10x80x128xf32, #tpu.memory_space<vmem>> -> memref<1x80x128xf32, #tpu.memory_space<vmem>>
    %dma_wait3A_212 = tpu.memref_squeeze %dma_wait3A_211 : memref<1x80x128xf32, #tpu.memory_space<vmem>> -> memref<80x128xf32, #tpu.memory_space<vmem>>
    %dma_wait3A_213 = arith.constant 0 : i32
    %dma_wait3A_214 = tpu.memref_slice %arg5[%dma_wait3A_207, %dma_wait3A_213] : memref<125x80xi32, #tpu.memory_space<vmem>> -> memref<1x80xi32, #tpu.memory_space<vmem>>
    %dma_wait3A_215 = tpu.memref_squeeze %dma_wait3A_214 : memref<1x80xi32, #tpu.memory_space<vmem>> -> memref<80xi32, #tpu.memory_space<vmem>>
    %dma_wait3A_216 = arith.constant 0 : i32
    %dma_wait3A_217 = arith.constant 0 : i32
    %dma_wait3A_218 = tpu.memref_slice %arg3[%select_n3A, %dma_wait3A_216, %dma_wait3A_217] : memref<2x10000x128xf32, #tpu.memory_space<hbm>> -> memref<1x10000x128xf32, #tpu.memory_space<hbm>>
    %dma_wait3A_219 = tpu.memref_squeeze %dma_wait3A_218 : memref<1x10000x128xf32, #tpu.memory_space<hbm>> -> memref<10000x128xf32, #tpu.memory_space<hbm>>
    %dma_wait3A_220 = arith.constant 0 : i32
    %dma_wait3A_221 = arith.constant 0 : i32
    %dma_wait3A_222 = tpu.memref_slice %dma_wait3A_219[%dma_wait3A_220, %dma_wait3A_221] : memref<10000x128xf32, #tpu.memory_space<hbm>> -> memref<10000x128xf32, #tpu.memory_space<hbm>>
    tpu.wait_indirect_dma semaphore(%arg9 : memref<!tpu.dma_semaphore, #tpu.memory_space<semaphore_mem>>) src(%dma_wait3A_222 : memref<10000x128xf32, #tpu.memory_space<hbm>>) dst(%dma_wait3A_212 : memref<80x128xf32, #tpu.memory_space<vmem>>)
    %add3A_223 = arith.constant 160 : i32
    %add3A_224 = arith.addi %mul3A_2, %add3A_223 : i32
    %dma_start3A_225 = arith.constant 2 : i32
    %dma_start3A_226 = arith.constant 0 : i32
    %dma_start3A_227 = arith.constant 0 : i32
    %dma_start3A_228 = tpu.memref_slice %arg6[%dma_start3A_225, %dma_start3A_226, %dma_start3A_227] : memref<10x80x128xf32, #tpu.memory_space<vmem>> -> memref<1x80x128xf32, #tpu.memory_space<vmem>>
    %dma_start3A_229 = tpu.memref_squeeze %dma_start3A_228 : memref<1x80x128xf32, #tpu.memory_space<vmem>> -> memref<80x128xf32, #tpu.memory_space<vmem>>
    %dma_start3A_230 = arith.constant 0 : i32
    %dma_start3A_231 = tpu.memref_slice %arg4[%add3A_224, %dma_start3A_230] : memref<320000x128xf32, #tpu.memory_space<hbm>> -> memref<80x128xf32, #tpu.memory_space<hbm>>
    %dma_start3A_232 = arith.constant 0 : i32
    %dma_start3A_233 = tpu.memref_slice %arg4[%add3A_224, %dma_start3A_232] : memref<320000x128xf32, #tpu.memory_space<hbm>> -> memref<80x128xf32, #tpu.memory_space<hbm>>
    %dma_start3A_234 = arith.constant 0 : i32
    %dma_start3A_235 = arith.constant 0 : i32
    %dma_start3A_236 = tpu.memref_slice %arg6[%dma_start3A_225, %dma_start3A_234, %dma_start3A_235] : memref<10x80x128xf32, #tpu.memory_space<vmem>> -> memref<1x80x128xf32, #tpu.memory_space<vmem>>
    %dma_start3A_237 = tpu.memref_squeeze %dma_start3A_236 : memref<1x80x128xf32, #tpu.memory_space<vmem>> -> memref<80x128xf32, #tpu.memory_space<vmem>>
    tpu.enqueue_dma source(%dma_start3A_237 : memref<80x128xf32, #tpu.memory_space<vmem>>) target(%dma_start3A_233 : memref<80x128xf32, #tpu.memory_space<hbm>>) target_semaphore(%arg19 : memref<!tpu.dma_semaphore, #tpu.memory_space<semaphore_mem>>)
    %dma_start3A_238 = arith.constant 8 : i32
    %dma_start3A_239 = arith.constant 8 : i32
    %dma_start3A_240 = arith.constant 0 : i32
    %dma_start3A_241 = arith.constant 0 : i32
    %dma_start3A_242 = tpu.memref_slice %arg6[%dma_start3A_239, %dma_start3A_240, %dma_start3A_241] : memref<10x80x128xf32, #tpu.memory_space<vmem>> -> memref<1x80x128xf32, #tpu.memory_space<vmem>>
    %dma_start3A_243 = tpu.memref_squeeze %dma_start3A_242 : memref<1x80x128xf32, #tpu.memory_space<vmem>> -> memref<80x128xf32, #tpu.memory_space<vmem>>
    %dma_start3A_244 = arith.constant 0 : i32
    %dma_start3A_245 = tpu.memref_slice %arg5[%dma_start3A_238, %dma_start3A_244] : memref<125x80xi32, #tpu.memory_space<vmem>> -> memref<1x80xi32, #tpu.memory_space<vmem>>
    %dma_start3A_246 = tpu.memref_squeeze %dma_start3A_245 : memref<1x80xi32, #tpu.memory_space<vmem>> -> memref<80xi32, #tpu.memory_space<vmem>>
    %dma_start3A_247 = arith.constant 0 : i32
    %dma_start3A_248 = arith.constant 0 : i32
    %dma_start3A_249 = tpu.memref_slice %arg3[%select_n3A, %dma_start3A_247, %dma_start3A_248] : memref<2x10000x128xf32, #tpu.memory_space<hbm>> -> memref<1x10000x128xf32, #tpu.memory_space<hbm>>
    %dma_start3A_250 = tpu.memref_squeeze %dma_start3A_249 : memref<1x10000x128xf32, #tpu.memory_space<hbm>> -> memref<10000x128xf32, #tpu.memory_space<hbm>>
    %dma_start3A_251 = arith.constant 0 : i32
    %dma_start3A_252 = arith.constant 0 : i32
    %dma_start3A_253 = tpu.memref_slice %dma_start3A_250[%dma_start3A_251, %dma_start3A_252] : memref<10000x128xf32, #tpu.memory_space<hbm>> -> memref<10000x128xf32, #tpu.memory_space<hbm>>
    tpu.enqueue_indirect_dma source(%dma_start3A_253 : memref<10000x128xf32, #tpu.memory_space<hbm>>) target(%dma_start3A_243 : memref<80x128xf32, #tpu.memory_space<vmem>>) offsets(%dma_start3A_246 : memref<80xi32, #tpu.memory_space<vmem>>) semaphore(%arg15 : memref<!tpu.dma_semaphore, #tpu.memory_space<semaphore_mem>>)
    %dma_wait3A_254 = arith.constant 0 : i32
    %dma_wait3A_255 = arith.constant 3 : i32
    %dma_wait3A_256 = arith.constant 0 : i32
    %dma_wait3A_257 = arith.constant 0 : i32
    %dma_wait3A_258 = tpu.memref_slice %arg6[%dma_wait3A_255, %dma_wait3A_256, %dma_wait3A_257] : memref<10x80x128xf32, #tpu.memory_space<vmem>> -> memref<1x80x128xf32, #tpu.memory_space<vmem>>
    %dma_wait3A_259 = tpu.memref_squeeze %dma_wait3A_258 : memref<1x80x128xf32, #tpu.memory_space<vmem>> -> memref<80x128xf32, #tpu.memory_space<vmem>>
    %dma_wait3A_260 = arith.constant 0 : i32
    %dma_wait3A_261 = tpu.memref_slice %arg5[%dma_wait3A_254, %dma_wait3A_260] : memref<125x80xi32, #tpu.memory_space<vmem>> -> memref<1x80xi32, #tpu.memory_space<vmem>>
    %dma_wait3A_262 = tpu.memref_squeeze %dma_wait3A_261 : memref<1x80xi32, #tpu.memory_space<vmem>> -> memref<80xi32, #tpu.memory_space<vmem>>
    %dma_wait3A_263 = arith.constant 0 : i32
    %dma_wait3A_264 = arith.constant 0 : i32
    %dma_wait3A_265 = tpu.memref_slice %arg3[%select_n3A, %dma_wait3A_263, %dma_wait3A_264] : memref<2x10000x128xf32, #tpu.memory_space<hbm>> -> memref<1x10000x128xf32, #tpu.memory_space<hbm>>
    %dma_wait3A_266 = tpu.memref_squeeze %dma_wait3A_265 : memref<1x10000x128xf32, #tpu.memory_space<hbm>> -> memref<10000x128xf32, #tpu.memory_space<hbm>>
    %dma_wait3A_267 = arith.constant 0 : i32
    %dma_wait3A_268 = arith.constant 0 : i32
    %dma_wait3A_269 = tpu.memref_slice %dma_wait3A_266[%dma_wait3A_267, %dma_wait3A_268] : memref<10000x128xf32, #tpu.memory_space<hbm>> -> memref<10000x128xf32, #tpu.memory_space<hbm>>
    tpu.wait_indirect_dma semaphore(%arg10 : memref<!tpu.dma_semaphore, #tpu.memory_space<semaphore_mem>>) src(%dma_wait3A_269 : memref<10000x128xf32, #tpu.memory_space<hbm>>) dst(%dma_wait3A_259 : memref<80x128xf32, #tpu.memory_space<vmem>>)
    %add3A_270 = arith.constant 240 : i32
    %add3A_271 = arith.addi %mul3A_2, %add3A_270 : i32
    %dma_start3A_272 = arith.constant 3 : i32
    %dma_start3A_273 = arith.constant 0 : i32
    %dma_start3A_274 = arith.constant 0 : i32
    %dma_start3A_275 = tpu.memref_slice %arg6[%dma_start3A_272, %dma_start3A_273, %dma_start3A_274] : memref<10x80x128xf32, #tpu.memory_space<vmem>> -> memref<1x80x128xf32, #tpu.memory_space<vmem>>
    %dma_start3A_276 = tpu.memref_squeeze %dma_start3A_275 : memref<1x80x128xf32, #tpu.memory_space<vmem>> -> memref<80x128xf32, #tpu.memory_space<vmem>>
    %dma_start3A_277 = arith.constant 0 : i32
    %dma_start3A_278 = tpu.memref_slice %arg4[%add3A_271, %dma_start3A_277] : memref<320000x128xf32, #tpu.memory_space<hbm>> -> memref<80x128xf32, #tpu.memory_space<hbm>>
    %dma_start3A_279 = arith.constant 0 : i32
    %dma_start3A_280 = tpu.memref_slice %arg4[%add3A_271, %dma_start3A_279] : memref<320000x128xf32, #tpu.memory_space<hbm>> -> memref<80x128xf32, #tpu.memory_space<hbm>>
    %dma_start3A_281 = arith.constant 0 : i32
    %dma_start3A_282 = arith.constant 0 : i32
    %dma_start3A_283 = tpu.memref_slice %arg6[%dma_start3A_272, %dma_start3A_281, %dma_start3A_282] : memref<10x80x128xf32, #tpu.memory_space<vmem>> -> memref<1x80x128xf32, #tpu.memory_space<vmem>>
    %dma_start3A_284 = tpu.memref_squeeze %dma_start3A_283 : memref<1x80x128xf32, #tpu.memory_space<vmem>> -> memref<80x128xf32, #tpu.memory_space<vmem>>
    tpu.enqueue_dma source(%dma_start3A_284 : memref<80x128xf32, #tpu.memory_space<vmem>>) target(%dma_start3A_280 : memref<80x128xf32, #tpu.memory_space<hbm>>) target_semaphore(%arg20 : memref<!tpu.dma_semaphore, #tpu.memory_space<semaphore_mem>>)
    %dma_start3A_285 = arith.constant 9 : i32
    %dma_start3A_286 = arith.constant 9 : i32
    %dma_start3A_287 = arith.constant 0 : i32
    %dma_start3A_288 = arith.constant 0 : i32
    %dma_start3A_289 = tpu.memref_slice %arg6[%dma_start3A_286, %dma_start3A_287, %dma_start3A_288] : memref<10x80x128xf32, #tpu.memory_space<vmem>> -> memref<1x80x128xf32, #tpu.memory_space<vmem>>
    %dma_start3A_290 = tpu.memref_squeeze %dma_start3A_289 : memref<1x80x128xf32, #tpu.memory_space<vmem>> -> memref<80x128xf32, #tpu.memory_space<vmem>>
    %dma_start3A_291 = arith.constant 0 : i32
    %dma_start3A_292 = tpu.memref_slice %arg5[%dma_start3A_285, %dma_start3A_291] : memref<125x80xi32, #tpu.memory_space<vmem>> -> memref<1x80xi32, #tpu.memory_space<vmem>>
    %dma_start3A_293 = tpu.memref_squeeze %dma_start3A_292 : memref<1x80xi32, #tpu.memory_space<vmem>> -> memref<80xi32, #tpu.memory_space<vmem>>
    %dma_start3A_294 = arith.constant 0 : i32
    %dma_start3A_295 = arith.constant 0 : i32
    %dma_start3A_296 = tpu.memref_slice %arg3[%select_n3A, %dma_start3A_294, %dma_start3A_295] : memref<2x10000x128xf32, #tpu.memory_space<hbm>> -> memref<1x10000x128xf32, #tpu.memory_space<hbm>>
    %dma_start3A_297 = tpu.memref_squeeze %dma_start3A_296 : memref<1x10000x128xf32, #tpu.memory_space<hbm>> -> memref<10000x128xf32, #tpu.memory_space<hbm>>
    %dma_start3A_298 = arith.constant 0 : i32
    %dma_start3A_299 = arith.constant 0 : i32
    %dma_start3A_300 = tpu.memref_slice %dma_start3A_297[%dma_start3A_298, %dma_start3A_299] : memref<10000x128xf32, #tpu.memory_space<hbm>> -> memref<10000x128xf32, #tpu.memory_space<hbm>>
    tpu.enqueue_indirect_dma source(%dma_start3A_300 : memref<10000x128xf32, #tpu.memory_space<hbm>>) target(%dma_start3A_290 : memref<80x128xf32, #tpu.memory_space<vmem>>) offsets(%dma_start3A_293 : memref<80xi32, #tpu.memory_space<vmem>>) semaphore(%arg16 : memref<!tpu.dma_semaphore, #tpu.memory_space<semaphore_mem>>)
    %dma_wait3A_301 = arith.constant 0 : i32
    %dma_wait3A_302 = arith.constant 4 : i32
    %dma_wait3A_303 = arith.constant 0 : i32
    %dma_wait3A_304 = arith.constant 0 : i32
    %dma_wait3A_305 = tpu.memref_slice %arg6[%dma_wait3A_302, %dma_wait3A_303, %dma_wait3A_304] : memref<10x80x128xf32, #tpu.memory_space<vmem>> -> memref<1x80x128xf32, #tpu.memory_space<vmem>>
    %dma_wait3A_306 = tpu.memref_squeeze %dma_wait3A_305 : memref<1x80x128xf32, #tpu.memory_space<vmem>> -> memref<80x128xf32, #tpu.memory_space<vmem>>
    %dma_wait3A_307 = arith.constant 0 : i32
    %dma_wait3A_308 = tpu.memref_slice %arg5[%dma_wait3A_301, %dma_wait3A_307] : memref<125x80xi32, #tpu.memory_space<vmem>> -> memref<1x80xi32, #tpu.memory_space<vmem>>
    %dma_wait3A_309 = tpu.memref_squeeze %dma_wait3A_308 : memref<1x80xi32, #tpu.memory_space<vmem>> -> memref<80xi32, #tpu.memory_space<vmem>>
    %dma_wait3A_310 = arith.constant 0 : i32
    %dma_wait3A_311 = arith.constant 0 : i32
    %dma_wait3A_312 = tpu.memref_slice %arg3[%select_n3A, %dma_wait3A_310, %dma_wait3A_311] : memref<2x10000x128xf32, #tpu.memory_space<hbm>> -> memref<1x10000x128xf32, #tpu.memory_space<hbm>>
    %dma_wait3A_313 = tpu.memref_squeeze %dma_wait3A_312 : memref<1x10000x128xf32, #tpu.memory_space<hbm>> -> memref<10000x128xf32, #tpu.memory_space<hbm>>
    %dma_wait3A_314 = arith.constant 0 : i32
    %dma_wait3A_315 = arith.constant 0 : i32
    %dma_wait3A_316 = tpu.memref_slice %dma_wait3A_313[%dma_wait3A_314, %dma_wait3A_315] : memref<10000x128xf32, #tpu.memory_space<hbm>> -> memref<10000x128xf32, #tpu.memory_space<hbm>>
    tpu.wait_indirect_dma semaphore(%arg11 : memref<!tpu.dma_semaphore, #tpu.memory_space<semaphore_mem>>) src(%dma_wait3A_316 : memref<10000x128xf32, #tpu.memory_space<hbm>>) dst(%dma_wait3A_306 : memref<80x128xf32, #tpu.memory_space<vmem>>)
    %add3A_317 = arith.constant 320 : i32
    %add3A_318 = arith.addi %mul3A_2, %add3A_317 : i32
    %dma_start3A_319 = arith.constant 4 : i32
    %dma_start3A_320 = arith.constant 0 : i32
    %dma_start3A_321 = arith.constant 0 : i32
    %dma_start3A_322 = tpu.memref_slice %arg6[%dma_start3A_319, %dma_start3A_320, %dma_start3A_321] : memref<10x80x128xf32, #tpu.memory_space<vmem>> -> memref<1x80x128xf32, #tpu.memory_space<vmem>>
    %dma_start3A_323 = tpu.memref_squeeze %dma_start3A_322 : memref<1x80x128xf32, #tpu.memory_space<vmem>> -> memref<80x128xf32, #tpu.memory_space<vmem>>
    %dma_start3A_324 = arith.constant 0 : i32
    %dma_start3A_325 = tpu.memref_slice %arg4[%add3A_318, %dma_start3A_324] : memref<320000x128xf32, #tpu.memory_space<hbm>> -> memref<80x128xf32, #tpu.memory_space<hbm>>
    %dma_start3A_326 = arith.constant 0 : i32
    %dma_start3A_327 = tpu.memref_slice %arg4[%add3A_318, %dma_start3A_326] : memref<320000x128xf32, #tpu.memory_space<hbm>> -> memref<80x128xf32, #tpu.memory_space<hbm>>
    %dma_start3A_328 = arith.constant 0 : i32
    %dma_start3A_329 = arith.constant 0 : i32
    %dma_start3A_330 = tpu.memref_slice %arg6[%dma_start3A_319, %dma_start3A_328, %dma_start3A_329] : memref<10x80x128xf32, #tpu.memory_space<vmem>> -> memref<1x80x128xf32, #tpu.memory_space<vmem>>
    %dma_start3A_331 = tpu.memref_squeeze %dma_start3A_330 : memref<1x80x128xf32, #tpu.memory_space<vmem>> -> memref<80x128xf32, #tpu.memory_space<vmem>>
    tpu.enqueue_dma source(%dma_start3A_331 : memref<80x128xf32, #tpu.memory_space<vmem>>) target(%dma_start3A_327 : memref<80x128xf32, #tpu.memory_space<hbm>>) target_semaphore(%arg21 : memref<!tpu.dma_semaphore, #tpu.memory_space<semaphore_mem>>)
    %dma_wait3A_332 = arith.constant 0 : i32
    %dma_wait3A_333 = arith.constant 0 : i32
    %dma_wait3A_334 = arith.constant 0 : i32
    %dma_wait3A_335 = tpu.memref_slice %arg6[%dma_wait3A_332, %dma_wait3A_333, %dma_wait3A_334] : memref<10x80x128xf32, #tpu.memory_space<vmem>> -> memref<1x80x128xf32, #tpu.memory_space<vmem>>
    %dma_wait3A_336 = tpu.memref_squeeze %dma_wait3A_335 : memref<1x80x128xf32, #tpu.memory_space<vmem>> -> memref<80x128xf32, #tpu.memory_space<vmem>>
    %dma_wait3A_337 = arith.constant 0 : i32
    %dma_wait3A_338 = tpu.memref_slice %arg4[%mul3A_2, %dma_wait3A_337] : memref<320000x128xf32, #tpu.memory_space<hbm>> -> memref<80x128xf32, #tpu.memory_space<hbm>>
    %dma_wait3A_339 = arith.constant 0 : i32
    %dma_wait3A_340 = tpu.memref_slice %arg4[%mul3A_2, %dma_wait3A_339] : memref<320000x128xf32, #tpu.memory_space<hbm>> -> memref<80x128xf32, #tpu.memory_space<hbm>>
    %dma_wait3A_341 = arith.constant 0 : i32
    %dma_wait3A_342 = arith.constant 0 : i32
    %dma_wait3A_343 = tpu.memref_slice %arg6[%dma_wait3A_332, %dma_wait3A_341, %dma_wait3A_342] : memref<10x80x128xf32, #tpu.memory_space<vmem>> -> memref<1x80x128xf32, #tpu.memory_space<vmem>>
    %dma_wait3A_344 = tpu.memref_squeeze %dma_wait3A_343 : memref<1x80x128xf32, #tpu.memory_space<vmem>> -> memref<80x128xf32, #tpu.memory_space<vmem>>
    tpu.wait_dma2 semaphore(%arg17 : memref<!tpu.dma_semaphore, #tpu.memory_space<semaphore_mem>>) src(%dma_wait3A_344 : memref<80x128xf32, #tpu.memory_space<vmem>>) dst(%dma_wait3A_340 : memref<80x128xf32, #tpu.memory_space<hbm>>)
    %dma_start3A_345 = arith.constant 10 : i32
    %dma_start3A_346 = arith.constant 0 : i32
    %dma_start3A_347 = arith.constant 0 : i32
    %dma_start3A_348 = arith.constant 0 : i32
    %dma_start3A_349 = tpu.memref_slice %arg6[%dma_start3A_346, %dma_start3A_347, %dma_start3A_348] : memref<10x80x128xf32, #tpu.memory_space<vmem>> -> memref<1x80x128xf32, #tpu.memory_space<vmem>>
    %dma_start3A_350 = tpu.memref_squeeze %dma_start3A_349 : memref<1x80x128xf32, #tpu.memory_space<vmem>> -> memref<80x128xf32, #tpu.memory_space<vmem>>
    %dma_start3A_351 = arith.constant 0 : i32
    %dma_start3A_352 = tpu.memref_slice %arg5[%dma_start3A_345, %dma_start3A_351] : memref<125x80xi32, #tpu.memory_space<vmem>> -> memref<1x80xi32, #tpu.memory_space<vmem>>
    %dma_start3A_353 = tpu.memref_squeeze %dma_start3A_352 : memref<1x80xi32, #tpu.memory_space<vmem>> -> memref<80xi32, #tpu.memory_space<vmem>>
    %dma_start3A_354 = arith.constant 0 : i32
    %dma_start3A_355 = arith.constant 0 : i32
    %dma_start3A_356 = tpu.memref_slice %arg3[%select_n3A, %dma_start3A_354, %dma_start3A_355] : memref<2x10000x128xf32, #tpu.memory_space<hbm>> -> memref<1x10000x128xf32, #tpu.memory_space<hbm>>
    %dma_start3A_357 = tpu.memref_squeeze %dma_start3A_356 : memref<1x10000x128xf32, #tpu.memory_space<hbm>> -> memref<10000x128xf32, #tpu.memory_space<hbm>>
    %dma_start3A_358 = arith.constant 0 : i32
    %dma_start3A_359 = arith.constant 0 : i32
    %dma_start3A_360 = tpu.memref_slice %dma_start3A_357[%dma_start3A_358, %dma_start3A_359] : memref<10000x128xf32, #tpu.memory_space<hbm>> -> memref<10000x128xf32, #tpu.memory_space<hbm>>
    tpu.enqueue_indirect_dma source(%dma_start3A_360 : memref<10000x128xf32, #tpu.memory_space<hbm>>) target(%dma_start3A_350 : memref<80x128xf32, #tpu.memory_space<vmem>>) offsets(%dma_start3A_353 : memref<80xi32, #tpu.memory_space<vmem>>) semaphore(%arg7 : memref<!tpu.dma_semaphore, #tpu.memory_space<semaphore_mem>>)
    %dma_wait3A_361 = arith.constant 0 : i32
    %dma_wait3A_362 = arith.constant 5 : i32
    %dma_wait3A_363 = arith.constant 0 : i32
    %dma_wait3A_364 = arith.constant 0 : i32
    %dma_wait3A_365 = tpu.memref_slice %arg6[%dma_wait3A_362, %dma_wait3A_363, %dma_wait3A_364] : memref<10x80x128xf32, #tpu.memory_space<vmem>> -> memref<1x80x128xf32, #tpu.memory_space<vmem>>
    %dma_wait3A_366 = tpu.memref_squeeze %dma_wait3A_365 : memref<1x80x128xf32, #tpu.memory_space<vmem>> -> memref<80x128xf32, #tpu.memory_space<vmem>>
    %dma_wait3A_367 = arith.constant 0 : i32
    %dma_wait3A_368 = tpu.memref_slice %arg5[%dma_wait3A_361, %dma_wait3A_367] : memref<125x80xi32, #tpu.memory_space<vmem>> -> memref<1x80xi32, #tpu.memory_space<vmem>>
    %dma_wait3A_369 = tpu.memref_squeeze %dma_wait3A_368 : memref<1x80xi32, #tpu.memory_space<vmem>> -> memref<80xi32, #tpu.memory_space<vmem>>
    %dma_wait3A_370 = arith.constant 0 : i32
    %dma_wait3A_371 = arith.constant 0 : i32
    %dma_wait3A_372 = tpu.memref_slice %arg3[%select_n3A, %dma_wait3A_370, %dma_wait3A_371] : memref<2x10000x128xf32, #tpu.memory_space<hbm>> -> memref<1x10000x128xf32, #tpu.memory_space<hbm>>
    %dma_wait3A_373 = tpu.memref_squeeze %dma_wait3A_372 : memref<1x10000x128xf32, #tpu.memory_space<hbm>> -> memref<10000x128xf32, #tpu.memory_space<hbm>>
    %dma_wait3A_374 = arith.constant 0 : i32
    %dma_wait3A_375 = arith.constant 0 : i32
    %dma_wait3A_376 = tpu.memref_slice %dma_wait3A_373[%dma_wait3A_374, %dma_wait3A_375] : memref<10000x128xf32, #tpu.memory_space<hbm>> -> memref<10000x128xf32, #tpu.memory_space<hbm>>
    tpu.wait_indirect_dma semaphore(%arg12 : memref<!tpu.dma_semaphore, #tpu.memory_space<semaphore_mem>>) src(%dma_wait3A_376 : memref<10000x128xf32, #tpu.memory_space<hbm>>) dst(%dma_wait3A_366 : memref<80x128xf32, #tpu.memory_space<vmem>>)
    %add3A_377 = arith.constant 400 : i32
    %add3A_378 = arith.addi %mul3A_2, %add3A_377 : i32
    %dma_start3A_379 = arith.constant 5 : i32
    %dma_start3A_380 = arith.constant 0 : i32
    %dma_start3A_381 = arith.constant 0 : i32
    %dma_start3A_382 = tpu.memref_slice %arg6[%dma_start3A_379, %dma_start3A_380, %dma_start3A_381] : memref<10x80x128xf32, #tpu.memory_space<vmem>> -> memref<1x80x128xf32, #tpu.memory_space<vmem>>
    %dma_start3A_383 = tpu.memref_squeeze %dma_start3A_382 : memref<1x80x128xf32, #tpu.memory_space<vmem>> -> memref<80x128xf32, #tpu.memory_space<vmem>>
    %dma_start3A_384 = arith.constant 0 : i32
    %dma_start3A_385 = tpu.memref_slice %arg4[%add3A_378, %dma_start3A_384] : memref<320000x128xf32, #tpu.memory_space<hbm>> -> memref<80x128xf32, #tpu.memory_space<hbm>>
    %dma_start3A_386 = arith.constant 0 : i32
    %dma_start3A_387 = tpu.memref_slice %arg4[%add3A_378, %dma_start3A_386] : memref<320000x128xf32, #tpu.memory_space<hbm>> -> memref<80x128xf32, #tpu.memory_space<hbm>>
    %dma_start3A_388 = arith.constant 0 : i32
    %dma_start3A_389 = arith.constant 0 : i32
    %dma_start3A_390 = tpu.memref_slice %arg6[%dma_start3A_379, %dma_start3A_388, %dma_start3A_389] : memref<10x80x128xf32, #tpu.memory_space<vmem>> -> memref<1x80x128xf32, #tpu.memory_space<vmem>>
    %dma_start3A_391 = tpu.memref_squeeze %dma_start3A_390 : memref<1x80x128xf32, #tpu.memory_space<vmem>> -> memref<80x128xf32, #tpu.memory_space<vmem>>
    tpu.enqueue_dma source(%dma_start3A_391 : memref<80x128xf32, #tpu.memory_space<vmem>>) target(%dma_start3A_387 : memref<80x128xf32, #tpu.memory_space<hbm>>) target_semaphore(%arg22 : memref<!tpu.dma_semaphore, #tpu.memory_space<semaphore_mem>>)
    %dma_wait3A_392 = arith.constant 1 : i32
    %dma_wait3A_393 = arith.constant 0 : i32
    %dma_wait3A_394 = arith.constant 0 : i32
    %dma_wait3A_395 = tpu.memref_slice %arg6[%dma_wait3A_392, %dma_wait3A_393, %dma_wait3A_394] : memref<10x80x128xf32, #tpu.memory_space<vmem>> -> memref<1x80x128xf32, #tpu.memory_space<vmem>>
    %dma_wait3A_396 = tpu.memref_squeeze %dma_wait3A_395 : memref<1x80x128xf32, #tpu.memory_space<vmem>> -> memref<80x128xf32, #tpu.memory_space<vmem>>
    %dma_wait3A_397 = arith.constant 0 : i32
    %dma_wait3A_398 = tpu.memref_slice %arg4[%mul3A_2, %dma_wait3A_397] : memref<320000x128xf32, #tpu.memory_space<hbm>> -> memref<80x128xf32, #tpu.memory_space<hbm>>
    %dma_wait3A_399 = arith.constant 0 : i32
    %dma_wait3A_400 = tpu.memref_slice %arg4[%mul3A_2, %dma_wait3A_399] : memref<320000x128xf32, #tpu.memory_space<hbm>> -> memref<80x128xf32, #tpu.memory_space<hbm>>
    %dma_wait3A_401 = arith.constant 0 : i32
    %dma_wait3A_402 = arith.constant 0 : i32
    %dma_wait3A_403 = tpu.memref_slice %arg6[%dma_wait3A_392, %dma_wait3A_401, %dma_wait3A_402] : memref<10x80x128xf32, #tpu.memory_space<vmem>> -> memref<1x80x128xf32, #tpu.memory_space<vmem>>
    %dma_wait3A_404 = tpu.memref_squeeze %dma_wait3A_403 : memref<1x80x128xf32, #tpu.memory_space<vmem>> -> memref<80x128xf32, #tpu.memory_space<vmem>>
    tpu.wait_dma2 semaphore(%arg18 : memref<!tpu.dma_semaphore, #tpu.memory_space<semaphore_mem>>) src(%dma_wait3A_404 : memref<80x128xf32, #tpu.memory_space<vmem>>) dst(%dma_wait3A_400 : memref<80x128xf32, #tpu.memory_space<hbm>>)
    %dma_start3A_405 = arith.constant 11 : i32
    %dma_start3A_406 = arith.constant 1 : i32
    %dma_start3A_407 = arith.constant 0 : i32
    %dma_start3A_408 = arith.constant 0 : i32
    %dma_start3A_409 = tpu.memref_slice %arg6[%dma_start3A_406, %dma_start3A_407, %dma_start3A_408] : memref<10x80x128xf32, #tpu.memory_space<vmem>> -> memref<1x80x128xf32, #tpu.memory_space<vmem>>
    %dma_start3A_410 = tpu.memref_squeeze %dma_start3A_409 : memref<1x80x128xf32, #tpu.memory_space<vmem>> -> memref<80x128xf32, #tpu.memory_space<vmem>>
    %dma_start3A_411 = arith.constant 0 : i32
    %dma_start3A_412 = tpu.memref_slice %arg5[%dma_start3A_405, %dma_start3A_411] : memref<125x80xi32, #tpu.memory_space<vmem>> -> memref<1x80xi32, #tpu.memory_space<vmem>>
    %dma_start3A_413 = tpu.memref_squeeze %dma_start3A_412 : memref<1x80xi32, #tpu.memory_space<vmem>> -> memref<80xi32, #tpu.memory_space<vmem>>
    %dma_start3A_414 = arith.constant 0 : i32
    %dma_start3A_415 = arith.constant 0 : i32
    %dma_start3A_416 = tpu.memref_slice %arg3[%select_n3A, %dma_start3A_414, %dma_start3A_415] : memref<2x10000x128xf32, #tpu.memory_space<hbm>> -> memref<1x10000x128xf32, #tpu.memory_space<hbm>>
    %dma_start3A_417 = tpu.memref_squeeze %dma_start3A_416 : memref<1x10000x128xf32, #tpu.memory_space<hbm>> -> memref<10000x128xf32, #tpu.memory_space<hbm>>
    %dma_start3A_418 = arith.constant 0 : i32
    %dma_start3A_419 = arith.constant 0 : i32
    %dma_start3A_420 = tpu.memref_slice %dma_start3A_417[%dma_start3A_418, %dma_start3A_419] : memref<10000x128xf32, #tpu.memory_space<hbm>> -> memref<10000x128xf32, #tpu.memory_space<hbm>>
    tpu.enqueue_indirect_dma source(%dma_start3A_420 : memref<10000x128xf32, #tpu.memory_space<hbm>>) target(%dma_start3A_410 : memref<80x128xf32, #tpu.memory_space<vmem>>) offsets(%dma_start3A_413 : memref<80xi32, #tpu.memory_space<vmem>>) semaphore(%arg8 : memref<!tpu.dma_semaphore, #tpu.memory_space<semaphore_mem>>)
    %dma_wait3A_421 = arith.constant 0 : i32
    %dma_wait3A_422 = arith.constant 6 : i32
    %dma_wait3A_423 = arith.constant 0 : i32
    %dma_wait3A_424 = arith.constant 0 : i32
    %dma_wait3A_425 = tpu.memref_slice %arg6[%dma_wait3A_422, %dma_wait3A_423, %dma_wait3A_424] : memref<10x80x128xf32, #tpu.memory_space<vmem>> -> memref<1x80x128xf32, #tpu.memory_space<vmem>>
    %dma_wait3A_426 = tpu.memref_squeeze %dma_wait3A_425 : memref<1x80x128xf32, #tpu.memory_space<vmem>> -> memref<80x128xf32, #tpu.memory_space<vmem>>
    %dma_wait3A_427 = arith.constant 0 : i32
    %dma_wait3A_428 = tpu.memref_slice %arg5[%dma_wait3A_421, %dma_wait3A_427] : memref<125x80xi32, #tpu.memory_space<vmem>> -> memref<1x80xi32, #tpu.memory_space<vmem>>
    %dma_wait3A_429 = tpu.memref_squeeze %dma_wait3A_428 : memref<1x80xi32, #tpu.memory_space<vmem>> -> memref<80xi32, #tpu.memory_space<vmem>>
    %dma_wait3A_430 = arith.constant 0 : i32
    %dma_wait3A_431 = arith.constant 0 : i32
    %dma_wait3A_432 = tpu.memref_slice %arg3[%select_n3A, %dma_wait3A_430, %dma_wait3A_431] : memref<2x10000x128xf32, #tpu.memory_space<hbm>> -> memref<1x10000x128xf32, #tpu.memory_space<hbm>>
    %dma_wait3A_433 = tpu.memref_squeeze %dma_wait3A_432 : memref<1x10000x128xf32, #tpu.memory_space<hbm>> -> memref<10000x128xf32, #tpu.memory_space<hbm>>
    %dma_wait3A_434 = arith.constant 0 : i32
    %dma_wait3A_435 = arith.constant 0 : i32
    %dma_wait3A_436 = tpu.memref_slice %dma_wait3A_433[%dma_wait3A_434, %dma_wait3A_435] : memref<10000x128xf32, #tpu.memory_space<hbm>> -> memref<10000x128xf32, #tpu.memory_space<hbm>>
    tpu.wait_indirect_dma semaphore(%arg13 : memref<!tpu.dma_semaphore, #tpu.memory_space<semaphore_mem>>) src(%dma_wait3A_436 : memref<10000x128xf32, #tpu.memory_space<hbm>>) dst(%dma_wait3A_426 : memref<80x128xf32, #tpu.memory_space<vmem>>)
    %add3A_437 = arith.constant 480 : i32
    %add3A_438 = arith.addi %mul3A_2, %add3A_437 : i32
    %dma_start3A_439 = arith.constant 6 : i32
    %dma_start3A_440 = arith.constant 0 : i32
    %dma_start3A_441 = arith.constant 0 : i32
    %dma_start3A_442 = tpu.memref_slice %arg6[%dma_start3A_439, %dma_start3A_440, %dma_start3A_441] : memref<10x80x128xf32, #tpu.memory_space<vmem>> -> memref<1x80x128xf32, #tpu.memory_space<vmem>>
    %dma_start3A_443 = tpu.memref_squeeze %dma_start3A_442 : memref<1x80x128xf32, #tpu.memory_space<vmem>> -> memref<80x128xf32, #tpu.memory_space<vmem>>
    %dma_start3A_444 = arith.constant 0 : i32
    %dma_start3A_445 = tpu.memref_slice %arg4[%add3A_438, %dma_start3A_444] : memref<320000x128xf32, #tpu.memory_space<hbm>> -> memref<80x128xf32, #tpu.memory_space<hbm>>
    %dma_start3A_446 = arith.constant 0 : i32
    %dma_start3A_447 = tpu.memref_slice %arg4[%add3A_438, %dma_start3A_446] : memref<320000x128xf32, #tpu.memory_space<hbm>> -> memref<80x128xf32, #tpu.memory_space<hbm>>
    %dma_start3A_448 = arith.constant 0 : i32
    %dma_start3A_449 = arith.constant 0 : i32
    %dma_start3A_450 = tpu.memref_slice %arg6[%dma_start3A_439, %dma_start3A_448, %dma_start3A_449] : memref<10x80x128xf32, #tpu.memory_space<vmem>> -> memref<1x80x128xf32, #tpu.memory_space<vmem>>
    %dma_start3A_451 = tpu.memref_squeeze %dma_start3A_450 : memref<1x80x128xf32, #tpu.memory_space<vmem>> -> memref<80x128xf32, #tpu.memory_space<vmem>>
    tpu.enqueue_dma source(%dma_start3A_451 : memref<80x128xf32, #tpu.memory_space<vmem>>) target(%dma_start3A_447 : memref<80x128xf32, #tpu.memory_space<hbm>>) target_semaphore(%arg23 : memref<!tpu.dma_semaphore, #tpu.memory_space<semaphore_mem>>)
    %dma_wait3A_452 = arith.constant 2 : i32
    %dma_wait3A_453 = arith.constant 0 : i32
    %dma_wait3A_454 = arith.constant 0 : i32
    %dma_wait3A_455 = tpu.memref_slice %arg6[%dma_wait3A_452, %dma_wait3A_453, %dma_wait3A_454] : memref<10x80x128xf32, #tpu.memory_space<vmem>> -> memref<1x80x128xf32, #tpu.memory_space<vmem>>
    %dma_wait3A_456 = tpu.memref_squeeze %dma_wait3A_455 : memref<1x80x128xf32, #tpu.memory_space<vmem>> -> memref<80x128xf32, #tpu.memory_space<vmem>>
    %dma_wait3A_457 = arith.constant 0 : i32
    %dma_wait3A_458 = tpu.memref_slice %arg4[%mul3A_2, %dma_wait3A_457] : memref<320000x128xf32, #tpu.memory_space<hbm>> -> memref<80x128xf32, #tpu.memory_space<hbm>>
    %dma_wait3A_459 = arith.constant 0 : i32
    %dma_wait3A_460 = tpu.memref_slice %arg4[%mul3A_2, %dma_wait3A_459] : memref<320000x128xf32, #tpu.memory_space<hbm>> -> memref<80x128xf32, #tpu.memory_space<hbm>>
    %dma_wait3A_461 = arith.constant 0 : i32
    %dma_wait3A_462 = arith.constant 0 : i32
    %dma_wait3A_463 = tpu.memref_slice %arg6[%dma_wait3A_452, %dma_wait3A_461, %dma_wait3A_462] : memref<10x80x128xf32, #tpu.memory_space<vmem>> -> memref<1x80x128xf32, #tpu.memory_space<vmem>>
    %dma_wait3A_464 = tpu.memref_squeeze %dma_wait3A_463 : memref<1x80x128xf32, #tpu.memory_space<vmem>> -> memref<80x128xf32, #tpu.memory_space<vmem>>
    tpu.wait_dma2 semaphore(%arg19 : memref<!tpu.dma_semaphore, #tpu.memory_space<semaphore_mem>>) src(%dma_wait3A_464 : memref<80x128xf32, #tpu.memory_space<vmem>>) dst(%dma_wait3A_460 : memref<80x128xf32, #tpu.memory_space<hbm>>)
    %dma_start3A_465 = arith.constant 12 : i32
    %dma_start3A_466 = arith.constant 2 : i32
    %dma_start3A_467 = arith.constant 0 : i32
    %dma_start3A_468 = arith.constant 0 : i32
    %dma_start3A_469 = tpu.memref_slice %arg6[%dma_start3A_466, %dma_start3A_467, %dma_start3A_468] : memref<10x80x128xf32, #tpu.memory_space<vmem>> -> memref<1x80x128xf32, #tpu.memory_space<vmem>>
    %dma_start3A_470 = tpu.memref_squeeze %dma_start3A_469 : memref<1x80x128xf32, #tpu.memory_space<vmem>> -> memref<80x128xf32, #tpu.memory_space<vmem>>
    %dma_start3A_471 = arith.constant 0 : i32
    %dma_start3A_472 = tpu.memref_slice %arg5[%dma_start3A_465, %dma_start3A_471] : memref<125x80xi32, #tpu.memory_space<vmem>> -> memref<1x80xi32, #tpu.memory_space<vmem>>
    %dma_start3A_473 = tpu.memref_squeeze %dma_start3A_472 : memref<1x80xi32, #tpu.memory_space<vmem>> -> memref<80xi32, #tpu.memory_space<vmem>>
    %dma_start3A_474 = arith.constant 0 : i32
    %dma_start3A_475 = arith.constant 0 : i32
    %dma_start3A_476 = tpu.memref_slice %arg3[%select_n3A, %dma_start3A_474, %dma_start3A_475] : memref<2x10000x128xf32, #tpu.memory_space<hbm>> -> memref<1x10000x128xf32, #tpu.memory_space<hbm>>
    %dma_start3A_477 = tpu.memref_squeeze %dma_start3A_476 : memref<1x10000x128xf32, #tpu.memory_space<hbm>> -> memref<10000x128xf32, #tpu.memory_space<hbm>>
    %dma_start3A_478 = arith.constant 0 : i32
    %dma_start3A_479 = arith.constant 0 : i32
    %dma_start3A_480 = tpu.memref_slice %dma_start3A_477[%dma_start3A_478, %dma_start3A_479] : memref<10000x128xf32, #tpu.memory_space<hbm>> -> memref<10000x128xf32, #tpu.memory_space<hbm>>
    tpu.enqueue_indirect_dma source(%dma_start3A_480 : memref<10000x128xf32, #tpu.memory_space<hbm>>) target(%dma_start3A_470 : memref<80x128xf32, #tpu.memory_space<vmem>>) offsets(%dma_start3A_473 : memref<80xi32, #tpu.memory_space<vmem>>) semaphore(%arg9 : memref<!tpu.dma_semaphore, #tpu.memory_space<semaphore_mem>>)
    %dma_wait3A_481 = arith.constant 0 : i32
    %dma_wait3A_482 = arith.constant 7 : i32
    %dma_wait3A_483 = arith.constant 0 : i32
    %dma_wait3A_484 = arith.constant 0 : i32
    %dma_wait3A_485 = tpu.memref_slice %arg6[%dma_wait3A_482, %dma_wait3A_483, %dma_wait3A_484] : memref<10x80x128xf32, #tpu.memory_space<vmem>> -> memref<1x80x128xf32, #tpu.memory_space<vmem>>
    %dma_wait3A_486 = tpu.memref_squeeze %dma_wait3A_485 : memref<1x80x128xf32, #tpu.memory_space<vmem>> -> memref<80x128xf32, #tpu.memory_space<vmem>>
    %dma_wait3A_487 = arith.constant 0 : i32
    %dma_wait3A_488 = tpu.memref_slice %arg5[%dma_wait3A_481, %dma_wait3A_487] : memref<125x80xi32, #tpu.memory_space<vmem>> -> memref<1x80xi32, #tpu.memory_space<vmem>>
    %dma_wait3A_489 = tpu.memref_squeeze %dma_wait3A_488 : memref<1x80xi32, #tpu.memory_space<vmem>> -> memref<80xi32, #tpu.memory_space<vmem>>
    %dma_wait3A_490 = arith.constant 0 : i32
    %dma_wait3A_491 = arith.constant 0 : i32
    %dma_wait3A_492 = tpu.memref_slice %arg3[%select_n3A, %dma_wait3A_490, %dma_wait3A_491] : memref<2x10000x128xf32, #tpu.memory_space<hbm>> -> memref<1x10000x128xf32, #tpu.memory_space<hbm>>
    %dma_wait3A_493 = tpu.memref_squeeze %dma_wait3A_492 : memref<1x10000x128xf32, #tpu.memory_space<hbm>> -> memref<10000x128xf32, #tpu.memory_space<hbm>>
    %dma_wait3A_494 = arith.constant 0 : i32
    %dma_wait3A_495 = arith.constant 0 : i32
    %dma_wait3A_496 = tpu.memref_slice %dma_wait3A_493[%dma_wait3A_494, %dma_wait3A_495] : memref<10000x128xf32, #tpu.memory_space<hbm>> -> memref<10000x128xf32, #tpu.memory_space<hbm>>
    tpu.wait_indirect_dma semaphore(%arg14 : memref<!tpu.dma_semaphore, #tpu.memory_space<semaphore_mem>>) src(%dma_wait3A_496 : memref<10000x128xf32, #tpu.memory_space<hbm>>) dst(%dma_wait3A_486 : memref<80x128xf32, #tpu.memory_space<vmem>>)
    %add3A_497 = arith.constant 560 : i32
    %add3A_498 = arith.addi %mul3A_2, %add3A_497 : i32
    %dma_start3A_499 = arith.constant 7 : i32
    %dma_start3A_500 = arith.constant 0 : i32
    %dma_start3A_501 = arith.constant 0 : i32
    %dma_start3A_502 = tpu.memref_slice %arg6[%dma_start3A_499, %dma_start3A_500, %dma_start3A_501] : memref<10x80x128xf32, #tpu.memory_space<vmem>> -> memref<1x80x128xf32, #tpu.memory_space<vmem>>
    %dma_start3A_503 = tpu.memref_squeeze %dma_start3A_502 : memref<1x80x128xf32, #tpu.memory_space<vmem>> -> memref<80x128xf32, #tpu.memory_space<vmem>>
    %dma_start3A_504 = arith.constant 0 : i32
    %dma_start3A_505 = tpu.memref_slice %arg4[%add3A_498, %dma_start3A_504] : memref<320000x128xf32, #tpu.memory_space<hbm>> -> memref<80x128xf32, #tpu.memory_space<hbm>>
    %dma_start3A_506 = arith.constant 0 : i32
    %dma_start3A_507 = tpu.memref_slice %arg4[%add3A_498, %dma_start3A_506] : memref<320000x128xf32, #tpu.memory_space<hbm>> -> memref<80x128xf32, #tpu.memory_space<hbm>>
    %dma_start3A_508 = arith.constant 0 : i32
    %dma_start3A_509 = arith.constant 0 : i32
    %dma_start3A_510 = tpu.memref_slice %arg6[%dma_start3A_499, %dma_start3A_508, %dma_start3A_509] : memref<10x80x128xf32, #tpu.memory_space<vmem>> -> memref<1x80x128xf32, #tpu.memory_space<vmem>>
    %dma_start3A_511 = tpu.memref_squeeze %dma_start3A_510 : memref<1x80x128xf32, #tpu.memory_space<vmem>> -> memref<80x128xf32, #tpu.memory_space<vmem>>
    tpu.enqueue_dma source(%dma_start3A_511 : memref<80x128xf32, #tpu.memory_space<vmem>>) target(%dma_start3A_507 : memref<80x128xf32, #tpu.memory_space<hbm>>) target_semaphore(%arg24 : memref<!tpu.dma_semaphore, #tpu.memory_space<semaphore_mem>>)
    %dma_wait3A_512 = arith.constant 3 : i32
    %dma_wait3A_513 = arith.constant 0 : i32
    %dma_wait3A_514 = arith.constant 0 : i32
    %dma_wait3A_515 = tpu.memref_slice %arg6[%dma_wait3A_512, %dma_wait3A_513, %dma_wait3A_514] : memref<10x80x128xf32, #tpu.memory_space<vmem>> -> memref<1x80x128xf32, #tpu.memory_space<vmem>>
    %dma_wait3A_516 = tpu.memref_squeeze %dma_wait3A_515 : memref<1x80x128xf32, #tpu.memory_space<vmem>> -> memref<80x128xf32, #tpu.memory_space<vmem>>
    %dma_wait3A_517 = arith.constant 0 : i32
    %dma_wait3A_518 = tpu.memref_slice %arg4[%mul3A_2, %dma_wait3A_517] : memref<320000x128xf32, #tpu.memory_space<hbm>> -> memref<80x128xf32, #tpu.memory_space<hbm>>
    %dma_wait3A_519 = arith.constant 0 : i32
    %dma_wait3A_520 = tpu.memref_slice %arg4[%mul3A_2, %dma_wait3A_519] : memref<320000x128xf32, #tpu.memory_space<hbm>> -> memref<80x128xf32, #tpu.memory_space<hbm>>
    %dma_wait3A_521 = arith.constant 0 : i32
    %dma_wait3A_522 = arith.constant 0 : i32
    %dma_wait3A_523 = tpu.memref_slice %arg6[%dma_wait3A_512, %dma_wait3A_521, %dma_wait3A_522] : memref<10x80x128xf32, #tpu.memory_space<vmem>> -> memref<1x80x128xf32, #tpu.memory_space<vmem>>
    %dma_wait3A_524 = tpu.memref_squeeze %dma_wait3A_523 : memref<1x80x128xf32, #tpu.memory_space<vmem>> -> memref<80x128xf32, #tpu.memory_space<vmem>>
    tpu.wait_dma2 semaphore(%arg20 : memref<!tpu.dma_semaphore, #tpu.memory_space<semaphore_mem>>) src(%dma_wait3A_524 : memref<80x128xf32, #tpu.memory_space<vmem>>) dst(%dma_wait3A_520 : memref<80x128xf32, #tpu.memory_space<hbm>>)
    %dma_start3A_525 = arith.constant 13 : i32
    %dma_start3A_526 = arith.constant 3 : i32
    %dma_start3A_527 = arith.constant 0 : i32
    %dma_start3A_528 = arith.constant 0 : i32
    %dma_start3A_529 = tpu.memref_slice %arg6[%dma_start3A_526, %dma_start3A_527, %dma_start3A_528] : memref<10x80x128xf32, #tpu.memory_space<vmem>> -> memref<1x80x128xf32, #tpu.memory_space<vmem>>
    %dma_start3A_530 = tpu.memref_squeeze %dma_start3A_529 : memref<1x80x128xf32, #tpu.memory_space<vmem>> -> memref<80x128xf32, #tpu.memory_space<vmem>>
    %dma_start3A_531 = arith.constant 0 : i32
    %dma_start3A_532 = tpu.memref_slice %arg5[%dma_start3A_525, %dma_start3A_531] : memref<125x80xi32, #tpu.memory_space<vmem>> -> memref<1x80xi32, #tpu.memory_space<vmem>>
    %dma_start3A_533 = tpu.memref_squeeze %dma_start3A_532 : memref<1x80xi32, #tpu.memory_space<vmem>> -> memref<80xi32, #tpu.memory_space<vmem>>
    %dma_start3A_534 = arith.constant 0 : i32
    %dma_start3A_535 = arith.constant 0 : i32
    %dma_start3A_536 = tpu.memref_slice %arg3[%select_n3A, %dma_start3A_534, %dma_start3A_535] : memref<2x10000x128xf32, #tpu.memory_space<hbm>> -> memref<1x10000x128xf32, #tpu.memory_space<hbm>>
    %dma_start3A_537 = tpu.memref_squeeze %dma_start3A_536 : memref<1x10000x128xf32, #tpu.memory_space<hbm>> -> memref<10000x128xf32, #tpu.memory_space<hbm>>
    %dma_start3A_538 = arith.constant 0 : i32
    %dma_start3A_539 = arith.constant 0 : i32
    %dma_start3A_540 = tpu.memref_slice %dma_start3A_537[%dma_start3A_538, %dma_start3A_539] : memref<10000x128xf32, #tpu.memory_space<hbm>> -> memref<10000x128xf32, #tpu.memory_space<hbm>>
    tpu.enqueue_indirect_dma source(%dma_start3A_540 : memref<10000x128xf32, #tpu.memory_space<hbm>>) target(%dma_start3A_530 : memref<80x128xf32, #tpu.memory_space<vmem>>) offsets(%dma_start3A_533 : memref<80xi32, #tpu.memory_space<vmem>>) semaphore(%arg10 : memref<!tpu.dma_semaphore, #tpu.memory_space<semaphore_mem>>)
    %dma_wait3A_541 = arith.constant 0 : i32
    %dma_wait3A_542 = arith.constant 8 : i32
    %dma_wait3A_543 = arith.constant 0 : i32
    %dma_wait3A_544 = arith.constant 0 : i32
    %dma_wait3A_545 = tpu.memref_slice %arg6[%dma_wait3A_542, %dma_wait3A_543, %dma_wait3A_544] : memref<10x80x128xf32, #tpu.memory_space<vmem>> -> memref<1x80x128xf32, #tpu.memory_space<vmem>>
    %dma_wait3A_546 = tpu.memref_squeeze %dma_wait3A_545 : memref<1x80x128xf32, #tpu.memory_space<vmem>> -> memref<80x128xf32, #tpu.memory_space<vmem>>
    %dma_wait3A_547 = arith.constant 0 : i32
    %dma_wait3A_548 = tpu.memref_slice %arg5[%dma_wait3A_541, %dma_wait3A_547] : memref<125x80xi32, #tpu.memory_space<vmem>> -> memref<1x80xi32, #tpu.memory_space<vmem>>
    %dma_wait3A_549 = tpu.memref_squeeze %dma_wait3A_548 : memref<1x80xi32, #tpu.memory_space<vmem>> -> memref<80xi32, #tpu.memory_space<vmem>>
    %dma_wait3A_550 = arith.constant 0 : i32
    %dma_wait3A_551 = arith.constant 0 : i32
    %dma_wait3A_552 = tpu.memref_slice %arg3[%select_n3A, %dma_wait3A_550, %dma_wait3A_551] : memref<2x10000x128xf32, #tpu.memory_space<hbm>> -> memref<1x10000x128xf32, #tpu.memory_space<hbm>>
    %dma_wait3A_553 = tpu.memref_squeeze %dma_wait3A_552 : memref<1x10000x128xf32, #tpu.memory_space<hbm>> -> memref<10000x128xf32, #tpu.memory_space<hbm>>
    %dma_wait3A_554 = arith.constant 0 : i32
    %dma_wait3A_555 = arith.constant 0 : i32
    %dma_wait3A_556 = tpu.memref_slice %dma_wait3A_553[%dma_wait3A_554, %dma_wait3A_555] : memref<10000x128xf32, #tpu.memory_space<hbm>> -> memref<10000x128xf32, #tpu.memory_space<hbm>>
    tpu.wait_indirect_dma semaphore(%arg15 : memref<!tpu.dma_semaphore, #tpu.memory_space<semaphore_mem>>) src(%dma_wait3A_556 : memref<10000x128xf32, #tpu.memory_space<hbm>>) dst(%dma_wait3A_546 : memref<80x128xf32, #tpu.memory_space<vmem>>)
    %add3A_557 = arith.constant 640 : i32
    %add3A_558 = arith.addi %mul3A_2, %add3A_557 : i32
    %dma_start3A_559 = arith.constant 8 : i32
    %dma_start3A_560 = arith.constant 0 : i32
    %dma_start3A_561 = arith.constant 0 : i32
    %dma_start3A_562 = tpu.memref_slice %arg6[%dma_start3A_559, %dma_start3A_560, %dma_start3A_561] : memref<10x80x128xf32, #tpu.memory_space<vmem>> -> memref<1x80x128xf32, #tpu.memory_space<vmem>>
    %dma_start3A_563 = tpu.memref_squeeze %dma_start3A_562 : memref<1x80x128xf32, #tpu.memory_space<vmem>> -> memref<80x128xf32, #tpu.memory_space<vmem>>
    %dma_start3A_564 = arith.constant 0 : i32
    %dma_start3A_565 = tpu.memref_slice %arg4[%add3A_558, %dma_start3A_564] : memref<320000x128xf32, #tpu.memory_space<hbm>> -> memref<80x128xf32, #tpu.memory_space<hbm>>
    %dma_start3A_566 = arith.constant 0 : i32
    %dma_start3A_567 = tpu.memref_slice %arg4[%add3A_558, %dma_start3A_566] : memref<320000x128xf32, #tpu.memory_space<hbm>> -> memref<80x128xf32, #tpu.memory_space<hbm>>
    %dma_start3A_568 = arith.constant 0 : i32
    %dma_start3A_569 = arith.constant 0 : i32
    %dma_start3A_570 = tpu.memref_slice %arg6[%dma_start3A_559, %dma_start3A_568, %dma_start3A_569] : memref<10x80x128xf32, #tpu.memory_space<vmem>> -> memref<1x80x128xf32, #tpu.memory_space<vmem>>
    %dma_start3A_571 = tpu.memref_squeeze %dma_start3A_570 : memref<1x80x128xf32, #tpu.memory_space<vmem>> -> memref<80x128xf32, #tpu.memory_space<vmem>>
    tpu.enqueue_dma source(%dma_start3A_571 : memref<80x128xf32, #tpu.memory_space<vmem>>) target(%dma_start3A_567 : memref<80x128xf32, #tpu.memory_space<hbm>>) target_semaphore(%arg25 : memref<!tpu.dma_semaphore, #tpu.memory_space<semaphore_mem>>)
    %dma_wait3A_572 = arith.constant 4 : i32
    %dma_wait3A_573 = arith.constant 0 : i32
    %dma_wait3A_574 = arith.constant 0 : i32
    %dma_wait3A_575 = tpu.memref_slice %arg6[%dma_wait3A_572, %dma_wait3A_573, %dma_wait3A_574] : memref<10x80x128xf32, #tpu.memory_space<vmem>> -> memref<1x80x128xf32, #tpu.memory_space<vmem>>
    %dma_wait3A_576 = tpu.memref_squeeze %dma_wait3A_575 : memref<1x80x128xf32, #tpu.memory_space<vmem>> -> memref<80x128xf32, #tpu.memory_space<vmem>>
    %dma_wait3A_577 = arith.constant 0 : i32
    %dma_wait3A_578 = tpu.memref_slice %arg4[%mul3A_2, %dma_wait3A_577] : memref<320000x128xf32, #tpu.memory_space<hbm>> -> memref<80x128xf32, #tpu.memory_space<hbm>>
    %dma_wait3A_579 = arith.constant 0 : i32
    %dma_wait3A_580 = tpu.memref_slice %arg4[%mul3A_2, %dma_wait3A_579] : memref<320000x128xf32, #tpu.memory_space<hbm>> -> memref<80x128xf32, #tpu.memory_space<hbm>>
    %dma_wait3A_581 = arith.constant 0 : i32
    %dma_wait3A_582 = arith.constant 0 : i32
    %dma_wait3A_583 = tpu.memref_slice %arg6[%dma_wait3A_572, %dma_wait3A_581, %dma_wait3A_582] : memref<10x80x128xf32, #tpu.memory_space<vmem>> -> memref<1x80x128xf32, #tpu.memory_space<vmem>>
    %dma_wait3A_584 = tpu.memref_squeeze %dma_wait3A_583 : memref<1x80x128xf32, #tpu.memory_space<vmem>> -> memref<80x128xf32, #tpu.memory_space<vmem>>
    tpu.wait_dma2 semaphore(%arg21 : memref<!tpu.dma_semaphore, #tpu.memory_space<semaphore_mem>>) src(%dma_wait3A_584 : memref<80x128xf32, #tpu.memory_space<vmem>>) dst(%dma_wait3A_580 : memref<80x128xf32, #tpu.memory_space<hbm>>)
    %dma_start3A_585 = arith.constant 14 : i32
    %dma_start3A_586 = arith.constant 4 : i32
    %dma_start3A_587 = arith.constant 0 : i32
    %dma_start3A_588 = arith.constant 0 : i32
    %dma_start3A_589 = tpu.memref_slice %arg6[%dma_start3A_586, %dma_start3A_587, %dma_start3A_588] : memref<10x80x128xf32, #tpu.memory_space<vmem>> -> memref<1x80x128xf32, #tpu.memory_space<vmem>>
    %dma_start3A_590 = tpu.memref_squeeze %dma_start3A_589 : memref<1x80x128xf32, #tpu.memory_space<vmem>> -> memref<80x128xf32, #tpu.memory_space<vmem>>
    %dma_start3A_591 = arith.constant 0 : i32
    %dma_start3A_592 = tpu.memref_slice %arg5[%dma_start3A_585, %dma_start3A_591] : memref<125x80xi32, #tpu.memory_space<vmem>> -> memref<1x80xi32, #tpu.memory_space<vmem>>
    %dma_start3A_593 = tpu.memref_squeeze %dma_start3A_592 : memref<1x80xi32, #tpu.memory_space<vmem>> -> memref<80xi32, #tpu.memory_space<vmem>>
    %dma_start3A_594 = arith.constant 0 : i32
    %dma_start3A_595 = arith.constant 0 : i32
    %dma_start3A_596 = tpu.memref_slice %arg3[%select_n3A, %dma_start3A_594, %dma_start3A_595] : memref<2x10000x128xf32, #tpu.memory_space<hbm>> -> memref<1x10000x128xf32, #tpu.memory_space<hbm>>
    %dma_start3A_597 = tpu.memref_squeeze %dma_start3A_596 : memref<1x10000x128xf32, #tpu.memory_space<hbm>> -> memref<10000x128xf32, #tpu.memory_space<hbm>>
    %dma_start3A_598 = arith.constant 0 : i32
    %dma_start3A_599 = arith.constant 0 : i32
    %dma_start3A_600 = tpu.memref_slice %dma_start3A_597[%dma_start3A_598, %dma_start3A_599] : memref<10000x128xf32, #tpu.memory_space<hbm>> -> memref<10000x128xf32, #tpu.memory_space<hbm>>
    tpu.enqueue_indirect_dma source(%dma_start3A_600 : memref<10000x128xf32, #tpu.memory_space<hbm>>) target(%dma_start3A_590 : memref<80x128xf32, #tpu.memory_space<vmem>>) offsets(%dma_start3A_593 : memref<80xi32, #tpu.memory_space<vmem>>) semaphore(%arg11 : memref<!tpu.dma_semaphore, #tpu.memory_space<semaphore_mem>>)
    %dma_wait3A_601 = arith.constant 0 : i32
    %dma_wait3A_602 = arith.constant 9 : i32
    %dma_wait3A_603 = arith.constant 0 : i32
    %dma_wait3A_604 = arith.constant 0 : i32
    %dma_wait3A_605 = tpu.memref_slice %arg6[%dma_wait3A_602, %dma_wait3A_603, %dma_wait3A_604] : memref<10x80x128xf32, #tpu.memory_space<vmem>> -> memref<1x80x128xf32, #tpu.memory_space<vmem>>
    %dma_wait3A_606 = tpu.memref_squeeze %dma_wait3A_605 : memref<1x80x128xf32, #tpu.memory_space<vmem>> -> memref<80x128xf32, #tpu.memory_space<vmem>>
    %dma_wait3A_607 = arith.constant 0 : i32
    %dma_wait3A_608 = tpu.memref_slice %arg5[%dma_wait3A_601, %dma_wait3A_607] : memref<125x80xi32, #tpu.memory_space<vmem>> -> memref<1x80xi32, #tpu.memory_space<vmem>>
    %dma_wait3A_609 = tpu.memref_squeeze %dma_wait3A_608 : memref<1x80xi32, #tpu.memory_space<vmem>> -> memref<80xi32, #tpu.memory_space<vmem>>
    %dma_wait3A_610 = arith.constant 0 : i32
    %dma_wait3A_611 = arith.constant 0 : i32
    %dma_wait3A_612 = tpu.memref_slice %arg3[%select_n3A, %dma_wait3A_610, %dma_wait3A_611] : memref<2x10000x128xf32, #tpu.memory_space<hbm>> -> memref<1x10000x128xf32, #tpu.memory_space<hbm>>
    %dma_wait3A_613 = tpu.memref_squeeze %dma_wait3A_612 : memref<1x10000x128xf32, #tpu.memory_space<hbm>> -> memref<10000x128xf32, #tpu.memory_space<hbm>>
    %dma_wait3A_614 = arith.constant 0 : i32
    %dma_wait3A_615 = arith.constant 0 : i32
    %dma_wait3A_616 = tpu.memref_slice %dma_wait3A_613[%dma_wait3A_614, %dma_wait3A_615] : memref<10000x128xf32, #tpu.memory_space<hbm>> -> memref<10000x128xf32, #tpu.memory_space<hbm>>
    tpu.wait_indirect_dma semaphore(%arg16 : memref<!tpu.dma_semaphore, #tpu.memory_space<semaphore_mem>>) src(%dma_wait3A_616 : memref<10000x128xf32, #tpu.memory_space<hbm>>) dst(%dma_wait3A_606 : memref<80x128xf32, #tpu.memory_space<vmem>>)
    %add3A_617 = arith.constant 720 : i32
    %add3A_618 = arith.addi %mul3A_2, %add3A_617 : i32
    %dma_start3A_619 = arith.constant 9 : i32
    %dma_start3A_620 = arith.constant 0 : i32
    %dma_start3A_621 = arith.constant 0 : i32
    %dma_start3A_622 = tpu.memref_slice %arg6[%dma_start3A_619, %dma_start3A_620, %dma_start3A_621] : memref<10x80x128xf32, #tpu.memory_space<vmem>> -> memref<1x80x128xf32, #tpu.memory_space<vmem>>
    %dma_start3A_623 = tpu.memref_squeeze %dma_start3A_622 : memref<1x80x128xf32, #tpu.memory_space<vmem>> -> memref<80x128xf32, #tpu.memory_space<vmem>>
    %dma_start3A_624 = arith.constant 0 : i32
    %dma_start3A_625 = tpu.memref_slice %arg4[%add3A_618, %dma_start3A_624] : memref<320000x128xf32, #tpu.memory_space<hbm>> -> memref<80x128xf32, #tpu.memory_space<hbm>>
    %dma_start3A_626 = arith.constant 0 : i32
    %dma_start3A_627 = tpu.memref_slice %arg4[%add3A_618, %dma_start3A_626] : memref<320000x128xf32, #tpu.memory_space<hbm>> -> memref<80x128xf32, #tpu.memory_space<hbm>>
    %dma_start3A_628 = arith.constant 0 : i32
    %dma_start3A_629 = arith.constant 0 : i32
    %dma_start3A_630 = tpu.memref_slice %arg6[%dma_start3A_619, %dma_start3A_628, %dma_start3A_629] : memref<10x80x128xf32, #tpu.memory_space<vmem>> -> memref<1x80x128xf32, #tpu.memory_space<vmem>>
    %dma_start3A_631 = tpu.memref_squeeze %dma_start3A_630 : memref<1x80x128xf32, #tpu.memory_space<vmem>> -> memref<80x128xf32, #tpu.memory_space<vmem>>
    tpu.enqueue_dma source(%dma_start3A_631 : memref<80x128xf32, #tpu.memory_space<vmem>>) target(%dma_start3A_627 : memref<80x128xf32, #tpu.memory_space<hbm>>) target_semaphore(%arg26 : memref<!tpu.dma_semaphore, #tpu.memory_space<semaphore_mem>>)
    %scan3A = arith.constant 1 : i32
    %scan3A_632 = arith.constant 11 : i32
    %scan3A_633 = arith.addi %scan3A, %scan3A_632 : i32
    %scan3A_634 = arith.constant 1 : i32
    scf.for %scan3A_921 = %scan3A to %scan3A_633 step %scan3A_634  : i32 {
      %mul3A_922 = arith.constant 10 : i32
      %mul3A_923 = arith.muli %scan3A_921, %mul3A_922 : i32
      %dma_wait3A_924 = arith.constant 5 : i32
      %dma_wait3A_925 = arith.constant 0 : i32
      %dma_wait3A_926 = arith.constant 0 : i32
      %dma_wait3A_927 = tpu.memref_slice %arg6[%dma_wait3A_924, %dma_wait3A_925, %dma_wait3A_926] : memref<10x80x128xf32, #tpu.memory_space<vmem>> -> memref<1x80x128xf32, #tpu.memory_space<vmem>>
      %dma_wait3A_928 = tpu.memref_squeeze %dma_wait3A_927 : memref<1x80x128xf32, #tpu.memory_space<vmem>> -> memref<80x128xf32, #tpu.memory_space<vmem>>
      %dma_wait3A_929 = arith.constant 0 : i32
      %dma_wait3A_930 = tpu.memref_slice %arg4[%mul3A_2, %dma_wait3A_929] : memref<320000x128xf32, #tpu.memory_space<hbm>> -> memref<80x128xf32, #tpu.memory_space<hbm>>
      %dma_wait3A_931 = arith.constant 0 : i32
      %dma_wait3A_932 = tpu.memref_slice %arg4[%mul3A_2, %dma_wait3A_931] : memref<320000x128xf32, #tpu.memory_space<hbm>> -> memref<80x128xf32, #tpu.memory_space<hbm>>
      %dma_wait3A_933 = arith.constant 0 : i32
      %dma_wait3A_934 = arith.constant 0 : i32
      %dma_wait3A_935 = tpu.memref_slice %arg6[%dma_wait3A_924, %dma_wait3A_933, %dma_wait3A_934] : memref<10x80x128xf32, #tpu.memory_space<vmem>> -> memref<1x80x128xf32, #tpu.memory_space<vmem>>
      %dma_wait3A_936 = tpu.memref_squeeze %dma_wait3A_935 : memref<1x80x128xf32, #tpu.memory_space<vmem>> -> memref<80x128xf32, #tpu.memory_space<vmem>>
      tpu.wait_dma2 semaphore(%arg22 : memref<!tpu.dma_semaphore, #tpu.memory_space<semaphore_mem>>) src(%dma_wait3A_936 : memref<80x128xf32, #tpu.memory_space<vmem>>) dst(%dma_wait3A_932 : memref<80x128xf32, #tpu.memory_space<hbm>>)
      %add3A_937 = arith.constant 5 : i32
      %add3A_938 = arith.addi %mul3A_923, %add3A_937 : i32
      %add3A_939 = arith.constant 0 : i32
      %add3A_940 = arith.addi %add3A_938, %add3A_939 : i32
      %dma_start3A_941 = arith.constant 5 : i32
      %dma_start3A_942 = arith.constant 0 : i32
      %dma_start3A_943 = arith.constant 0 : i32
      %dma_start3A_944 = tpu.memref_slice %arg6[%dma_start3A_941, %dma_start3A_942, %dma_start3A_943] : memref<10x80x128xf32, #tpu.memory_space<vmem>> -> memref<1x80x128xf32, #tpu.memory_space<vmem>>
      %dma_start3A_945 = tpu.memref_squeeze %dma_start3A_944 : memref<1x80x128xf32, #tpu.memory_space<vmem>> -> memref<80x128xf32, #tpu.memory_space<vmem>>
      %dma_start3A_946 = arith.constant 0 : i32
      %dma_start3A_947 = tpu.memref_slice %arg5[%add3A_940, %dma_start3A_946] : memref<125x80xi32, #tpu.memory_space<vmem>> -> memref<1x80xi32, #tpu.memory_space<vmem>>
      %dma_start3A_948 = tpu.memref_squeeze %dma_start3A_947 : memref<1x80xi32, #tpu.memory_space<vmem>> -> memref<80xi32, #tpu.memory_space<vmem>>
      %dma_start3A_949 = arith.constant 0 : i32
      %dma_start3A_950 = arith.constant 0 : i32
      %dma_start3A_951 = tpu.memref_slice %arg3[%select_n3A, %dma_start3A_949, %dma_start3A_950] : memref<2x10000x128xf32, #tpu.memory_space<hbm>> -> memref<1x10000x128xf32, #tpu.memory_space<hbm>>
      %dma_start3A_952 = tpu.memref_squeeze %dma_start3A_951 : memref<1x10000x128xf32, #tpu.memory_space<hbm>> -> memref<10000x128xf32, #tpu.memory_space<hbm>>
      %dma_start3A_953 = arith.constant 0 : i32
      %dma_start3A_954 = arith.constant 0 : i32
      %dma_start3A_955 = tpu.memref_slice %dma_start3A_952[%dma_start3A_953, %dma_start3A_954] : memref<10000x128xf32, #tpu.memory_space<hbm>> -> memref<10000x128xf32, #tpu.memory_space<hbm>>
      tpu.enqueue_indirect_dma source(%dma_start3A_955 : memref<10000x128xf32, #tpu.memory_space<hbm>>) target(%dma_start3A_945 : memref<80x128xf32, #tpu.memory_space<vmem>>) offsets(%dma_start3A_948 : memref<80xi32, #tpu.memory_space<vmem>>) semaphore(%arg12 : memref<!tpu.dma_semaphore, #tpu.memory_space<semaphore_mem>>)
      %dma_wait3A_956 = arith.constant 0 : i32
      %dma_wait3A_957 = arith.constant 0 : i32
      %dma_wait3A_958 = arith.constant 0 : i32
      %dma_wait3A_959 = arith.constant 0 : i32
      %dma_wait3A_960 = tpu.memref_slice %arg6[%dma_wait3A_957, %dma_wait3A_958, %dma_wait3A_959] : memref<10x80x128xf32, #tpu.memory_space<vmem>> -> memref<1x80x128xf32, #tpu.memory_space<vmem>>
      %dma_wait3A_961 = tpu.memref_squeeze %dma_wait3A_960 : memref<1x80x128xf32, #tpu.memory_space<vmem>> -> memref<80x128xf32, #tpu.memory_space<vmem>>
      %dma_wait3A_962 = arith.constant 0 : i32
      %dma_wait3A_963 = tpu.memref_slice %arg5[%dma_wait3A_956, %dma_wait3A_962] : memref<125x80xi32, #tpu.memory_space<vmem>> -> memref<1x80xi32, #tpu.memory_space<vmem>>
      %dma_wait3A_964 = tpu.memref_squeeze %dma_wait3A_963 : memref<1x80xi32, #tpu.memory_space<vmem>> -> memref<80xi32, #tpu.memory_space<vmem>>
      %dma_wait3A_965 = arith.constant 0 : i32
      %dma_wait3A_966 = arith.constant 0 : i32
      %dma_wait3A_967 = tpu.memref_slice %arg3[%select_n3A, %dma_wait3A_965, %dma_wait3A_966] : memref<2x10000x128xf32, #tpu.memory_space<hbm>> -> memref<1x10000x128xf32, #tpu.memory_space<hbm>>
      %dma_wait3A_968 = tpu.memref_squeeze %dma_wait3A_967 : memref<1x10000x128xf32, #tpu.memory_space<hbm>> -> memref<10000x128xf32, #tpu.memory_space<hbm>>
      %dma_wait3A_969 = arith.constant 0 : i32
      %dma_wait3A_970 = arith.constant 0 : i32
      %dma_wait3A_971 = tpu.memref_slice %dma_wait3A_968[%dma_wait3A_969, %dma_wait3A_970] : memref<10000x128xf32, #tpu.memory_space<hbm>> -> memref<10000x128xf32, #tpu.memory_space<hbm>>
      tpu.wait_indirect_dma semaphore(%arg7 : memref<!tpu.dma_semaphore, #tpu.memory_space<semaphore_mem>>) src(%dma_wait3A_971 : memref<10000x128xf32, #tpu.memory_space<hbm>>) dst(%dma_wait3A_961 : memref<80x128xf32, #tpu.memory_space<vmem>>)
      %add3A_972 = arith.constant 0 : i32
      %add3A_973 = arith.addi %mul3A_923, %add3A_972 : i32
      %mul3A_974 = arith.constant 80 : i32
      %mul3A_975 = arith.muli %add3A_973, %mul3A_974 : i32
      %add3A_976 = arith.addi %mul3A_2, %mul3A_975 : i32
      %dma_start3A_977 = arith.constant 0 : i32
      %dma_start3A_978 = arith.constant 0 : i32
      %dma_start3A_979 = arith.constant 0 : i32
      %dma_start3A_980 = tpu.memref_slice %arg6[%dma_start3A_977, %dma_start3A_978, %dma_start3A_979] : memref<10x80x128xf32, #tpu.memory_space<vmem>> -> memref<1x80x128xf32, #tpu.memory_space<vmem>>
      %dma_start3A_981 = tpu.memref_squeeze %dma_start3A_980 : memref<1x80x128xf32, #tpu.memory_space<vmem>> -> memref<80x128xf32, #tpu.memory_space<vmem>>
      %dma_start3A_982 = arith.constant 0 : i32
      %dma_start3A_983 = tpu.memref_slice %arg4[%add3A_976, %dma_start3A_982] : memref<320000x128xf32, #tpu.memory_space<hbm>> -> memref<80x128xf32, #tpu.memory_space<hbm>>
      %dma_start3A_984 = arith.constant 0 : i32
      %dma_start3A_985 = tpu.memref_slice %arg4[%add3A_976, %dma_start3A_984] : memref<320000x128xf32, #tpu.memory_space<hbm>> -> memref<80x128xf32, #tpu.memory_space<hbm>>
      %dma_start3A_986 = arith.constant 0 : i32
      %dma_start3A_987 = arith.constant 0 : i32
      %dma_start3A_988 = tpu.memref_slice %arg6[%dma_start3A_977, %dma_start3A_986, %dma_start3A_987] : memref<10x80x128xf32, #tpu.memory_space<vmem>> -> memref<1x80x128xf32, #tpu.memory_space<vmem>>
      %dma_start3A_989 = tpu.memref_squeeze %dma_start3A_988 : memref<1x80x128xf32, #tpu.memory_space<vmem>> -> memref<80x128xf32, #tpu.memory_space<vmem>>
      tpu.enqueue_dma source(%dma_start3A_989 : memref<80x128xf32, #tpu.memory_space<vmem>>) target(%dma_start3A_985 : memref<80x128xf32, #tpu.memory_space<hbm>>) target_semaphore(%arg17 : memref<!tpu.dma_semaphore, #tpu.memory_space<semaphore_mem>>)
      %dma_wait3A_990 = arith.constant 6 : i32
      %dma_wait3A_991 = arith.constant 0 : i32
      %dma_wait3A_992 = arith.constant 0 : i32
      %dma_wait3A_993 = tpu.memref_slice %arg6[%dma_wait3A_990, %dma_wait3A_991, %dma_wait3A_992] : memref<10x80x128xf32, #tpu.memory_space<vmem>> -> memref<1x80x128xf32, #tpu.memory_space<vmem>>
      %dma_wait3A_994 = tpu.memref_squeeze %dma_wait3A_993 : memref<1x80x128xf32, #tpu.memory_space<vmem>> -> memref<80x128xf32, #tpu.memory_space<vmem>>
      %dma_wait3A_995 = arith.constant 0 : i32
      %dma_wait3A_996 = tpu.memref_slice %arg4[%mul3A_2, %dma_wait3A_995] : memref<320000x128xf32, #tpu.memory_space<hbm>> -> memref<80x128xf32, #tpu.memory_space<hbm>>
      %dma_wait3A_997 = arith.constant 0 : i32
      %dma_wait3A_998 = tpu.memref_slice %arg4[%mul3A_2, %dma_wait3A_997] : memref<320000x128xf32, #tpu.memory_space<hbm>> -> memref<80x128xf32, #tpu.memory_space<hbm>>
      %dma_wait3A_999 = arith.constant 0 : i32
      %dma_wait3A_1000 = arith.constant 0 : i32
      %dma_wait3A_1001 = tpu.memref_slice %arg6[%dma_wait3A_990, %dma_wait3A_999, %dma_wait3A_1000] : memref<10x80x128xf32, #tpu.memory_space<vmem>> -> memref<1x80x128xf32, #tpu.memory_space<vmem>>
      %dma_wait3A_1002 = tpu.memref_squeeze %dma_wait3A_1001 : memref<1x80x128xf32, #tpu.memory_space<vmem>> -> memref<80x128xf32, #tpu.memory_space<vmem>>
      tpu.wait_dma2 semaphore(%arg23 : memref<!tpu.dma_semaphore, #tpu.memory_space<semaphore_mem>>) src(%dma_wait3A_1002 : memref<80x128xf32, #tpu.memory_space<vmem>>) dst(%dma_wait3A_998 : memref<80x128xf32, #tpu.memory_space<hbm>>)
      %add3A_1003 = arith.constant 5 : i32
      %add3A_1004 = arith.addi %mul3A_923, %add3A_1003 : i32
      %add3A_1005 = arith.constant 1 : i32
      %add3A_1006 = arith.addi %add3A_1004, %add3A_1005 : i32
      %dma_start3A_1007 = arith.constant 6 : i32
      %dma_start3A_1008 = arith.constant 0 : i32
      %dma_start3A_1009 = arith.constant 0 : i32
      %dma_start3A_1010 = tpu.memref_slice %arg6[%dma_start3A_1007, %dma_start3A_1008, %dma_start3A_1009] : memref<10x80x128xf32, #tpu.memory_space<vmem>> -> memref<1x80x128xf32, #tpu.memory_space<vmem>>
      %dma_start3A_1011 = tpu.memref_squeeze %dma_start3A_1010 : memref<1x80x128xf32, #tpu.memory_space<vmem>> -> memref<80x128xf32, #tpu.memory_space<vmem>>
      %dma_start3A_1012 = arith.constant 0 : i32
      %dma_start3A_1013 = tpu.memref_slice %arg5[%add3A_1006, %dma_start3A_1012] : memref<125x80xi32, #tpu.memory_space<vmem>> -> memref<1x80xi32, #tpu.memory_space<vmem>>
      %dma_start3A_1014 = tpu.memref_squeeze %dma_start3A_1013 : memref<1x80xi32, #tpu.memory_space<vmem>> -> memref<80xi32, #tpu.memory_space<vmem>>
      %dma_start3A_1015 = arith.constant 0 : i32
      %dma_start3A_1016 = arith.constant 0 : i32
      %dma_start3A_1017 = tpu.memref_slice %arg3[%select_n3A, %dma_start3A_1015, %dma_start3A_1016] : memref<2x10000x128xf32, #tpu.memory_space<hbm>> -> memref<1x10000x128xf32, #tpu.memory_space<hbm>>
      %dma_start3A_1018 = tpu.memref_squeeze %dma_start3A_1017 : memref<1x10000x128xf32, #tpu.memory_space<hbm>> -> memref<10000x128xf32, #tpu.memory_space<hbm>>
      %dma_start3A_1019 = arith.constant 0 : i32
      %dma_start3A_1020 = arith.constant 0 : i32
      %dma_start3A_1021 = tpu.memref_slice %dma_start3A_1018[%dma_start3A_1019, %dma_start3A_1020] : memref<10000x128xf32, #tpu.memory_space<hbm>> -> memref<10000x128xf32, #tpu.memory_space<hbm>>
      tpu.enqueue_indirect_dma source(%dma_start3A_1021 : memref<10000x128xf32, #tpu.memory_space<hbm>>) target(%dma_start3A_1011 : memref<80x128xf32, #tpu.memory_space<vmem>>) offsets(%dma_start3A_1014 : memref<80xi32, #tpu.memory_space<vmem>>) semaphore(%arg13 : memref<!tpu.dma_semaphore, #tpu.memory_space<semaphore_mem>>)
      %dma_wait3A_1022 = arith.constant 0 : i32
      %dma_wait3A_1023 = arith.constant 1 : i32
      %dma_wait3A_1024 = arith.constant 0 : i32
      %dma_wait3A_1025 = arith.constant 0 : i32
      %dma_wait3A_1026 = tpu.memref_slice %arg6[%dma_wait3A_1023, %dma_wait3A_1024, %dma_wait3A_1025] : memref<10x80x128xf32, #tpu.memory_space<vmem>> -> memref<1x80x128xf32, #tpu.memory_space<vmem>>
      %dma_wait3A_1027 = tpu.memref_squeeze %dma_wait3A_1026 : memref<1x80x128xf32, #tpu.memory_space<vmem>> -> memref<80x128xf32, #tpu.memory_space<vmem>>
      %dma_wait3A_1028 = arith.constant 0 : i32
      %dma_wait3A_1029 = tpu.memref_slice %arg5[%dma_wait3A_1022, %dma_wait3A_1028] : memref<125x80xi32, #tpu.memory_space<vmem>> -> memref<1x80xi32, #tpu.memory_space<vmem>>
      %dma_wait3A_1030 = tpu.memref_squeeze %dma_wait3A_1029 : memref<1x80xi32, #tpu.memory_space<vmem>> -> memref<80xi32, #tpu.memory_space<vmem>>
      %dma_wait3A_1031 = arith.constant 0 : i32
      %dma_wait3A_1032 = arith.constant 0 : i32
      %dma_wait3A_1033 = tpu.memref_slice %arg3[%select_n3A, %dma_wait3A_1031, %dma_wait3A_1032] : memref<2x10000x128xf32, #tpu.memory_space<hbm>> -> memref<1x10000x128xf32, #tpu.memory_space<hbm>>
      %dma_wait3A_1034 = tpu.memref_squeeze %dma_wait3A_1033 : memref<1x10000x128xf32, #tpu.memory_space<hbm>> -> memref<10000x128xf32, #tpu.memory_space<hbm>>
      %dma_wait3A_1035 = arith.constant 0 : i32
      %dma_wait3A_1036 = arith.constant 0 : i32
      %dma_wait3A_1037 = tpu.memref_slice %dma_wait3A_1034[%dma_wait3A_1035, %dma_wait3A_1036] : memref<10000x128xf32, #tpu.memory_space<hbm>> -> memref<10000x128xf32, #tpu.memory_space<hbm>>
      tpu.wait_indirect_dma semaphore(%arg8 : memref<!tpu.dma_semaphore, #tpu.memory_space<semaphore_mem>>) src(%dma_wait3A_1037 : memref<10000x128xf32, #tpu.memory_space<hbm>>) dst(%dma_wait3A_1027 : memref<80x128xf32, #tpu.memory_space<vmem>>)
      %add3A_1038 = arith.constant 1 : i32
      %add3A_1039 = arith.addi %mul3A_923, %add3A_1038 : i32
      %mul3A_1040 = arith.constant 80 : i32
      %mul3A_1041 = arith.muli %add3A_1039, %mul3A_1040 : i32
      %add3A_1042 = arith.addi %mul3A_2, %mul3A_1041 : i32
      %dma_start3A_1043 = arith.constant 1 : i32
      %dma_start3A_1044 = arith.constant 0 : i32
      %dma_start3A_1045 = arith.constant 0 : i32
      %dma_start3A_1046 = tpu.memref_slice %arg6[%dma_start3A_1043, %dma_start3A_1044, %dma_start3A_1045] : memref<10x80x128xf32, #tpu.memory_space<vmem>> -> memref<1x80x128xf32, #tpu.memory_space<vmem>>
      %dma_start3A_1047 = tpu.memref_squeeze %dma_start3A_1046 : memref<1x80x128xf32, #tpu.memory_space<vmem>> -> memref<80x128xf32, #tpu.memory_space<vmem>>
      %dma_start3A_1048 = arith.constant 0 : i32
      %dma_start3A_1049 = tpu.memref_slice %arg4[%add3A_1042, %dma_start3A_1048] : memref<320000x128xf32, #tpu.memory_space<hbm>> -> memref<80x128xf32, #tpu.memory_space<hbm>>
      %dma_start3A_1050 = arith.constant 0 : i32
      %dma_start3A_1051 = tpu.memref_slice %arg4[%add3A_1042, %dma_start3A_1050] : memref<320000x128xf32, #tpu.memory_space<hbm>> -> memref<80x128xf32, #tpu.memory_space<hbm>>
      %dma_start3A_1052 = arith.constant 0 : i32
      %dma_start3A_1053 = arith.constant 0 : i32
      %dma_start3A_1054 = tpu.memref_slice %arg6[%dma_start3A_1043, %dma_start3A_1052, %dma_start3A_1053] : memref<10x80x128xf32, #tpu.memory_space<vmem>> -> memref<1x80x128xf32, #tpu.memory_space<vmem>>
      %dma_start3A_1055 = tpu.memref_squeeze %dma_start3A_1054 : memref<1x80x128xf32, #tpu.memory_space<vmem>> -> memref<80x128xf32, #tpu.memory_space<vmem>>
      tpu.enqueue_dma source(%dma_start3A_1055 : memref<80x128xf32, #tpu.memory_space<vmem>>) target(%dma_start3A_1051 : memref<80x128xf32, #tpu.memory_space<hbm>>) target_semaphore(%arg18 : memref<!tpu.dma_semaphore, #tpu.memory_space<semaphore_mem>>)
      %dma_wait3A_1056 = arith.constant 7 : i32
      %dma_wait3A_1057 = arith.constant 0 : i32
      %dma_wait3A_1058 = arith.constant 0 : i32
      %dma_wait3A_1059 = tpu.memref_slice %arg6[%dma_wait3A_1056, %dma_wait3A_1057, %dma_wait3A_1058] : memref<10x80x128xf32, #tpu.memory_space<vmem>> -> memref<1x80x128xf32, #tpu.memory_space<vmem>>
      %dma_wait3A_1060 = tpu.memref_squeeze %dma_wait3A_1059 : memref<1x80x128xf32, #tpu.memory_space<vmem>> -> memref<80x128xf32, #tpu.memory_space<vmem>>
      %dma_wait3A_1061 = arith.constant 0 : i32
      %dma_wait3A_1062 = tpu.memref_slice %arg4[%mul3A_2, %dma_wait3A_1061] : memref<320000x128xf32, #tpu.memory_space<hbm>> -> memref<80x128xf32, #tpu.memory_space<hbm>>
      %dma_wait3A_1063 = arith.constant 0 : i32
      %dma_wait3A_1064 = tpu.memref_slice %arg4[%mul3A_2, %dma_wait3A_1063] : memref<320000x128xf32, #tpu.memory_space<hbm>> -> memref<80x128xf32, #tpu.memory_space<hbm>>
      %dma_wait3A_1065 = arith.constant 0 : i32
      %dma_wait3A_1066 = arith.constant 0 : i32
      %dma_wait3A_1067 = tpu.memref_slice %arg6[%dma_wait3A_1056, %dma_wait3A_1065, %dma_wait3A_1066] : memref<10x80x128xf32, #tpu.memory_space<vmem>> -> memref<1x80x128xf32, #tpu.memory_space<vmem>>
      %dma_wait3A_1068 = tpu.memref_squeeze %dma_wait3A_1067 : memref<1x80x128xf32, #tpu.memory_space<vmem>> -> memref<80x128xf32, #tpu.memory_space<vmem>>
      tpu.wait_dma2 semaphore(%arg24 : memref<!tpu.dma_semaphore, #tpu.memory_space<semaphore_mem>>) src(%dma_wait3A_1068 : memref<80x128xf32, #tpu.memory_space<vmem>>) dst(%dma_wait3A_1064 : memref<80x128xf32, #tpu.memory_space<hbm>>)
      %add3A_1069 = arith.constant 5 : i32
      %add3A_1070 = arith.addi %mul3A_923, %add3A_1069 : i32
      %add3A_1071 = arith.constant 2 : i32
      %add3A_1072 = arith.addi %add3A_1070, %add3A_1071 : i32
      %dma_start3A_1073 = arith.constant 7 : i32
      %dma_start3A_1074 = arith.constant 0 : i32
      %dma_start3A_1075 = arith.constant 0 : i32
      %dma_start3A_1076 = tpu.memref_slice %arg6[%dma_start3A_1073, %dma_start3A_1074, %dma_start3A_1075] : memref<10x80x128xf32, #tpu.memory_space<vmem>> -> memref<1x80x128xf32, #tpu.memory_space<vmem>>
      %dma_start3A_1077 = tpu.memref_squeeze %dma_start3A_1076 : memref<1x80x128xf32, #tpu.memory_space<vmem>> -> memref<80x128xf32, #tpu.memory_space<vmem>>
      %dma_start3A_1078 = arith.constant 0 : i32
      %dma_start3A_1079 = tpu.memref_slice %arg5[%add3A_1072, %dma_start3A_1078] : memref<125x80xi32, #tpu.memory_space<vmem>> -> memref<1x80xi32, #tpu.memory_space<vmem>>
      %dma_start3A_1080 = tpu.memref_squeeze %dma_start3A_1079 : memref<1x80xi32, #tpu.memory_space<vmem>> -> memref<80xi32, #tpu.memory_space<vmem>>
      %dma_start3A_1081 = arith.constant 0 : i32
      %dma_start3A_1082 = arith.constant 0 : i32
      %dma_start3A_1083 = tpu.memref_slice %arg3[%select_n3A, %dma_start3A_1081, %dma_start3A_1082] : memref<2x10000x128xf32, #tpu.memory_space<hbm>> -> memref<1x10000x128xf32, #tpu.memory_space<hbm>>
      %dma_start3A_1084 = tpu.memref_squeeze %dma_start3A_1083 : memref<1x10000x128xf32, #tpu.memory_space<hbm>> -> memref<10000x128xf32, #tpu.memory_space<hbm>>
      %dma_start3A_1085 = arith.constant 0 : i32
      %dma_start3A_1086 = arith.constant 0 : i32
      %dma_start3A_1087 = tpu.memref_slice %dma_start3A_1084[%dma_start3A_1085, %dma_start3A_1086] : memref<10000x128xf32, #tpu.memory_space<hbm>> -> memref<10000x128xf32, #tpu.memory_space<hbm>>
      tpu.enqueue_indirect_dma source(%dma_start3A_1087 : memref<10000x128xf32, #tpu.memory_space<hbm>>) target(%dma_start3A_1077 : memref<80x128xf32, #tpu.memory_space<vmem>>) offsets(%dma_start3A_1080 : memref<80xi32, #tpu.memory_space<vmem>>) semaphore(%arg14 : memref<!tpu.dma_semaphore, #tpu.memory_space<semaphore_mem>>)
      %dma_wait3A_1088 = arith.constant 0 : i32
      %dma_wait3A_1089 = arith.constant 2 : i32
      %dma_wait3A_1090 = arith.constant 0 : i32
      %dma_wait3A_1091 = arith.constant 0 : i32
      %dma_wait3A_1092 = tpu.memref_slice %arg6[%dma_wait3A_1089, %dma_wait3A_1090, %dma_wait3A_1091] : memref<10x80x128xf32, #tpu.memory_space<vmem>> -> memref<1x80x128xf32, #tpu.memory_space<vmem>>
      %dma_wait3A_1093 = tpu.memref_squeeze %dma_wait3A_1092 : memref<1x80x128xf32, #tpu.memory_space<vmem>> -> memref<80x128xf32, #tpu.memory_space<vmem>>
      %dma_wait3A_1094 = arith.constant 0 : i32
      %dma_wait3A_1095 = tpu.memref_slice %arg5[%dma_wait3A_1088, %dma_wait3A_1094] : memref<125x80xi32, #tpu.memory_space<vmem>> -> memref<1x80xi32, #tpu.memory_space<vmem>>
      %dma_wait3A_1096 = tpu.memref_squeeze %dma_wait3A_1095 : memref<1x80xi32, #tpu.memory_space<vmem>> -> memref<80xi32, #tpu.memory_space<vmem>>
      %dma_wait3A_1097 = arith.constant 0 : i32
      %dma_wait3A_1098 = arith.constant 0 : i32
      %dma_wait3A_1099 = tpu.memref_slice %arg3[%select_n3A, %dma_wait3A_1097, %dma_wait3A_1098] : memref<2x10000x128xf32, #tpu.memory_space<hbm>> -> memref<1x10000x128xf32, #tpu.memory_space<hbm>>
      %dma_wait3A_1100 = tpu.memref_squeeze %dma_wait3A_1099 : memref<1x10000x128xf32, #tpu.memory_space<hbm>> -> memref<10000x128xf32, #tpu.memory_space<hbm>>
      %dma_wait3A_1101 = arith.constant 0 : i32
      %dma_wait3A_1102 = arith.constant 0 : i32
      %dma_wait3A_1103 = tpu.memref_slice %dma_wait3A_1100[%dma_wait3A_1101, %dma_wait3A_1102] : memref<10000x128xf32, #tpu.memory_space<hbm>> -> memref<10000x128xf32, #tpu.memory_space<hbm>>
      tpu.wait_indirect_dma semaphore(%arg9 : memref<!tpu.dma_semaphore, #tpu.memory_space<semaphore_mem>>) src(%dma_wait3A_1103 : memref<10000x128xf32, #tpu.memory_space<hbm>>) dst(%dma_wait3A_1093 : memref<80x128xf32, #tpu.memory_space<vmem>>)
      %add3A_1104 = arith.constant 2 : i32
      %add3A_1105 = arith.addi %mul3A_923, %add3A_1104 : i32
      %mul3A_1106 = arith.constant 80 : i32
      %mul3A_1107 = arith.muli %add3A_1105, %mul3A_1106 : i32
      %add3A_1108 = arith.addi %mul3A_2, %mul3A_1107 : i32
      %dma_start3A_1109 = arith.constant 2 : i32
      %dma_start3A_1110 = arith.constant 0 : i32
      %dma_start3A_1111 = arith.constant 0 : i32
      %dma_start3A_1112 = tpu.memref_slice %arg6[%dma_start3A_1109, %dma_start3A_1110, %dma_start3A_1111] : memref<10x80x128xf32, #tpu.memory_space<vmem>> -> memref<1x80x128xf32, #tpu.memory_space<vmem>>
      %dma_start3A_1113 = tpu.memref_squeeze %dma_start3A_1112 : memref<1x80x128xf32, #tpu.memory_space<vmem>> -> memref<80x128xf32, #tpu.memory_space<vmem>>
      %dma_start3A_1114 = arith.constant 0 : i32
      %dma_start3A_1115 = tpu.memref_slice %arg4[%add3A_1108, %dma_start3A_1114] : memref<320000x128xf32, #tpu.memory_space<hbm>> -> memref<80x128xf32, #tpu.memory_space<hbm>>
      %dma_start3A_1116 = arith.constant 0 : i32
      %dma_start3A_1117 = tpu.memref_slice %arg4[%add3A_1108, %dma_start3A_1116] : memref<320000x128xf32, #tpu.memory_space<hbm>> -> memref<80x128xf32, #tpu.memory_space<hbm>>
      %dma_start3A_1118 = arith.constant 0 : i32
      %dma_start3A_1119 = arith.constant 0 : i32
      %dma_start3A_1120 = tpu.memref_slice %arg6[%dma_start3A_1109, %dma_start3A_1118, %dma_start3A_1119] : memref<10x80x128xf32, #tpu.memory_space<vmem>> -> memref<1x80x128xf32, #tpu.memory_space<vmem>>
      %dma_start3A_1121 = tpu.memref_squeeze %dma_start3A_1120 : memref<1x80x128xf32, #tpu.memory_space<vmem>> -> memref<80x128xf32, #tpu.memory_space<vmem>>
      tpu.enqueue_dma source(%dma_start3A_1121 : memref<80x128xf32, #tpu.memory_space<vmem>>) target(%dma_start3A_1117 : memref<80x128xf32, #tpu.memory_space<hbm>>) target_semaphore(%arg19 : memref<!tpu.dma_semaphore, #tpu.memory_space<semaphore_mem>>)
      %dma_wait3A_1122 = arith.constant 8 : i32
      %dma_wait3A_1123 = arith.constant 0 : i32
      %dma_wait3A_1124 = arith.constant 0 : i32
      %dma_wait3A_1125 = tpu.memref_slice %arg6[%dma_wait3A_1122, %dma_wait3A_1123, %dma_wait3A_1124] : memref<10x80x128xf32, #tpu.memory_space<vmem>> -> memref<1x80x128xf32, #tpu.memory_space<vmem>>
      %dma_wait3A_1126 = tpu.memref_squeeze %dma_wait3A_1125 : memref<1x80x128xf32, #tpu.memory_space<vmem>> -> memref<80x128xf32, #tpu.memory_space<vmem>>
      %dma_wait3A_1127 = arith.constant 0 : i32
      %dma_wait3A_1128 = tpu.memref_slice %arg4[%mul3A_2, %dma_wait3A_1127] : memref<320000x128xf32, #tpu.memory_space<hbm>> -> memref<80x128xf32, #tpu.memory_space<hbm>>
      %dma_wait3A_1129 = arith.constant 0 : i32
      %dma_wait3A_1130 = tpu.memref_slice %arg4[%mul3A_2, %dma_wait3A_1129] : memref<320000x128xf32, #tpu.memory_space<hbm>> -> memref<80x128xf32, #tpu.memory_space<hbm>>
      %dma_wait3A_1131 = arith.constant 0 : i32
      %dma_wait3A_1132 = arith.constant 0 : i32
      %dma_wait3A_1133 = tpu.memref_slice %arg6[%dma_wait3A_1122, %dma_wait3A_1131, %dma_wait3A_1132] : memref<10x80x128xf32, #tpu.memory_space<vmem>> -> memref<1x80x128xf32, #tpu.memory_space<vmem>>
      %dma_wait3A_1134 = tpu.memref_squeeze %dma_wait3A_1133 : memref<1x80x128xf32, #tpu.memory_space<vmem>> -> memref<80x128xf32, #tpu.memory_space<vmem>>
      tpu.wait_dma2 semaphore(%arg25 : memref<!tpu.dma_semaphore, #tpu.memory_space<semaphore_mem>>) src(%dma_wait3A_1134 : memref<80x128xf32, #tpu.memory_space<vmem>>) dst(%dma_wait3A_1130 : memref<80x128xf32, #tpu.memory_space<hbm>>)
      %add3A_1135 = arith.constant 5 : i32
      %add3A_1136 = arith.addi %mul3A_923, %add3A_1135 : i32
      %add3A_1137 = arith.constant 3 : i32
      %add3A_1138 = arith.addi %add3A_1136, %add3A_1137 : i32
      %dma_start3A_1139 = arith.constant 8 : i32
      %dma_start3A_1140 = arith.constant 0 : i32
      %dma_start3A_1141 = arith.constant 0 : i32
      %dma_start3A_1142 = tpu.memref_slice %arg6[%dma_start3A_1139, %dma_start3A_1140, %dma_start3A_1141] : memref<10x80x128xf32, #tpu.memory_space<vmem>> -> memref<1x80x128xf32, #tpu.memory_space<vmem>>
      %dma_start3A_1143 = tpu.memref_squeeze %dma_start3A_1142 : memref<1x80x128xf32, #tpu.memory_space<vmem>> -> memref<80x128xf32, #tpu.memory_space<vmem>>
      %dma_start3A_1144 = arith.constant 0 : i32
      %dma_start3A_1145 = tpu.memref_slice %arg5[%add3A_1138, %dma_start3A_1144] : memref<125x80xi32, #tpu.memory_space<vmem>> -> memref<1x80xi32, #tpu.memory_space<vmem>>
      %dma_start3A_1146 = tpu.memref_squeeze %dma_start3A_1145 : memref<1x80xi32, #tpu.memory_space<vmem>> -> memref<80xi32, #tpu.memory_space<vmem>>
      %dma_start3A_1147 = arith.constant 0 : i32
      %dma_start3A_1148 = arith.constant 0 : i32
      %dma_start3A_1149 = tpu.memref_slice %arg3[%select_n3A, %dma_start3A_1147, %dma_start3A_1148] : memref<2x10000x128xf32, #tpu.memory_space<hbm>> -> memref<1x10000x128xf32, #tpu.memory_space<hbm>>
      %dma_start3A_1150 = tpu.memref_squeeze %dma_start3A_1149 : memref<1x10000x128xf32, #tpu.memory_space<hbm>> -> memref<10000x128xf32, #tpu.memory_space<hbm>>
      %dma_start3A_1151 = arith.constant 0 : i32
      %dma_start3A_1152 = arith.constant 0 : i32
      %dma_start3A_1153 = tpu.memref_slice %dma_start3A_1150[%dma_start3A_1151, %dma_start3A_1152] : memref<10000x128xf32, #tpu.memory_space<hbm>> -> memref<10000x128xf32, #tpu.memory_space<hbm>>
      tpu.enqueue_indirect_dma source(%dma_start3A_1153 : memref<10000x128xf32, #tpu.memory_space<hbm>>) target(%dma_start3A_1143 : memref<80x128xf32, #tpu.memory_space<vmem>>) offsets(%dma_start3A_1146 : memref<80xi32, #tpu.memory_space<vmem>>) semaphore(%arg15 : memref<!tpu.dma_semaphore, #tpu.memory_space<semaphore_mem>>)
      %dma_wait3A_1154 = arith.constant 0 : i32
      %dma_wait3A_1155 = arith.constant 3 : i32
      %dma_wait3A_1156 = arith.constant 0 : i32
      %dma_wait3A_1157 = arith.constant 0 : i32
      %dma_wait3A_1158 = tpu.memref_slice %arg6[%dma_wait3A_1155, %dma_wait3A_1156, %dma_wait3A_1157] : memref<10x80x128xf32, #tpu.memory_space<vmem>> -> memref<1x80x128xf32, #tpu.memory_space<vmem>>
      %dma_wait3A_1159 = tpu.memref_squeeze %dma_wait3A_1158 : memref<1x80x128xf32, #tpu.memory_space<vmem>> -> memref<80x128xf32, #tpu.memory_space<vmem>>
      %dma_wait3A_1160 = arith.constant 0 : i32
      %dma_wait3A_1161 = tpu.memref_slice %arg5[%dma_wait3A_1154, %dma_wait3A_1160] : memref<125x80xi32, #tpu.memory_space<vmem>> -> memref<1x80xi32, #tpu.memory_space<vmem>>
      %dma_wait3A_1162 = tpu.memref_squeeze %dma_wait3A_1161 : memref<1x80xi32, #tpu.memory_space<vmem>> -> memref<80xi32, #tpu.memory_space<vmem>>
      %dma_wait3A_1163 = arith.constant 0 : i32
      %dma_wait3A_1164 = arith.constant 0 : i32
      %dma_wait3A_1165 = tpu.memref_slice %arg3[%select_n3A, %dma_wait3A_1163, %dma_wait3A_1164] : memref<2x10000x128xf32, #tpu.memory_space<hbm>> -> memref<1x10000x128xf32, #tpu.memory_space<hbm>>
      %dma_wait3A_1166 = tpu.memref_squeeze %dma_wait3A_1165 : memref<1x10000x128xf32, #tpu.memory_space<hbm>> -> memref<10000x128xf32, #tpu.memory_space<hbm>>
      %dma_wait3A_1167 = arith.constant 0 : i32
      %dma_wait3A_1168 = arith.constant 0 : i32
      %dma_wait3A_1169 = tpu.memref_slice %dma_wait3A_1166[%dma_wait3A_1167, %dma_wait3A_1168] : memref<10000x128xf32, #tpu.memory_space<hbm>> -> memref<10000x128xf32, #tpu.memory_space<hbm>>
      tpu.wait_indirect_dma semaphore(%arg10 : memref<!tpu.dma_semaphore, #tpu.memory_space<semaphore_mem>>) src(%dma_wait3A_1169 : memref<10000x128xf32, #tpu.memory_space<hbm>>) dst(%dma_wait3A_1159 : memref<80x128xf32, #tpu.memory_space<vmem>>)
      %add3A_1170 = arith.constant 3 : i32
      %add3A_1171 = arith.addi %mul3A_923, %add3A_1170 : i32
      %mul3A_1172 = arith.constant 80 : i32
      %mul3A_1173 = arith.muli %add3A_1171, %mul3A_1172 : i32
      %add3A_1174 = arith.addi %mul3A_2, %mul3A_1173 : i32
      %dma_start3A_1175 = arith.constant 3 : i32
      %dma_start3A_1176 = arith.constant 0 : i32
      %dma_start3A_1177 = arith.constant 0 : i32
      %dma_start3A_1178 = tpu.memref_slice %arg6[%dma_start3A_1175, %dma_start3A_1176, %dma_start3A_1177] : memref<10x80x128xf32, #tpu.memory_space<vmem>> -> memref<1x80x128xf32, #tpu.memory_space<vmem>>
      %dma_start3A_1179 = tpu.memref_squeeze %dma_start3A_1178 : memref<1x80x128xf32, #tpu.memory_space<vmem>> -> memref<80x128xf32, #tpu.memory_space<vmem>>
      %dma_start3A_1180 = arith.constant 0 : i32
      %dma_start3A_1181 = tpu.memref_slice %arg4[%add3A_1174, %dma_start3A_1180] : memref<320000x128xf32, #tpu.memory_space<hbm>> -> memref<80x128xf32, #tpu.memory_space<hbm>>
      %dma_start3A_1182 = arith.constant 0 : i32
      %dma_start3A_1183 = tpu.memref_slice %arg4[%add3A_1174, %dma_start3A_1182] : memref<320000x128xf32, #tpu.memory_space<hbm>> -> memref<80x128xf32, #tpu.memory_space<hbm>>
      %dma_start3A_1184 = arith.constant 0 : i32
      %dma_start3A_1185 = arith.constant 0 : i32
      %dma_start3A_1186 = tpu.memref_slice %arg6[%dma_start3A_1175, %dma_start3A_1184, %dma_start3A_1185] : memref<10x80x128xf32, #tpu.memory_space<vmem>> -> memref<1x80x128xf32, #tpu.memory_space<vmem>>
      %dma_start3A_1187 = tpu.memref_squeeze %dma_start3A_1186 : memref<1x80x128xf32, #tpu.memory_space<vmem>> -> memref<80x128xf32, #tpu.memory_space<vmem>>
      tpu.enqueue_dma source(%dma_start3A_1187 : memref<80x128xf32, #tpu.memory_space<vmem>>) target(%dma_start3A_1183 : memref<80x128xf32, #tpu.memory_space<hbm>>) target_semaphore(%arg20 : memref<!tpu.dma_semaphore, #tpu.memory_space<semaphore_mem>>)
      %dma_wait3A_1188 = arith.constant 9 : i32
      %dma_wait3A_1189 = arith.constant 0 : i32
      %dma_wait3A_1190 = arith.constant 0 : i32
      %dma_wait3A_1191 = tpu.memref_slice %arg6[%dma_wait3A_1188, %dma_wait3A_1189, %dma_wait3A_1190] : memref<10x80x128xf32, #tpu.memory_space<vmem>> -> memref<1x80x128xf32, #tpu.memory_space<vmem>>
      %dma_wait3A_1192 = tpu.memref_squeeze %dma_wait3A_1191 : memref<1x80x128xf32, #tpu.memory_space<vmem>> -> memref<80x128xf32, #tpu.memory_space<vmem>>
      %dma_wait3A_1193 = arith.constant 0 : i32
      %dma_wait3A_1194 = tpu.memref_slice %arg4[%mul3A_2, %dma_wait3A_1193] : memref<320000x128xf32, #tpu.memory_space<hbm>> -> memref<80x128xf32, #tpu.memory_space<hbm>>
      %dma_wait3A_1195 = arith.constant 0 : i32
      %dma_wait3A_1196 = tpu.memref_slice %arg4[%mul3A_2, %dma_wait3A_1195] : memref<320000x128xf32, #tpu.memory_space<hbm>> -> memref<80x128xf32, #tpu.memory_space<hbm>>
      %dma_wait3A_1197 = arith.constant 0 : i32
      %dma_wait3A_1198 = arith.constant 0 : i32
      %dma_wait3A_1199 = tpu.memref_slice %arg6[%dma_wait3A_1188, %dma_wait3A_1197, %dma_wait3A_1198] : memref<10x80x128xf32, #tpu.memory_space<vmem>> -> memref<1x80x128xf32, #tpu.memory_space<vmem>>
      %dma_wait3A_1200 = tpu.memref_squeeze %dma_wait3A_1199 : memref<1x80x128xf32, #tpu.memory_space<vmem>> -> memref<80x128xf32, #tpu.memory_space<vmem>>
      tpu.wait_dma2 semaphore(%arg26 : memref<!tpu.dma_semaphore, #tpu.memory_space<semaphore_mem>>) src(%dma_wait3A_1200 : memref<80x128xf32, #tpu.memory_space<vmem>>) dst(%dma_wait3A_1196 : memref<80x128xf32, #tpu.memory_space<hbm>>)
      %add3A_1201 = arith.constant 5 : i32
      %add3A_1202 = arith.addi %mul3A_923, %add3A_1201 : i32
      %add3A_1203 = arith.constant 4 : i32
      %add3A_1204 = arith.addi %add3A_1202, %add3A_1203 : i32
      %dma_start3A_1205 = arith.constant 9 : i32
      %dma_start3A_1206 = arith.constant 0 : i32
      %dma_start3A_1207 = arith.constant 0 : i32
      %dma_start3A_1208 = tpu.memref_slice %arg6[%dma_start3A_1205, %dma_start3A_1206, %dma_start3A_1207] : memref<10x80x128xf32, #tpu.memory_space<vmem>> -> memref<1x80x128xf32, #tpu.memory_space<vmem>>
      %dma_start3A_1209 = tpu.memref_squeeze %dma_start3A_1208 : memref<1x80x128xf32, #tpu.memory_space<vmem>> -> memref<80x128xf32, #tpu.memory_space<vmem>>
      %dma_start3A_1210 = arith.constant 0 : i32
      %dma_start3A_1211 = tpu.memref_slice %arg5[%add3A_1204, %dma_start3A_1210] : memref<125x80xi32, #tpu.memory_space<vmem>> -> memref<1x80xi32, #tpu.memory_space<vmem>>
      %dma_start3A_1212 = tpu.memref_squeeze %dma_start3A_1211 : memref<1x80xi32, #tpu.memory_space<vmem>> -> memref<80xi32, #tpu.memory_space<vmem>>
      %dma_start3A_1213 = arith.constant 0 : i32
      %dma_start3A_1214 = arith.constant 0 : i32
      %dma_start3A_1215 = tpu.memref_slice %arg3[%select_n3A, %dma_start3A_1213, %dma_start3A_1214] : memref<2x10000x128xf32, #tpu.memory_space<hbm>> -> memref<1x10000x128xf32, #tpu.memory_space<hbm>>
      %dma_start3A_1216 = tpu.memref_squeeze %dma_start3A_1215 : memref<1x10000x128xf32, #tpu.memory_space<hbm>> -> memref<10000x128xf32, #tpu.memory_space<hbm>>
      %dma_start3A_1217 = arith.constant 0 : i32
      %dma_start3A_1218 = arith.constant 0 : i32
      %dma_start3A_1219 = tpu.memref_slice %dma_start3A_1216[%dma_start3A_1217, %dma_start3A_1218] : memref<10000x128xf32, #tpu.memory_space<hbm>> -> memref<10000x128xf32, #tpu.memory_space<hbm>>
      tpu.enqueue_indirect_dma source(%dma_start3A_1219 : memref<10000x128xf32, #tpu.memory_space<hbm>>) target(%dma_start3A_1209 : memref<80x128xf32, #tpu.memory_space<vmem>>) offsets(%dma_start3A_1212 : memref<80xi32, #tpu.memory_space<vmem>>) semaphore(%arg16 : memref<!tpu.dma_semaphore, #tpu.memory_space<semaphore_mem>>)
      %dma_wait3A_1220 = arith.constant 0 : i32
      %dma_wait3A_1221 = arith.constant 4 : i32
      %dma_wait3A_1222 = arith.constant 0 : i32
      %dma_wait3A_1223 = arith.constant 0 : i32
      %dma_wait3A_1224 = tpu.memref_slice %arg6[%dma_wait3A_1221, %dma_wait3A_1222, %dma_wait3A_1223] : memref<10x80x128xf32, #tpu.memory_space<vmem>> -> memref<1x80x128xf32, #tpu.memory_space<vmem>>
      %dma_wait3A_1225 = tpu.memref_squeeze %dma_wait3A_1224 : memref<1x80x128xf32, #tpu.memory_space<vmem>> -> memref<80x128xf32, #tpu.memory_space<vmem>>
      %dma_wait3A_1226 = arith.constant 0 : i32
      %dma_wait3A_1227 = tpu.memref_slice %arg5[%dma_wait3A_1220, %dma_wait3A_1226] : memref<125x80xi32, #tpu.memory_space<vmem>> -> memref<1x80xi32, #tpu.memory_space<vmem>>
      %dma_wait3A_1228 = tpu.memref_squeeze %dma_wait3A_1227 : memref<1x80xi32, #tpu.memory_space<vmem>> -> memref<80xi32, #tpu.memory_space<vmem>>
      %dma_wait3A_1229 = arith.constant 0 : i32
      %dma_wait3A_1230 = arith.constant 0 : i32
      %dma_wait3A_1231 = tpu.memref_slice %arg3[%select_n3A, %dma_wait3A_1229, %dma_wait3A_1230] : memref<2x10000x128xf32, #tpu.memory_space<hbm>> -> memref<1x10000x128xf32, #tpu.memory_space<hbm>>
      %dma_wait3A_1232 = tpu.memref_squeeze %dma_wait3A_1231 : memref<1x10000x128xf32, #tpu.memory_space<hbm>> -> memref<10000x128xf32, #tpu.memory_space<hbm>>
      %dma_wait3A_1233 = arith.constant 0 : i32
      %dma_wait3A_1234 = arith.constant 0 : i32
      %dma_wait3A_1235 = tpu.memref_slice %dma_wait3A_1232[%dma_wait3A_1233, %dma_wait3A_1234] : memref<10000x128xf32, #tpu.memory_space<hbm>> -> memref<10000x128xf32, #tpu.memory_space<hbm>>
      tpu.wait_indirect_dma semaphore(%arg11 : memref<!tpu.dma_semaphore, #tpu.memory_space<semaphore_mem>>) src(%dma_wait3A_1235 : memref<10000x128xf32, #tpu.memory_space<hbm>>) dst(%dma_wait3A_1225 : memref<80x128xf32, #tpu.memory_space<vmem>>)
      %add3A_1236 = arith.constant 4 : i32
      %add3A_1237 = arith.addi %mul3A_923, %add3A_1236 : i32
      %mul3A_1238 = arith.constant 80 : i32
      %mul3A_1239 = arith.muli %add3A_1237, %mul3A_1238 : i32
      %add3A_1240 = arith.addi %mul3A_2, %mul3A_1239 : i32
      %dma_start3A_1241 = arith.constant 4 : i32
      %dma_start3A_1242 = arith.constant 0 : i32
      %dma_start3A_1243 = arith.constant 0 : i32
      %dma_start3A_1244 = tpu.memref_slice %arg6[%dma_start3A_1241, %dma_start3A_1242, %dma_start3A_1243] : memref<10x80x128xf32, #tpu.memory_space<vmem>> -> memref<1x80x128xf32, #tpu.memory_space<vmem>>
      %dma_start3A_1245 = tpu.memref_squeeze %dma_start3A_1244 : memref<1x80x128xf32, #tpu.memory_space<vmem>> -> memref<80x128xf32, #tpu.memory_space<vmem>>
      %dma_start3A_1246 = arith.constant 0 : i32
      %dma_start3A_1247 = tpu.memref_slice %arg4[%add3A_1240, %dma_start3A_1246] : memref<320000x128xf32, #tpu.memory_space<hbm>> -> memref<80x128xf32, #tpu.memory_space<hbm>>
      %dma_start3A_1248 = arith.constant 0 : i32
      %dma_start3A_1249 = tpu.memref_slice %arg4[%add3A_1240, %dma_start3A_1248] : memref<320000x128xf32, #tpu.memory_space<hbm>> -> memref<80x128xf32, #tpu.memory_space<hbm>>
      %dma_start3A_1250 = arith.constant 0 : i32
      %dma_start3A_1251 = arith.constant 0 : i32
      %dma_start3A_1252 = tpu.memref_slice %arg6[%dma_start3A_1241, %dma_start3A_1250, %dma_start3A_1251] : memref<10x80x128xf32, #tpu.memory_space<vmem>> -> memref<1x80x128xf32, #tpu.memory_space<vmem>>
      %dma_start3A_1253 = tpu.memref_squeeze %dma_start3A_1252 : memref<1x80x128xf32, #tpu.memory_space<vmem>> -> memref<80x128xf32, #tpu.memory_space<vmem>>
      tpu.enqueue_dma source(%dma_start3A_1253 : memref<80x128xf32, #tpu.memory_space<vmem>>) target(%dma_start3A_1249 : memref<80x128xf32, #tpu.memory_space<hbm>>) target_semaphore(%arg21 : memref<!tpu.dma_semaphore, #tpu.memory_space<semaphore_mem>>)
      %dma_wait3A_1254 = arith.constant 0 : i32
      %dma_wait3A_1255 = arith.constant 0 : i32
      %dma_wait3A_1256 = arith.constant 0 : i32
      %dma_wait3A_1257 = tpu.memref_slice %arg6[%dma_wait3A_1254, %dma_wait3A_1255, %dma_wait3A_1256] : memref<10x80x128xf32, #tpu.memory_space<vmem>> -> memref<1x80x128xf32, #tpu.memory_space<vmem>>
      %dma_wait3A_1258 = tpu.memref_squeeze %dma_wait3A_1257 : memref<1x80x128xf32, #tpu.memory_space<vmem>> -> memref<80x128xf32, #tpu.memory_space<vmem>>
      %dma_wait3A_1259 = arith.constant 0 : i32
      %dma_wait3A_1260 = tpu.memref_slice %arg4[%mul3A_2, %dma_wait3A_1259] : memref<320000x128xf32, #tpu.memory_space<hbm>> -> memref<80x128xf32, #tpu.memory_space<hbm>>
      %dma_wait3A_1261 = arith.constant 0 : i32
      %dma_wait3A_1262 = tpu.memref_slice %arg4[%mul3A_2, %dma_wait3A_1261] : memref<320000x128xf32, #tpu.memory_space<hbm>> -> memref<80x128xf32, #tpu.memory_space<hbm>>
      %dma_wait3A_1263 = arith.constant 0 : i32
      %dma_wait3A_1264 = arith.constant 0 : i32
      %dma_wait3A_1265 = tpu.memref_slice %arg6[%dma_wait3A_1254, %dma_wait3A_1263, %dma_wait3A_1264] : memref<10x80x128xf32, #tpu.memory_space<vmem>> -> memref<1x80x128xf32, #tpu.memory_space<vmem>>
      %dma_wait3A_1266 = tpu.memref_squeeze %dma_wait3A_1265 : memref<1x80x128xf32, #tpu.memory_space<vmem>> -> memref<80x128xf32, #tpu.memory_space<vmem>>
      tpu.wait_dma2 semaphore(%arg17 : memref<!tpu.dma_semaphore, #tpu.memory_space<semaphore_mem>>) src(%dma_wait3A_1266 : memref<80x128xf32, #tpu.memory_space<vmem>>) dst(%dma_wait3A_1262 : memref<80x128xf32, #tpu.memory_space<hbm>>)
      %add3A_1267 = arith.constant 5 : i32
      %add3A_1268 = arith.addi %mul3A_923, %add3A_1267 : i32
      %add3A_1269 = arith.constant 5 : i32
      %add3A_1270 = arith.addi %add3A_1268, %add3A_1269 : i32
      %dma_start3A_1271 = arith.constant 0 : i32
      %dma_start3A_1272 = arith.constant 0 : i32
      %dma_start3A_1273 = arith.constant 0 : i32
      %dma_start3A_1274 = tpu.memref_slice %arg6[%dma_start3A_1271, %dma_start3A_1272, %dma_start3A_1273] : memref<10x80x128xf32, #tpu.memory_space<vmem>> -> memref<1x80x128xf32, #tpu.memory_space<vmem>>
      %dma_start3A_1275 = tpu.memref_squeeze %dma_start3A_1274 : memref<1x80x128xf32, #tpu.memory_space<vmem>> -> memref<80x128xf32, #tpu.memory_space<vmem>>
      %dma_start3A_1276 = arith.constant 0 : i32
      %dma_start3A_1277 = tpu.memref_slice %arg5[%add3A_1270, %dma_start3A_1276] : memref<125x80xi32, #tpu.memory_space<vmem>> -> memref<1x80xi32, #tpu.memory_space<vmem>>
      %dma_start3A_1278 = tpu.memref_squeeze %dma_start3A_1277 : memref<1x80xi32, #tpu.memory_space<vmem>> -> memref<80xi32, #tpu.memory_space<vmem>>
      %dma_start3A_1279 = arith.constant 0 : i32
      %dma_start3A_1280 = arith.constant 0 : i32
      %dma_start3A_1281 = tpu.memref_slice %arg3[%select_n3A, %dma_start3A_1279, %dma_start3A_1280] : memref<2x10000x128xf32, #tpu.memory_space<hbm>> -> memref<1x10000x128xf32, #tpu.memory_space<hbm>>
      %dma_start3A_1282 = tpu.memref_squeeze %dma_start3A_1281 : memref<1x10000x128xf32, #tpu.memory_space<hbm>> -> memref<10000x128xf32, #tpu.memory_space<hbm>>
      %dma_start3A_1283 = arith.constant 0 : i32
      %dma_start3A_1284 = arith.constant 0 : i32
      %dma_start3A_1285 = tpu.memref_slice %dma_start3A_1282[%dma_start3A_1283, %dma_start3A_1284] : memref<10000x128xf32, #tpu.memory_space<hbm>> -> memref<10000x128xf32, #tpu.memory_space<hbm>>
      tpu.enqueue_indirect_dma source(%dma_start3A_1285 : memref<10000x128xf32, #tpu.memory_space<hbm>>) target(%dma_start3A_1275 : memref<80x128xf32, #tpu.memory_space<vmem>>) offsets(%dma_start3A_1278 : memref<80xi32, #tpu.memory_space<vmem>>) semaphore(%arg7 : memref<!tpu.dma_semaphore, #tpu.memory_space<semaphore_mem>>)
      %dma_wait3A_1286 = arith.constant 0 : i32
      %dma_wait3A_1287 = arith.constant 5 : i32
      %dma_wait3A_1288 = arith.constant 0 : i32
      %dma_wait3A_1289 = arith.constant 0 : i32
      %dma_wait3A_1290 = tpu.memref_slice %arg6[%dma_wait3A_1287, %dma_wait3A_1288, %dma_wait3A_1289] : memref<10x80x128xf32, #tpu.memory_space<vmem>> -> memref<1x80x128xf32, #tpu.memory_space<vmem>>
      %dma_wait3A_1291 = tpu.memref_squeeze %dma_wait3A_1290 : memref<1x80x128xf32, #tpu.memory_space<vmem>> -> memref<80x128xf32, #tpu.memory_space<vmem>>
      %dma_wait3A_1292 = arith.constant 0 : i32
      %dma_wait3A_1293 = tpu.memref_slice %arg5[%dma_wait3A_1286, %dma_wait3A_1292] : memref<125x80xi32, #tpu.memory_space<vmem>> -> memref<1x80xi32, #tpu.memory_space<vmem>>
      %dma_wait3A_1294 = tpu.memref_squeeze %dma_wait3A_1293 : memref<1x80xi32, #tpu.memory_space<vmem>> -> memref<80xi32, #tpu.memory_space<vmem>>
      %dma_wait3A_1295 = arith.constant 0 : i32
      %dma_wait3A_1296 = arith.constant 0 : i32
      %dma_wait3A_1297 = tpu.memref_slice %arg3[%select_n3A, %dma_wait3A_1295, %dma_wait3A_1296] : memref<2x10000x128xf32, #tpu.memory_space<hbm>> -> memref<1x10000x128xf32, #tpu.memory_space<hbm>>
      %dma_wait3A_1298 = tpu.memref_squeeze %dma_wait3A_1297 : memref<1x10000x128xf32, #tpu.memory_space<hbm>> -> memref<10000x128xf32, #tpu.memory_space<hbm>>
      %dma_wait3A_1299 = arith.constant 0 : i32
      %dma_wait3A_1300 = arith.constant 0 : i32
      %dma_wait3A_1301 = tpu.memref_slice %dma_wait3A_1298[%dma_wait3A_1299, %dma_wait3A_1300] : memref<10000x128xf32, #tpu.memory_space<hbm>> -> memref<10000x128xf32, #tpu.memory_space<hbm>>
      tpu.wait_indirect_dma semaphore(%arg12 : memref<!tpu.dma_semaphore, #tpu.memory_space<semaphore_mem>>) src(%dma_wait3A_1301 : memref<10000x128xf32, #tpu.memory_space<hbm>>) dst(%dma_wait3A_1291 : memref<80x128xf32, #tpu.memory_space<vmem>>)
      %add3A_1302 = arith.constant 5 : i32
      %add3A_1303 = arith.addi %mul3A_923, %add3A_1302 : i32
      %mul3A_1304 = arith.constant 80 : i32
      %mul3A_1305 = arith.muli %add3A_1303, %mul3A_1304 : i32
      %add3A_1306 = arith.addi %mul3A_2, %mul3A_1305 : i32
      %dma_start3A_1307 = arith.constant 5 : i32
      %dma_start3A_1308 = arith.constant 0 : i32
      %dma_start3A_1309 = arith.constant 0 : i32
      %dma_start3A_1310 = tpu.memref_slice %arg6[%dma_start3A_1307, %dma_start3A_1308, %dma_start3A_1309] : memref<10x80x128xf32, #tpu.memory_space<vmem>> -> memref<1x80x128xf32, #tpu.memory_space<vmem>>
      %dma_start3A_1311 = tpu.memref_squeeze %dma_start3A_1310 : memref<1x80x128xf32, #tpu.memory_space<vmem>> -> memref<80x128xf32, #tpu.memory_space<vmem>>
      %dma_start3A_1312 = arith.constant 0 : i32
      %dma_start3A_1313 = tpu.memref_slice %arg4[%add3A_1306, %dma_start3A_1312] : memref<320000x128xf32, #tpu.memory_space<hbm>> -> memref<80x128xf32, #tpu.memory_space<hbm>>
      %dma_start3A_1314 = arith.constant 0 : i32
      %dma_start3A_1315 = tpu.memref_slice %arg4[%add3A_1306, %dma_start3A_1314] : memref<320000x128xf32, #tpu.memory_space<hbm>> -> memref<80x128xf32, #tpu.memory_space<hbm>>
      %dma_start3A_1316 = arith.constant 0 : i32
      %dma_start3A_1317 = arith.constant 0 : i32
      %dma_start3A_1318 = tpu.memref_slice %arg6[%dma_start3A_1307, %dma_start3A_1316, %dma_start3A_1317] : memref<10x80x128xf32, #tpu.memory_space<vmem>> -> memref<1x80x128xf32, #tpu.memory_space<vmem>>
      %dma_start3A_1319 = tpu.memref_squeeze %dma_start3A_1318 : memref<1x80x128xf32, #tpu.memory_space<vmem>> -> memref<80x128xf32, #tpu.memory_space<vmem>>
      tpu.enqueue_dma source(%dma_start3A_1319 : memref<80x128xf32, #tpu.memory_space<vmem>>) target(%dma_start3A_1315 : memref<80x128xf32, #tpu.memory_space<hbm>>) target_semaphore(%arg22 : memref<!tpu.dma_semaphore, #tpu.memory_space<semaphore_mem>>)
      %dma_wait3A_1320 = arith.constant 1 : i32
      %dma_wait3A_1321 = arith.constant 0 : i32
      %dma_wait3A_1322 = arith.constant 0 : i32
      %dma_wait3A_1323 = tpu.memref_slice %arg6[%dma_wait3A_1320, %dma_wait3A_1321, %dma_wait3A_1322] : memref<10x80x128xf32, #tpu.memory_space<vmem>> -> memref<1x80x128xf32, #tpu.memory_space<vmem>>
      %dma_wait3A_1324 = tpu.memref_squeeze %dma_wait3A_1323 : memref<1x80x128xf32, #tpu.memory_space<vmem>> -> memref<80x128xf32, #tpu.memory_space<vmem>>
      %dma_wait3A_1325 = arith.constant 0 : i32
      %dma_wait3A_1326 = tpu.memref_slice %arg4[%mul3A_2, %dma_wait3A_1325] : memref<320000x128xf32, #tpu.memory_space<hbm>> -> memref<80x128xf32, #tpu.memory_space<hbm>>
      %dma_wait3A_1327 = arith.constant 0 : i32
      %dma_wait3A_1328 = tpu.memref_slice %arg4[%mul3A_2, %dma_wait3A_1327] : memref<320000x128xf32, #tpu.memory_space<hbm>> -> memref<80x128xf32, #tpu.memory_space<hbm>>
      %dma_wait3A_1329 = arith.constant 0 : i32
      %dma_wait3A_1330 = arith.constant 0 : i32
      %dma_wait3A_1331 = tpu.memref_slice %arg6[%dma_wait3A_1320, %dma_wait3A_1329, %dma_wait3A_1330] : memref<10x80x128xf32, #tpu.memory_space<vmem>> -> memref<1x80x128xf32, #tpu.memory_space<vmem>>
      %dma_wait3A_1332 = tpu.memref_squeeze %dma_wait3A_1331 : memref<1x80x128xf32, #tpu.memory_space<vmem>> -> memref<80x128xf32, #tpu.memory_space<vmem>>
      tpu.wait_dma2 semaphore(%arg18 : memref<!tpu.dma_semaphore, #tpu.memory_space<semaphore_mem>>) src(%dma_wait3A_1332 : memref<80x128xf32, #tpu.memory_space<vmem>>) dst(%dma_wait3A_1328 : memref<80x128xf32, #tpu.memory_space<hbm>>)
      %add3A_1333 = arith.constant 5 : i32
      %add3A_1334 = arith.addi %mul3A_923, %add3A_1333 : i32
      %add3A_1335 = arith.constant 6 : i32
      %add3A_1336 = arith.addi %add3A_1334, %add3A_1335 : i32
      %dma_start3A_1337 = arith.constant 1 : i32
      %dma_start3A_1338 = arith.constant 0 : i32
      %dma_start3A_1339 = arith.constant 0 : i32
      %dma_start3A_1340 = tpu.memref_slice %arg6[%dma_start3A_1337, %dma_start3A_1338, %dma_start3A_1339] : memref<10x80x128xf32, #tpu.memory_space<vmem>> -> memref<1x80x128xf32, #tpu.memory_space<vmem>>
      %dma_start3A_1341 = tpu.memref_squeeze %dma_start3A_1340 : memref<1x80x128xf32, #tpu.memory_space<vmem>> -> memref<80x128xf32, #tpu.memory_space<vmem>>
      %dma_start3A_1342 = arith.constant 0 : i32
      %dma_start3A_1343 = tpu.memref_slice %arg5[%add3A_1336, %dma_start3A_1342] : memref<125x80xi32, #tpu.memory_space<vmem>> -> memref<1x80xi32, #tpu.memory_space<vmem>>
      %dma_start3A_1344 = tpu.memref_squeeze %dma_start3A_1343 : memref<1x80xi32, #tpu.memory_space<vmem>> -> memref<80xi32, #tpu.memory_space<vmem>>
      %dma_start3A_1345 = arith.constant 0 : i32
      %dma_start3A_1346 = arith.constant 0 : i32
      %dma_start3A_1347 = tpu.memref_slice %arg3[%select_n3A, %dma_start3A_1345, %dma_start3A_1346] : memref<2x10000x128xf32, #tpu.memory_space<hbm>> -> memref<1x10000x128xf32, #tpu.memory_space<hbm>>
      %dma_start3A_1348 = tpu.memref_squeeze %dma_start3A_1347 : memref<1x10000x128xf32, #tpu.memory_space<hbm>> -> memref<10000x128xf32, #tpu.memory_space<hbm>>
      %dma_start3A_1349 = arith.constant 0 : i32
      %dma_start3A_1350 = arith.constant 0 : i32
      %dma_start3A_1351 = tpu.memref_slice %dma_start3A_1348[%dma_start3A_1349, %dma_start3A_1350] : memref<10000x128xf32, #tpu.memory_space<hbm>> -> memref<10000x128xf32, #tpu.memory_space<hbm>>
      tpu.enqueue_indirect_dma source(%dma_start3A_1351 : memref<10000x128xf32, #tpu.memory_space<hbm>>) target(%dma_start3A_1341 : memref<80x128xf32, #tpu.memory_space<vmem>>) offsets(%dma_start3A_1344 : memref<80xi32, #tpu.memory_space<vmem>>) semaphore(%arg8 : memref<!tpu.dma_semaphore, #tpu.memory_space<semaphore_mem>>)
      %dma_wait3A_1352 = arith.constant 0 : i32
      %dma_wait3A_1353 = arith.constant 6 : i32
      %dma_wait3A_1354 = arith.constant 0 : i32
      %dma_wait3A_1355 = arith.constant 0 : i32
      %dma_wait3A_1356 = tpu.memref_slice %arg6[%dma_wait3A_1353, %dma_wait3A_1354, %dma_wait3A_1355] : memref<10x80x128xf32, #tpu.memory_space<vmem>> -> memref<1x80x128xf32, #tpu.memory_space<vmem>>
      %dma_wait3A_1357 = tpu.memref_squeeze %dma_wait3A_1356 : memref<1x80x128xf32, #tpu.memory_space<vmem>> -> memref<80x128xf32, #tpu.memory_space<vmem>>
      %dma_wait3A_1358 = arith.constant 0 : i32
      %dma_wait3A_1359 = tpu.memref_slice %arg5[%dma_wait3A_1352, %dma_wait3A_1358] : memref<125x80xi32, #tpu.memory_space<vmem>> -> memref<1x80xi32, #tpu.memory_space<vmem>>
      %dma_wait3A_1360 = tpu.memref_squeeze %dma_wait3A_1359 : memref<1x80xi32, #tpu.memory_space<vmem>> -> memref<80xi32, #tpu.memory_space<vmem>>
      %dma_wait3A_1361 = arith.constant 0 : i32
      %dma_wait3A_1362 = arith.constant 0 : i32
      %dma_wait3A_1363 = tpu.memref_slice %arg3[%select_n3A, %dma_wait3A_1361, %dma_wait3A_1362] : memref<2x10000x128xf32, #tpu.memory_space<hbm>> -> memref<1x10000x128xf32, #tpu.memory_space<hbm>>
      %dma_wait3A_1364 = tpu.memref_squeeze %dma_wait3A_1363 : memref<1x10000x128xf32, #tpu.memory_space<hbm>> -> memref<10000x128xf32, #tpu.memory_space<hbm>>
      %dma_wait3A_1365 = arith.constant 0 : i32
      %dma_wait3A_1366 = arith.constant 0 : i32
      %dma_wait3A_1367 = tpu.memref_slice %dma_wait3A_1364[%dma_wait3A_1365, %dma_wait3A_1366] : memref<10000x128xf32, #tpu.memory_space<hbm>> -> memref<10000x128xf32, #tpu.memory_space<hbm>>
      tpu.wait_indirect_dma semaphore(%arg13 : memref<!tpu.dma_semaphore, #tpu.memory_space<semaphore_mem>>) src(%dma_wait3A_1367 : memref<10000x128xf32, #tpu.memory_space<hbm>>) dst(%dma_wait3A_1357 : memref<80x128xf32, #tpu.memory_space<vmem>>)
      %add3A_1368 = arith.constant 6 : i32
      %add3A_1369 = arith.addi %mul3A_923, %add3A_1368 : i32
      %mul3A_1370 = arith.constant 80 : i32
      %mul3A_1371 = arith.muli %add3A_1369, %mul3A_1370 : i32
      %add3A_1372 = arith.addi %mul3A_2, %mul3A_1371 : i32
      %dma_start3A_1373 = arith.constant 6 : i32
      %dma_start3A_1374 = arith.constant 0 : i32
      %dma_start3A_1375 = arith.constant 0 : i32
      %dma_start3A_1376 = tpu.memref_slice %arg6[%dma_start3A_1373, %dma_start3A_1374, %dma_start3A_1375] : memref<10x80x128xf32, #tpu.memory_space<vmem>> -> memref<1x80x128xf32, #tpu.memory_space<vmem>>
      %dma_start3A_1377 = tpu.memref_squeeze %dma_start3A_1376 : memref<1x80x128xf32, #tpu.memory_space<vmem>> -> memref<80x128xf32, #tpu.memory_space<vmem>>
      %dma_start3A_1378 = arith.constant 0 : i32
      %dma_start3A_1379 = tpu.memref_slice %arg4[%add3A_1372, %dma_start3A_1378] : memref<320000x128xf32, #tpu.memory_space<hbm>> -> memref<80x128xf32, #tpu.memory_space<hbm>>
      %dma_start3A_1380 = arith.constant 0 : i32
      %dma_start3A_1381 = tpu.memref_slice %arg4[%add3A_1372, %dma_start3A_1380] : memref<320000x128xf32, #tpu.memory_space<hbm>> -> memref<80x128xf32, #tpu.memory_space<hbm>>
      %dma_start3A_1382 = arith.constant 0 : i32
      %dma_start3A_1383 = arith.constant 0 : i32
      %dma_start3A_1384 = tpu.memref_slice %arg6[%dma_start3A_1373, %dma_start3A_1382, %dma_start3A_1383] : memref<10x80x128xf32, #tpu.memory_space<vmem>> -> memref<1x80x128xf32, #tpu.memory_space<vmem>>
      %dma_start3A_1385 = tpu.memref_squeeze %dma_start3A_1384 : memref<1x80x128xf32, #tpu.memory_space<vmem>> -> memref<80x128xf32, #tpu.memory_space<vmem>>
      tpu.enqueue_dma source(%dma_start3A_1385 : memref<80x128xf32, #tpu.memory_space<vmem>>) target(%dma_start3A_1381 : memref<80x128xf32, #tpu.memory_space<hbm>>) target_semaphore(%arg23 : memref<!tpu.dma_semaphore, #tpu.memory_space<semaphore_mem>>)
      %dma_wait3A_1386 = arith.constant 2 : i32
      %dma_wait3A_1387 = arith.constant 0 : i32
      %dma_wait3A_1388 = arith.constant 0 : i32
      %dma_wait3A_1389 = tpu.memref_slice %arg6[%dma_wait3A_1386, %dma_wait3A_1387, %dma_wait3A_1388] : memref<10x80x128xf32, #tpu.memory_space<vmem>> -> memref<1x80x128xf32, #tpu.memory_space<vmem>>
      %dma_wait3A_1390 = tpu.memref_squeeze %dma_wait3A_1389 : memref<1x80x128xf32, #tpu.memory_space<vmem>> -> memref<80x128xf32, #tpu.memory_space<vmem>>
      %dma_wait3A_1391 = arith.constant 0 : i32
      %dma_wait3A_1392 = tpu.memref_slice %arg4[%mul3A_2, %dma_wait3A_1391] : memref<320000x128xf32, #tpu.memory_space<hbm>> -> memref<80x128xf32, #tpu.memory_space<hbm>>
      %dma_wait3A_1393 = arith.constant 0 : i32
      %dma_wait3A_1394 = tpu.memref_slice %arg4[%mul3A_2, %dma_wait3A_1393] : memref<320000x128xf32, #tpu.memory_space<hbm>> -> memref<80x128xf32, #tpu.memory_space<hbm>>
      %dma_wait3A_1395 = arith.constant 0 : i32
      %dma_wait3A_1396 = arith.constant 0 : i32
      %dma_wait3A_1397 = tpu.memref_slice %arg6[%dma_wait3A_1386, %dma_wait3A_1395, %dma_wait3A_1396] : memref<10x80x128xf32, #tpu.memory_space<vmem>> -> memref<1x80x128xf32, #tpu.memory_space<vmem>>
      %dma_wait3A_1398 = tpu.memref_squeeze %dma_wait3A_1397 : memref<1x80x128xf32, #tpu.memory_space<vmem>> -> memref<80x128xf32, #tpu.memory_space<vmem>>
      tpu.wait_dma2 semaphore(%arg19 : memref<!tpu.dma_semaphore, #tpu.memory_space<semaphore_mem>>) src(%dma_wait3A_1398 : memref<80x128xf32, #tpu.memory_space<vmem>>) dst(%dma_wait3A_1394 : memref<80x128xf32, #tpu.memory_space<hbm>>)
      %add3A_1399 = arith.constant 5 : i32
      %add3A_1400 = arith.addi %mul3A_923, %add3A_1399 : i32
      %add3A_1401 = arith.constant 7 : i32
      %add3A_1402 = arith.addi %add3A_1400, %add3A_1401 : i32
      %dma_start3A_1403 = arith.constant 2 : i32
      %dma_start3A_1404 = arith.constant 0 : i32
      %dma_start3A_1405 = arith.constant 0 : i32
      %dma_start3A_1406 = tpu.memref_slice %arg6[%dma_start3A_1403, %dma_start3A_1404, %dma_start3A_1405] : memref<10x80x128xf32, #tpu.memory_space<vmem>> -> memref<1x80x128xf32, #tpu.memory_space<vmem>>
      %dma_start3A_1407 = tpu.memref_squeeze %dma_start3A_1406 : memref<1x80x128xf32, #tpu.memory_space<vmem>> -> memref<80x128xf32, #tpu.memory_space<vmem>>
      %dma_start3A_1408 = arith.constant 0 : i32
      %dma_start3A_1409 = tpu.memref_slice %arg5[%add3A_1402, %dma_start3A_1408] : memref<125x80xi32, #tpu.memory_space<vmem>> -> memref<1x80xi32, #tpu.memory_space<vmem>>
      %dma_start3A_1410 = tpu.memref_squeeze %dma_start3A_1409 : memref<1x80xi32, #tpu.memory_space<vmem>> -> memref<80xi32, #tpu.memory_space<vmem>>
      %dma_start3A_1411 = arith.constant 0 : i32
      %dma_start3A_1412 = arith.constant 0 : i32
      %dma_start3A_1413 = tpu.memref_slice %arg3[%select_n3A, %dma_start3A_1411, %dma_start3A_1412] : memref<2x10000x128xf32, #tpu.memory_space<hbm>> -> memref<1x10000x128xf32, #tpu.memory_space<hbm>>
      %dma_start3A_1414 = tpu.memref_squeeze %dma_start3A_1413 : memref<1x10000x128xf32, #tpu.memory_space<hbm>> -> memref<10000x128xf32, #tpu.memory_space<hbm>>
      %dma_start3A_1415 = arith.constant 0 : i32
      %dma_start3A_1416 = arith.constant 0 : i32
      %dma_start3A_1417 = tpu.memref_slice %dma_start3A_1414[%dma_start3A_1415, %dma_start3A_1416] : memref<10000x128xf32, #tpu.memory_space<hbm>> -> memref<10000x128xf32, #tpu.memory_space<hbm>>
      tpu.enqueue_indirect_dma source(%dma_start3A_1417 : memref<10000x128xf32, #tpu.memory_space<hbm>>) target(%dma_start3A_1407 : memref<80x128xf32, #tpu.memory_space<vmem>>) offsets(%dma_start3A_1410 : memref<80xi32, #tpu.memory_space<vmem>>) semaphore(%arg9 : memref<!tpu.dma_semaphore, #tpu.memory_space<semaphore_mem>>)
      %dma_wait3A_1418 = arith.constant 0 : i32
      %dma_wait3A_1419 = arith.constant 7 : i32
      %dma_wait3A_1420 = arith.constant 0 : i32
      %dma_wait3A_1421 = arith.constant 0 : i32
      %dma_wait3A_1422 = tpu.memref_slice %arg6[%dma_wait3A_1419, %dma_wait3A_1420, %dma_wait3A_1421] : memref<10x80x128xf32, #tpu.memory_space<vmem>> -> memref<1x80x128xf32, #tpu.memory_space<vmem>>
      %dma_wait3A_1423 = tpu.memref_squeeze %dma_wait3A_1422 : memref<1x80x128xf32, #tpu.memory_space<vmem>> -> memref<80x128xf32, #tpu.memory_space<vmem>>
      %dma_wait3A_1424 = arith.constant 0 : i32
      %dma_wait3A_1425 = tpu.memref_slice %arg5[%dma_wait3A_1418, %dma_wait3A_1424] : memref<125x80xi32, #tpu.memory_space<vmem>> -> memref<1x80xi32, #tpu.memory_space<vmem>>
      %dma_wait3A_1426 = tpu.memref_squeeze %dma_wait3A_1425 : memref<1x80xi32, #tpu.memory_space<vmem>> -> memref<80xi32, #tpu.memory_space<vmem>>
      %dma_wait3A_1427 = arith.constant 0 : i32
      %dma_wait3A_1428 = arith.constant 0 : i32
      %dma_wait3A_1429 = tpu.memref_slice %arg3[%select_n3A, %dma_wait3A_1427, %dma_wait3A_1428] : memref<2x10000x128xf32, #tpu.memory_space<hbm>> -> memref<1x10000x128xf32, #tpu.memory_space<hbm>>
      %dma_wait3A_1430 = tpu.memref_squeeze %dma_wait3A_1429 : memref<1x10000x128xf32, #tpu.memory_space<hbm>> -> memref<10000x128xf32, #tpu.memory_space<hbm>>
      %dma_wait3A_1431 = arith.constant 0 : i32
      %dma_wait3A_1432 = arith.constant 0 : i32
      %dma_wait3A_1433 = tpu.memref_slice %dma_wait3A_1430[%dma_wait3A_1431, %dma_wait3A_1432] : memref<10000x128xf32, #tpu.memory_space<hbm>> -> memref<10000x128xf32, #tpu.memory_space<hbm>>
      tpu.wait_indirect_dma semaphore(%arg14 : memref<!tpu.dma_semaphore, #tpu.memory_space<semaphore_mem>>) src(%dma_wait3A_1433 : memref<10000x128xf32, #tpu.memory_space<hbm>>) dst(%dma_wait3A_1423 : memref<80x128xf32, #tpu.memory_space<vmem>>)
      %add3A_1434 = arith.constant 7 : i32
      %add3A_1435 = arith.addi %mul3A_923, %add3A_1434 : i32
      %mul3A_1436 = arith.constant 80 : i32
      %mul3A_1437 = arith.muli %add3A_1435, %mul3A_1436 : i32
      %add3A_1438 = arith.addi %mul3A_2, %mul3A_1437 : i32
      %dma_start3A_1439 = arith.constant 7 : i32
      %dma_start3A_1440 = arith.constant 0 : i32
      %dma_start3A_1441 = arith.constant 0 : i32
      %dma_start3A_1442 = tpu.memref_slice %arg6[%dma_start3A_1439, %dma_start3A_1440, %dma_start3A_1441] : memref<10x80x128xf32, #tpu.memory_space<vmem>> -> memref<1x80x128xf32, #tpu.memory_space<vmem>>
      %dma_start3A_1443 = tpu.memref_squeeze %dma_start3A_1442 : memref<1x80x128xf32, #tpu.memory_space<vmem>> -> memref<80x128xf32, #tpu.memory_space<vmem>>
      %dma_start3A_1444 = arith.constant 0 : i32
      %dma_start3A_1445 = tpu.memref_slice %arg4[%add3A_1438, %dma_start3A_1444] : memref<320000x128xf32, #tpu.memory_space<hbm>> -> memref<80x128xf32, #tpu.memory_space<hbm>>
      %dma_start3A_1446 = arith.constant 0 : i32
      %dma_start3A_1447 = tpu.memref_slice %arg4[%add3A_1438, %dma_start3A_1446] : memref<320000x128xf32, #tpu.memory_space<hbm>> -> memref<80x128xf32, #tpu.memory_space<hbm>>
      %dma_start3A_1448 = arith.constant 0 : i32
      %dma_start3A_1449 = arith.constant 0 : i32
      %dma_start3A_1450 = tpu.memref_slice %arg6[%dma_start3A_1439, %dma_start3A_1448, %dma_start3A_1449] : memref<10x80x128xf32, #tpu.memory_space<vmem>> -> memref<1x80x128xf32, #tpu.memory_space<vmem>>
      %dma_start3A_1451 = tpu.memref_squeeze %dma_start3A_1450 : memref<1x80x128xf32, #tpu.memory_space<vmem>> -> memref<80x128xf32, #tpu.memory_space<vmem>>
      tpu.enqueue_dma source(%dma_start3A_1451 : memref<80x128xf32, #tpu.memory_space<vmem>>) target(%dma_start3A_1447 : memref<80x128xf32, #tpu.memory_space<hbm>>) target_semaphore(%arg24 : memref<!tpu.dma_semaphore, #tpu.memory_space<semaphore_mem>>)
      %dma_wait3A_1452 = arith.constant 3 : i32
      %dma_wait3A_1453 = arith.constant 0 : i32
      %dma_wait3A_1454 = arith.constant 0 : i32
      %dma_wait3A_1455 = tpu.memref_slice %arg6[%dma_wait3A_1452, %dma_wait3A_1453, %dma_wait3A_1454] : memref<10x80x128xf32, #tpu.memory_space<vmem>> -> memref<1x80x128xf32, #tpu.memory_space<vmem>>
      %dma_wait3A_1456 = tpu.memref_squeeze %dma_wait3A_1455 : memref<1x80x128xf32, #tpu.memory_space<vmem>> -> memref<80x128xf32, #tpu.memory_space<vmem>>
      %dma_wait3A_1457 = arith.constant 0 : i32
      %dma_wait3A_1458 = tpu.memref_slice %arg4[%mul3A_2, %dma_wait3A_1457] : memref<320000x128xf32, #tpu.memory_space<hbm>> -> memref<80x128xf32, #tpu.memory_space<hbm>>
      %dma_wait3A_1459 = arith.constant 0 : i32
      %dma_wait3A_1460 = tpu.memref_slice %arg4[%mul3A_2, %dma_wait3A_1459] : memref<320000x128xf32, #tpu.memory_space<hbm>> -> memref<80x128xf32, #tpu.memory_space<hbm>>
      %dma_wait3A_1461 = arith.constant 0 : i32
      %dma_wait3A_1462 = arith.constant 0 : i32
      %dma_wait3A_1463 = tpu.memref_slice %arg6[%dma_wait3A_1452, %dma_wait3A_1461, %dma_wait3A_1462] : memref<10x80x128xf32, #tpu.memory_space<vmem>> -> memref<1x80x128xf32, #tpu.memory_space<vmem>>
      %dma_wait3A_1464 = tpu.memref_squeeze %dma_wait3A_1463 : memref<1x80x128xf32, #tpu.memory_space<vmem>> -> memref<80x128xf32, #tpu.memory_space<vmem>>
      tpu.wait_dma2 semaphore(%arg20 : memref<!tpu.dma_semaphore, #tpu.memory_space<semaphore_mem>>) src(%dma_wait3A_1464 : memref<80x128xf32, #tpu.memory_space<vmem>>) dst(%dma_wait3A_1460 : memref<80x128xf32, #tpu.memory_space<hbm>>)
      %add3A_1465 = arith.constant 5 : i32
      %add3A_1466 = arith.addi %mul3A_923, %add3A_1465 : i32
      %add3A_1467 = arith.constant 8 : i32
      %add3A_1468 = arith.addi %add3A_1466, %add3A_1467 : i32
      %dma_start3A_1469 = arith.constant 3 : i32
      %dma_start3A_1470 = arith.constant 0 : i32
      %dma_start3A_1471 = arith.constant 0 : i32
      %dma_start3A_1472 = tpu.memref_slice %arg6[%dma_start3A_1469, %dma_start3A_1470, %dma_start3A_1471] : memref<10x80x128xf32, #tpu.memory_space<vmem>> -> memref<1x80x128xf32, #tpu.memory_space<vmem>>
      %dma_start3A_1473 = tpu.memref_squeeze %dma_start3A_1472 : memref<1x80x128xf32, #tpu.memory_space<vmem>> -> memref<80x128xf32, #tpu.memory_space<vmem>>
      %dma_start3A_1474 = arith.constant 0 : i32
      %dma_start3A_1475 = tpu.memref_slice %arg5[%add3A_1468, %dma_start3A_1474] : memref<125x80xi32, #tpu.memory_space<vmem>> -> memref<1x80xi32, #tpu.memory_space<vmem>>
      %dma_start3A_1476 = tpu.memref_squeeze %dma_start3A_1475 : memref<1x80xi32, #tpu.memory_space<vmem>> -> memref<80xi32, #tpu.memory_space<vmem>>
      %dma_start3A_1477 = arith.constant 0 : i32
      %dma_start3A_1478 = arith.constant 0 : i32
      %dma_start3A_1479 = tpu.memref_slice %arg3[%select_n3A, %dma_start3A_1477, %dma_start3A_1478] : memref<2x10000x128xf32, #tpu.memory_space<hbm>> -> memref<1x10000x128xf32, #tpu.memory_space<hbm>>
      %dma_start3A_1480 = tpu.memref_squeeze %dma_start3A_1479 : memref<1x10000x128xf32, #tpu.memory_space<hbm>> -> memref<10000x128xf32, #tpu.memory_space<hbm>>
      %dma_start3A_1481 = arith.constant 0 : i32
      %dma_start3A_1482 = arith.constant 0 : i32
      %dma_start3A_1483 = tpu.memref_slice %dma_start3A_1480[%dma_start3A_1481, %dma_start3A_1482] : memref<10000x128xf32, #tpu.memory_space<hbm>> -> memref<10000x128xf32, #tpu.memory_space<hbm>>
      tpu.enqueue_indirect_dma source(%dma_start3A_1483 : memref<10000x128xf32, #tpu.memory_space<hbm>>) target(%dma_start3A_1473 : memref<80x128xf32, #tpu.memory_space<vmem>>) offsets(%dma_start3A_1476 : memref<80xi32, #tpu.memory_space<vmem>>) semaphore(%arg10 : memref<!tpu.dma_semaphore, #tpu.memory_space<semaphore_mem>>)
      %dma_wait3A_1484 = arith.constant 0 : i32
      %dma_wait3A_1485 = arith.constant 8 : i32
      %dma_wait3A_1486 = arith.constant 0 : i32
      %dma_wait3A_1487 = arith.constant 0 : i32
      %dma_wait3A_1488 = tpu.memref_slice %arg6[%dma_wait3A_1485, %dma_wait3A_1486, %dma_wait3A_1487] : memref<10x80x128xf32, #tpu.memory_space<vmem>> -> memref<1x80x128xf32, #tpu.memory_space<vmem>>
      %dma_wait3A_1489 = tpu.memref_squeeze %dma_wait3A_1488 : memref<1x80x128xf32, #tpu.memory_space<vmem>> -> memref<80x128xf32, #tpu.memory_space<vmem>>
      %dma_wait3A_1490 = arith.constant 0 : i32
      %dma_wait3A_1491 = tpu.memref_slice %arg5[%dma_wait3A_1484, %dma_wait3A_1490] : memref<125x80xi32, #tpu.memory_space<vmem>> -> memref<1x80xi32, #tpu.memory_space<vmem>>
      %dma_wait3A_1492 = tpu.memref_squeeze %dma_wait3A_1491 : memref<1x80xi32, #tpu.memory_space<vmem>> -> memref<80xi32, #tpu.memory_space<vmem>>
      %dma_wait3A_1493 = arith.constant 0 : i32
      %dma_wait3A_1494 = arith.constant 0 : i32
      %dma_wait3A_1495 = tpu.memref_slice %arg3[%select_n3A, %dma_wait3A_1493, %dma_wait3A_1494] : memref<2x10000x128xf32, #tpu.memory_space<hbm>> -> memref<1x10000x128xf32, #tpu.memory_space<hbm>>
      %dma_wait3A_1496 = tpu.memref_squeeze %dma_wait3A_1495 : memref<1x10000x128xf32, #tpu.memory_space<hbm>> -> memref<10000x128xf32, #tpu.memory_space<hbm>>
      %dma_wait3A_1497 = arith.constant 0 : i32
      %dma_wait3A_1498 = arith.constant 0 : i32
      %dma_wait3A_1499 = tpu.memref_slice %dma_wait3A_1496[%dma_wait3A_1497, %dma_wait3A_1498] : memref<10000x128xf32, #tpu.memory_space<hbm>> -> memref<10000x128xf32, #tpu.memory_space<hbm>>
      tpu.wait_indirect_dma semaphore(%arg15 : memref<!tpu.dma_semaphore, #tpu.memory_space<semaphore_mem>>) src(%dma_wait3A_1499 : memref<10000x128xf32, #tpu.memory_space<hbm>>) dst(%dma_wait3A_1489 : memref<80x128xf32, #tpu.memory_space<vmem>>)
      %add3A_1500 = arith.constant 8 : i32
      %add3A_1501 = arith.addi %mul3A_923, %add3A_1500 : i32
      %mul3A_1502 = arith.constant 80 : i32
      %mul3A_1503 = arith.muli %add3A_1501, %mul3A_1502 : i32
      %add3A_1504 = arith.addi %mul3A_2, %mul3A_1503 : i32
      %dma_start3A_1505 = arith.constant 8 : i32
      %dma_start3A_1506 = arith.constant 0 : i32
      %dma_start3A_1507 = arith.constant 0 : i32
      %dma_start3A_1508 = tpu.memref_slice %arg6[%dma_start3A_1505, %dma_start3A_1506, %dma_start3A_1507] : memref<10x80x128xf32, #tpu.memory_space<vmem>> -> memref<1x80x128xf32, #tpu.memory_space<vmem>>
      %dma_start3A_1509 = tpu.memref_squeeze %dma_start3A_1508 : memref<1x80x128xf32, #tpu.memory_space<vmem>> -> memref<80x128xf32, #tpu.memory_space<vmem>>
      %dma_start3A_1510 = arith.constant 0 : i32
      %dma_start3A_1511 = tpu.memref_slice %arg4[%add3A_1504, %dma_start3A_1510] : memref<320000x128xf32, #tpu.memory_space<hbm>> -> memref<80x128xf32, #tpu.memory_space<hbm>>
      %dma_start3A_1512 = arith.constant 0 : i32
      %dma_start3A_1513 = tpu.memref_slice %arg4[%add3A_1504, %dma_start3A_1512] : memref<320000x128xf32, #tpu.memory_space<hbm>> -> memref<80x128xf32, #tpu.memory_space<hbm>>
      %dma_start3A_1514 = arith.constant 0 : i32
      %dma_start3A_1515 = arith.constant 0 : i32
      %dma_start3A_1516 = tpu.memref_slice %arg6[%dma_start3A_1505, %dma_start3A_1514, %dma_start3A_1515] : memref<10x80x128xf32, #tpu.memory_space<vmem>> -> memref<1x80x128xf32, #tpu.memory_space<vmem>>
      %dma_start3A_1517 = tpu.memref_squeeze %dma_start3A_1516 : memref<1x80x128xf32, #tpu.memory_space<vmem>> -> memref<80x128xf32, #tpu.memory_space<vmem>>
      tpu.enqueue_dma source(%dma_start3A_1517 : memref<80x128xf32, #tpu.memory_space<vmem>>) target(%dma_start3A_1513 : memref<80x128xf32, #tpu.memory_space<hbm>>) target_semaphore(%arg25 : memref<!tpu.dma_semaphore, #tpu.memory_space<semaphore_mem>>)
      %dma_wait3A_1518 = arith.constant 4 : i32
      %dma_wait3A_1519 = arith.constant 0 : i32
      %dma_wait3A_1520 = arith.constant 0 : i32
      %dma_wait3A_1521 = tpu.memref_slice %arg6[%dma_wait3A_1518, %dma_wait3A_1519, %dma_wait3A_1520] : memref<10x80x128xf32, #tpu.memory_space<vmem>> -> memref<1x80x128xf32, #tpu.memory_space<vmem>>
      %dma_wait3A_1522 = tpu.memref_squeeze %dma_wait3A_1521 : memref<1x80x128xf32, #tpu.memory_space<vmem>> -> memref<80x128xf32, #tpu.memory_space<vmem>>
      %dma_wait3A_1523 = arith.constant 0 : i32
      %dma_wait3A_1524 = tpu.memref_slice %arg4[%mul3A_2, %dma_wait3A_1523] : memref<320000x128xf32, #tpu.memory_space<hbm>> -> memref<80x128xf32, #tpu.memory_space<hbm>>
      %dma_wait3A_1525 = arith.constant 0 : i32
      %dma_wait3A_1526 = tpu.memref_slice %arg4[%mul3A_2, %dma_wait3A_1525] : memref<320000x128xf32, #tpu.memory_space<hbm>> -> memref<80x128xf32, #tpu.memory_space<hbm>>
      %dma_wait3A_1527 = arith.constant 0 : i32
      %dma_wait3A_1528 = arith.constant 0 : i32
      %dma_wait3A_1529 = tpu.memref_slice %arg6[%dma_wait3A_1518, %dma_wait3A_1527, %dma_wait3A_1528] : memref<10x80x128xf32, #tpu.memory_space<vmem>> -> memref<1x80x128xf32, #tpu.memory_space<vmem>>
      %dma_wait3A_1530 = tpu.memref_squeeze %dma_wait3A_1529 : memref<1x80x128xf32, #tpu.memory_space<vmem>> -> memref<80x128xf32, #tpu.memory_space<vmem>>
      tpu.wait_dma2 semaphore(%arg21 : memref<!tpu.dma_semaphore, #tpu.memory_space<semaphore_mem>>) src(%dma_wait3A_1530 : memref<80x128xf32, #tpu.memory_space<vmem>>) dst(%dma_wait3A_1526 : memref<80x128xf32, #tpu.memory_space<hbm>>)
      %add3A_1531 = arith.constant 5 : i32
      %add3A_1532 = arith.addi %mul3A_923, %add3A_1531 : i32
      %add3A_1533 = arith.constant 9 : i32
      %add3A_1534 = arith.addi %add3A_1532, %add3A_1533 : i32
      %dma_start3A_1535 = arith.constant 4 : i32
      %dma_start3A_1536 = arith.constant 0 : i32
      %dma_start3A_1537 = arith.constant 0 : i32
      %dma_start3A_1538 = tpu.memref_slice %arg6[%dma_start3A_1535, %dma_start3A_1536, %dma_start3A_1537] : memref<10x80x128xf32, #tpu.memory_space<vmem>> -> memref<1x80x128xf32, #tpu.memory_space<vmem>>
      %dma_start3A_1539 = tpu.memref_squeeze %dma_start3A_1538 : memref<1x80x128xf32, #tpu.memory_space<vmem>> -> memref<80x128xf32, #tpu.memory_space<vmem>>
      %dma_start3A_1540 = arith.constant 0 : i32
      %dma_start3A_1541 = tpu.memref_slice %arg5[%add3A_1534, %dma_start3A_1540] : memref<125x80xi32, #tpu.memory_space<vmem>> -> memref<1x80xi32, #tpu.memory_space<vmem>>
      %dma_start3A_1542 = tpu.memref_squeeze %dma_start3A_1541 : memref<1x80xi32, #tpu.memory_space<vmem>> -> memref<80xi32, #tpu.memory_space<vmem>>
      %dma_start3A_1543 = arith.constant 0 : i32
      %dma_start3A_1544 = arith.constant 0 : i32
      %dma_start3A_1545 = tpu.memref_slice %arg3[%select_n3A, %dma_start3A_1543, %dma_start3A_1544] : memref<2x10000x128xf32, #tpu.memory_space<hbm>> -> memref<1x10000x128xf32, #tpu.memory_space<hbm>>
      %dma_start3A_1546 = tpu.memref_squeeze %dma_start3A_1545 : memref<1x10000x128xf32, #tpu.memory_space<hbm>> -> memref<10000x128xf32, #tpu.memory_space<hbm>>
      %dma_start3A_1547 = arith.constant 0 : i32
      %dma_start3A_1548 = arith.constant 0 : i32
      %dma_start3A_1549 = tpu.memref_slice %dma_start3A_1546[%dma_start3A_1547, %dma_start3A_1548] : memref<10000x128xf32, #tpu.memory_space<hbm>> -> memref<10000x128xf32, #tpu.memory_space<hbm>>
      tpu.enqueue_indirect_dma source(%dma_start3A_1549 : memref<10000x128xf32, #tpu.memory_space<hbm>>) target(%dma_start3A_1539 : memref<80x128xf32, #tpu.memory_space<vmem>>) offsets(%dma_start3A_1542 : memref<80xi32, #tpu.memory_space<vmem>>) semaphore(%arg11 : memref<!tpu.dma_semaphore, #tpu.memory_space<semaphore_mem>>)
      %dma_wait3A_1550 = arith.constant 0 : i32
      %dma_wait3A_1551 = arith.constant 9 : i32
      %dma_wait3A_1552 = arith.constant 0 : i32
      %dma_wait3A_1553 = arith.constant 0 : i32
      %dma_wait3A_1554 = tpu.memref_slice %arg6[%dma_wait3A_1551, %dma_wait3A_1552, %dma_wait3A_1553] : memref<10x80x128xf32, #tpu.memory_space<vmem>> -> memref<1x80x128xf32, #tpu.memory_space<vmem>>
      %dma_wait3A_1555 = tpu.memref_squeeze %dma_wait3A_1554 : memref<1x80x128xf32, #tpu.memory_space<vmem>> -> memref<80x128xf32, #tpu.memory_space<vmem>>
      %dma_wait3A_1556 = arith.constant 0 : i32
      %dma_wait3A_1557 = tpu.memref_slice %arg5[%dma_wait3A_1550, %dma_wait3A_1556] : memref<125x80xi32, #tpu.memory_space<vmem>> -> memref<1x80xi32, #tpu.memory_space<vmem>>
      %dma_wait3A_1558 = tpu.memref_squeeze %dma_wait3A_1557 : memref<1x80xi32, #tpu.memory_space<vmem>> -> memref<80xi32, #tpu.memory_space<vmem>>
      %dma_wait3A_1559 = arith.constant 0 : i32
      %dma_wait3A_1560 = arith.constant 0 : i32
      %dma_wait3A_1561 = tpu.memref_slice %arg3[%select_n3A, %dma_wait3A_1559, %dma_wait3A_1560] : memref<2x10000x128xf32, #tpu.memory_space<hbm>> -> memref<1x10000x128xf32, #tpu.memory_space<hbm>>
      %dma_wait3A_1562 = tpu.memref_squeeze %dma_wait3A_1561 : memref<1x10000x128xf32, #tpu.memory_space<hbm>> -> memref<10000x128xf32, #tpu.memory_space<hbm>>
      %dma_wait3A_1563 = arith.constant 0 : i32
      %dma_wait3A_1564 = arith.constant 0 : i32
      %dma_wait3A_1565 = tpu.memref_slice %dma_wait3A_1562[%dma_wait3A_1563, %dma_wait3A_1564] : memref<10000x128xf32, #tpu.memory_space<hbm>> -> memref<10000x128xf32, #tpu.memory_space<hbm>>
      tpu.wait_indirect_dma semaphore(%arg16 : memref<!tpu.dma_semaphore, #tpu.memory_space<semaphore_mem>>) src(%dma_wait3A_1565 : memref<10000x128xf32, #tpu.memory_space<hbm>>) dst(%dma_wait3A_1555 : memref<80x128xf32, #tpu.memory_space<vmem>>)
      %add3A_1566 = arith.constant 9 : i32
      %add3A_1567 = arith.addi %mul3A_923, %add3A_1566 : i32
      %mul3A_1568 = arith.constant 80 : i32
      %mul3A_1569 = arith.muli %add3A_1567, %mul3A_1568 : i32
      %add3A_1570 = arith.addi %mul3A_2, %mul3A_1569 : i32
      %dma_start3A_1571 = arith.constant 9 : i32
      %dma_start3A_1572 = arith.constant 0 : i32
      %dma_start3A_1573 = arith.constant 0 : i32
      %dma_start3A_1574 = tpu.memref_slice %arg6[%dma_start3A_1571, %dma_start3A_1572, %dma_start3A_1573] : memref<10x80x128xf32, #tpu.memory_space<vmem>> -> memref<1x80x128xf32, #tpu.memory_space<vmem>>
      %dma_start3A_1575 = tpu.memref_squeeze %dma_start3A_1574 : memref<1x80x128xf32, #tpu.memory_space<vmem>> -> memref<80x128xf32, #tpu.memory_space<vmem>>
      %dma_start3A_1576 = arith.constant 0 : i32
      %dma_start3A_1577 = tpu.memref_slice %arg4[%add3A_1570, %dma_start3A_1576] : memref<320000x128xf32, #tpu.memory_space<hbm>> -> memref<80x128xf32, #tpu.memory_space<hbm>>
      %dma_start3A_1578 = arith.constant 0 : i32
      %dma_start3A_1579 = tpu.memref_slice %arg4[%add3A_1570, %dma_start3A_1578] : memref<320000x128xf32, #tpu.memory_space<hbm>> -> memref<80x128xf32, #tpu.memory_space<hbm>>
      %dma_start3A_1580 = arith.constant 0 : i32
      %dma_start3A_1581 = arith.constant 0 : i32
      %dma_start3A_1582 = tpu.memref_slice %arg6[%dma_start3A_1571, %dma_start3A_1580, %dma_start3A_1581] : memref<10x80x128xf32, #tpu.memory_space<vmem>> -> memref<1x80x128xf32, #tpu.memory_space<vmem>>
      %dma_start3A_1583 = tpu.memref_squeeze %dma_start3A_1582 : memref<1x80x128xf32, #tpu.memory_space<vmem>> -> memref<80x128xf32, #tpu.memory_space<vmem>>
      tpu.enqueue_dma source(%dma_start3A_1583 : memref<80x128xf32, #tpu.memory_space<vmem>>) target(%dma_start3A_1579 : memref<80x128xf32, #tpu.memory_space<hbm>>) target_semaphore(%arg26 : memref<!tpu.dma_semaphore, #tpu.memory_space<semaphore_mem>>)
    }
    %scan3A_635 = arith.constant 11 : i32
    %dma_wait3A_636 = arith.constant 0 : i32
    %dma_wait3A_637 = arith.constant 0 : i32
    %dma_wait3A_638 = arith.constant 0 : i32
    %dma_wait3A_639 = arith.constant 0 : i32
    %dma_wait3A_640 = tpu.memref_slice %arg6[%dma_wait3A_637, %dma_wait3A_638, %dma_wait3A_639] : memref<10x80x128xf32, #tpu.memory_space<vmem>> -> memref<1x80x128xf32, #tpu.memory_space<vmem>>
    %dma_wait3A_641 = tpu.memref_squeeze %dma_wait3A_640 : memref<1x80x128xf32, #tpu.memory_space<vmem>> -> memref<80x128xf32, #tpu.memory_space<vmem>>
    %dma_wait3A_642 = arith.constant 0 : i32
    %dma_wait3A_643 = tpu.memref_slice %arg5[%dma_wait3A_636, %dma_wait3A_642] : memref<125x80xi32, #tpu.memory_space<vmem>> -> memref<1x80xi32, #tpu.memory_space<vmem>>
    %dma_wait3A_644 = tpu.memref_squeeze %dma_wait3A_643 : memref<1x80xi32, #tpu.memory_space<vmem>> -> memref<80xi32, #tpu.memory_space<vmem>>
    %dma_wait3A_645 = arith.constant 0 : i32
    %dma_wait3A_646 = arith.constant 0 : i32
    %dma_wait3A_647 = tpu.memref_slice %arg3[%select_n3A, %dma_wait3A_645, %dma_wait3A_646] : memref<2x10000x128xf32, #tpu.memory_space<hbm>> -> memref<1x10000x128xf32, #tpu.memory_space<hbm>>
    %dma_wait3A_648 = tpu.memref_squeeze %dma_wait3A_647 : memref<1x10000x128xf32, #tpu.memory_space<hbm>> -> memref<10000x128xf32, #tpu.memory_space<hbm>>
    %dma_wait3A_649 = arith.constant 0 : i32
    %dma_wait3A_650 = arith.constant 0 : i32
    %dma_wait3A_651 = tpu.memref_slice %dma_wait3A_648[%dma_wait3A_649, %dma_wait3A_650] : memref<10000x128xf32, #tpu.memory_space<hbm>> -> memref<10000x128xf32, #tpu.memory_space<hbm>>
    tpu.wait_indirect_dma semaphore(%arg7 : memref<!tpu.dma_semaphore, #tpu.memory_space<semaphore_mem>>) src(%dma_wait3A_651 : memref<10000x128xf32, #tpu.memory_space<hbm>>) dst(%dma_wait3A_641 : memref<80x128xf32, #tpu.memory_space<vmem>>)
    %add3A_652 = arith.constant 9600 : i32
    %add3A_653 = arith.addi %mul3A_2, %add3A_652 : i32
    %dma_start3A_654 = arith.constant 0 : i32
    %dma_start3A_655 = arith.constant 0 : i32
    %dma_start3A_656 = arith.constant 0 : i32
    %dma_start3A_657 = tpu.memref_slice %arg6[%dma_start3A_654, %dma_start3A_655, %dma_start3A_656] : memref<10x80x128xf32, #tpu.memory_space<vmem>> -> memref<1x80x128xf32, #tpu.memory_space<vmem>>
    %dma_start3A_658 = tpu.memref_squeeze %dma_start3A_657 : memref<1x80x128xf32, #tpu.memory_space<vmem>> -> memref<80x128xf32, #tpu.memory_space<vmem>>
    %dma_start3A_659 = arith.constant 0 : i32
    %dma_start3A_660 = tpu.memref_slice %arg4[%add3A_653, %dma_start3A_659] : memref<320000x128xf32, #tpu.memory_space<hbm>> -> memref<80x128xf32, #tpu.memory_space<hbm>>
    %dma_start3A_661 = arith.constant 0 : i32
    %dma_start3A_662 = tpu.memref_slice %arg4[%add3A_653, %dma_start3A_661] : memref<320000x128xf32, #tpu.memory_space<hbm>> -> memref<80x128xf32, #tpu.memory_space<hbm>>
    %dma_start3A_663 = arith.constant 0 : i32
    %dma_start3A_664 = arith.constant 0 : i32
    %dma_start3A_665 = tpu.memref_slice %arg6[%dma_start3A_654, %dma_start3A_663, %dma_start3A_664] : memref<10x80x128xf32, #tpu.memory_space<vmem>> -> memref<1x80x128xf32, #tpu.memory_space<vmem>>
    %dma_start3A_666 = tpu.memref_squeeze %dma_start3A_665 : memref<1x80x128xf32, #tpu.memory_space<vmem>> -> memref<80x128xf32, #tpu.memory_space<vmem>>
    tpu.enqueue_dma source(%dma_start3A_666 : memref<80x128xf32, #tpu.memory_space<vmem>>) target(%dma_start3A_662 : memref<80x128xf32, #tpu.memory_space<hbm>>) target_semaphore(%arg17 : memref<!tpu.dma_semaphore, #tpu.memory_space<semaphore_mem>>)
    %dma_wait3A_667 = arith.constant 0 : i32
    %dma_wait3A_668 = arith.constant 1 : i32
    %dma_wait3A_669 = arith.constant 0 : i32
    %dma_wait3A_670 = arith.constant 0 : i32
    %dma_wait3A_671 = tpu.memref_slice %arg6[%dma_wait3A_668, %dma_wait3A_669, %dma_wait3A_670] : memref<10x80x128xf32, #tpu.memory_space<vmem>> -> memref<1x80x128xf32, #tpu.memory_space<vmem>>
    %dma_wait3A_672 = tpu.memref_squeeze %dma_wait3A_671 : memref<1x80x128xf32, #tpu.memory_space<vmem>> -> memref<80x128xf32, #tpu.memory_space<vmem>>
    %dma_wait3A_673 = arith.constant 0 : i32
    %dma_wait3A_674 = tpu.memref_slice %arg5[%dma_wait3A_667, %dma_wait3A_673] : memref<125x80xi32, #tpu.memory_space<vmem>> -> memref<1x80xi32, #tpu.memory_space<vmem>>
    %dma_wait3A_675 = tpu.memref_squeeze %dma_wait3A_674 : memref<1x80xi32, #tpu.memory_space<vmem>> -> memref<80xi32, #tpu.memory_space<vmem>>
    %dma_wait3A_676 = arith.constant 0 : i32
    %dma_wait3A_677 = arith.constant 0 : i32
    %dma_wait3A_678 = tpu.memref_slice %arg3[%select_n3A, %dma_wait3A_676, %dma_wait3A_677] : memref<2x10000x128xf32, #tpu.memory_space<hbm>> -> memref<1x10000x128xf32, #tpu.memory_space<hbm>>
    %dma_wait3A_679 = tpu.memref_squeeze %dma_wait3A_678 : memref<1x10000x128xf32, #tpu.memory_space<hbm>> -> memref<10000x128xf32, #tpu.memory_space<hbm>>
    %dma_wait3A_680 = arith.constant 0 : i32
    %dma_wait3A_681 = arith.constant 0 : i32
    %dma_wait3A_682 = tpu.memref_slice %dma_wait3A_679[%dma_wait3A_680, %dma_wait3A_681] : memref<10000x128xf32, #tpu.memory_space<hbm>> -> memref<10000x128xf32, #tpu.memory_space<hbm>>
    tpu.wait_indirect_dma semaphore(%arg8 : memref<!tpu.dma_semaphore, #tpu.memory_space<semaphore_mem>>) src(%dma_wait3A_682 : memref<10000x128xf32, #tpu.memory_space<hbm>>) dst(%dma_wait3A_672 : memref<80x128xf32, #tpu.memory_space<vmem>>)
    %add3A_683 = arith.constant 9680 : i32
    %add3A_684 = arith.addi %mul3A_2, %add3A_683 : i32
    %dma_start3A_685 = arith.constant 1 : i32
    %dma_start3A_686 = arith.constant 0 : i32
    %dma_start3A_687 = arith.constant 0 : i32
    %dma_start3A_688 = tpu.memref_slice %arg6[%dma_start3A_685, %dma_start3A_686, %dma_start3A_687] : memref<10x80x128xf32, #tpu.memory_space<vmem>> -> memref<1x80x128xf32, #tpu.memory_space<vmem>>
    %dma_start3A_689 = tpu.memref_squeeze %dma_start3A_688 : memref<1x80x128xf32, #tpu.memory_space<vmem>> -> memref<80x128xf32, #tpu.memory_space<vmem>>
    %dma_start3A_690 = arith.constant 0 : i32
    %dma_start3A_691 = tpu.memref_slice %arg4[%add3A_684, %dma_start3A_690] : memref<320000x128xf32, #tpu.memory_space<hbm>> -> memref<80x128xf32, #tpu.memory_space<hbm>>
    %dma_start3A_692 = arith.constant 0 : i32
    %dma_start3A_693 = tpu.memref_slice %arg4[%add3A_684, %dma_start3A_692] : memref<320000x128xf32, #tpu.memory_space<hbm>> -> memref<80x128xf32, #tpu.memory_space<hbm>>
    %dma_start3A_694 = arith.constant 0 : i32
    %dma_start3A_695 = arith.constant 0 : i32
    %dma_start3A_696 = tpu.memref_slice %arg6[%dma_start3A_685, %dma_start3A_694, %dma_start3A_695] : memref<10x80x128xf32, #tpu.memory_space<vmem>> -> memref<1x80x128xf32, #tpu.memory_space<vmem>>
    %dma_start3A_697 = tpu.memref_squeeze %dma_start3A_696 : memref<1x80x128xf32, #tpu.memory_space<vmem>> -> memref<80x128xf32, #tpu.memory_space<vmem>>
    tpu.enqueue_dma source(%dma_start3A_697 : memref<80x128xf32, #tpu.memory_space<vmem>>) target(%dma_start3A_693 : memref<80x128xf32, #tpu.memory_space<hbm>>) target_semaphore(%arg18 : memref<!tpu.dma_semaphore, #tpu.memory_space<semaphore_mem>>)
    %dma_wait3A_698 = arith.constant 0 : i32
    %dma_wait3A_699 = arith.constant 2 : i32
    %dma_wait3A_700 = arith.constant 0 : i32
    %dma_wait3A_701 = arith.constant 0 : i32
    %dma_wait3A_702 = tpu.memref_slice %arg6[%dma_wait3A_699, %dma_wait3A_700, %dma_wait3A_701] : memref<10x80x128xf32, #tpu.memory_space<vmem>> -> memref<1x80x128xf32, #tpu.memory_space<vmem>>
    %dma_wait3A_703 = tpu.memref_squeeze %dma_wait3A_702 : memref<1x80x128xf32, #tpu.memory_space<vmem>> -> memref<80x128xf32, #tpu.memory_space<vmem>>
    %dma_wait3A_704 = arith.constant 0 : i32
    %dma_wait3A_705 = tpu.memref_slice %arg5[%dma_wait3A_698, %dma_wait3A_704] : memref<125x80xi32, #tpu.memory_space<vmem>> -> memref<1x80xi32, #tpu.memory_space<vmem>>
    %dma_wait3A_706 = tpu.memref_squeeze %dma_wait3A_705 : memref<1x80xi32, #tpu.memory_space<vmem>> -> memref<80xi32, #tpu.memory_space<vmem>>
    %dma_wait3A_707 = arith.constant 0 : i32
    %dma_wait3A_708 = arith.constant 0 : i32
    %dma_wait3A_709 = tpu.memref_slice %arg3[%select_n3A, %dma_wait3A_707, %dma_wait3A_708] : memref<2x10000x128xf32, #tpu.memory_space<hbm>> -> memref<1x10000x128xf32, #tpu.memory_space<hbm>>
    %dma_wait3A_710 = tpu.memref_squeeze %dma_wait3A_709 : memref<1x10000x128xf32, #tpu.memory_space<hbm>> -> memref<10000x128xf32, #tpu.memory_space<hbm>>
    %dma_wait3A_711 = arith.constant 0 : i32
    %dma_wait3A_712 = arith.constant 0 : i32
    %dma_wait3A_713 = tpu.memref_slice %dma_wait3A_710[%dma_wait3A_711, %dma_wait3A_712] : memref<10000x128xf32, #tpu.memory_space<hbm>> -> memref<10000x128xf32, #tpu.memory_space<hbm>>
    tpu.wait_indirect_dma semaphore(%arg9 : memref<!tpu.dma_semaphore, #tpu.memory_space<semaphore_mem>>) src(%dma_wait3A_713 : memref<10000x128xf32, #tpu.memory_space<hbm>>) dst(%dma_wait3A_703 : memref<80x128xf32, #tpu.memory_space<vmem>>)
    %add3A_714 = arith.constant 9760 : i32
    %add3A_715 = arith.addi %mul3A_2, %add3A_714 : i32
    %dma_start3A_716 = arith.constant 2 : i32
    %dma_start3A_717 = arith.constant 0 : i32
    %dma_start3A_718 = arith.constant 0 : i32
    %dma_start3A_719 = tpu.memref_slice %arg6[%dma_start3A_716, %dma_start3A_717, %dma_start3A_718] : memref<10x80x128xf32, #tpu.memory_space<vmem>> -> memref<1x80x128xf32, #tpu.memory_space<vmem>>
    %dma_start3A_720 = tpu.memref_squeeze %dma_start3A_719 : memref<1x80x128xf32, #tpu.memory_space<vmem>> -> memref<80x128xf32, #tpu.memory_space<vmem>>
    %dma_start3A_721 = arith.constant 0 : i32
    %dma_start3A_722 = tpu.memref_slice %arg4[%add3A_715, %dma_start3A_721] : memref<320000x128xf32, #tpu.memory_space<hbm>> -> memref<80x128xf32, #tpu.memory_space<hbm>>
    %dma_start3A_723 = arith.constant 0 : i32
    %dma_start3A_724 = tpu.memref_slice %arg4[%add3A_715, %dma_start3A_723] : memref<320000x128xf32, #tpu.memory_space<hbm>> -> memref<80x128xf32, #tpu.memory_space<hbm>>
    %dma_start3A_725 = arith.constant 0 : i32
    %dma_start3A_726 = arith.constant 0 : i32
    %dma_start3A_727 = tpu.memref_slice %arg6[%dma_start3A_716, %dma_start3A_725, %dma_start3A_726] : memref<10x80x128xf32, #tpu.memory_space<vmem>> -> memref<1x80x128xf32, #tpu.memory_space<vmem>>
    %dma_start3A_728 = tpu.memref_squeeze %dma_start3A_727 : memref<1x80x128xf32, #tpu.memory_space<vmem>> -> memref<80x128xf32, #tpu.memory_space<vmem>>
    tpu.enqueue_dma source(%dma_start3A_728 : memref<80x128xf32, #tpu.memory_space<vmem>>) target(%dma_start3A_724 : memref<80x128xf32, #tpu.memory_space<hbm>>) target_semaphore(%arg19 : memref<!tpu.dma_semaphore, #tpu.memory_space<semaphore_mem>>)
    %dma_wait3A_729 = arith.constant 0 : i32
    %dma_wait3A_730 = arith.constant 3 : i32
    %dma_wait3A_731 = arith.constant 0 : i32
    %dma_wait3A_732 = arith.constant 0 : i32
    %dma_wait3A_733 = tpu.memref_slice %arg6[%dma_wait3A_730, %dma_wait3A_731, %dma_wait3A_732] : memref<10x80x128xf32, #tpu.memory_space<vmem>> -> memref<1x80x128xf32, #tpu.memory_space<vmem>>
    %dma_wait3A_734 = tpu.memref_squeeze %dma_wait3A_733 : memref<1x80x128xf32, #tpu.memory_space<vmem>> -> memref<80x128xf32, #tpu.memory_space<vmem>>
    %dma_wait3A_735 = arith.constant 0 : i32
    %dma_wait3A_736 = tpu.memref_slice %arg5[%dma_wait3A_729, %dma_wait3A_735] : memref<125x80xi32, #tpu.memory_space<vmem>> -> memref<1x80xi32, #tpu.memory_space<vmem>>
    %dma_wait3A_737 = tpu.memref_squeeze %dma_wait3A_736 : memref<1x80xi32, #tpu.memory_space<vmem>> -> memref<80xi32, #tpu.memory_space<vmem>>
    %dma_wait3A_738 = arith.constant 0 : i32
    %dma_wait3A_739 = arith.constant 0 : i32
    %dma_wait3A_740 = tpu.memref_slice %arg3[%select_n3A, %dma_wait3A_738, %dma_wait3A_739] : memref<2x10000x128xf32, #tpu.memory_space<hbm>> -> memref<1x10000x128xf32, #tpu.memory_space<hbm>>
    %dma_wait3A_741 = tpu.memref_squeeze %dma_wait3A_740 : memref<1x10000x128xf32, #tpu.memory_space<hbm>> -> memref<10000x128xf32, #tpu.memory_space<hbm>>
    %dma_wait3A_742 = arith.constant 0 : i32
    %dma_wait3A_743 = arith.constant 0 : i32
    %dma_wait3A_744 = tpu.memref_slice %dma_wait3A_741[%dma_wait3A_742, %dma_wait3A_743] : memref<10000x128xf32, #tpu.memory_space<hbm>> -> memref<10000x128xf32, #tpu.memory_space<hbm>>
    tpu.wait_indirect_dma semaphore(%arg10 : memref<!tpu.dma_semaphore, #tpu.memory_space<semaphore_mem>>) src(%dma_wait3A_744 : memref<10000x128xf32, #tpu.memory_space<hbm>>) dst(%dma_wait3A_734 : memref<80x128xf32, #tpu.memory_space<vmem>>)
    %add3A_745 = arith.constant 9840 : i32
    %add3A_746 = arith.addi %mul3A_2, %add3A_745 : i32
    %dma_start3A_747 = arith.constant 3 : i32
    %dma_start3A_748 = arith.constant 0 : i32
    %dma_start3A_749 = arith.constant 0 : i32
    %dma_start3A_750 = tpu.memref_slice %arg6[%dma_start3A_747, %dma_start3A_748, %dma_start3A_749] : memref<10x80x128xf32, #tpu.memory_space<vmem>> -> memref<1x80x128xf32, #tpu.memory_space<vmem>>
    %dma_start3A_751 = tpu.memref_squeeze %dma_start3A_750 : memref<1x80x128xf32, #tpu.memory_space<vmem>> -> memref<80x128xf32, #tpu.memory_space<vmem>>
    %dma_start3A_752 = arith.constant 0 : i32
    %dma_start3A_753 = tpu.memref_slice %arg4[%add3A_746, %dma_start3A_752] : memref<320000x128xf32, #tpu.memory_space<hbm>> -> memref<80x128xf32, #tpu.memory_space<hbm>>
    %dma_start3A_754 = arith.constant 0 : i32
    %dma_start3A_755 = tpu.memref_slice %arg4[%add3A_746, %dma_start3A_754] : memref<320000x128xf32, #tpu.memory_space<hbm>> -> memref<80x128xf32, #tpu.memory_space<hbm>>
    %dma_start3A_756 = arith.constant 0 : i32
    %dma_start3A_757 = arith.constant 0 : i32
    %dma_start3A_758 = tpu.memref_slice %arg6[%dma_start3A_747, %dma_start3A_756, %dma_start3A_757] : memref<10x80x128xf32, #tpu.memory_space<vmem>> -> memref<1x80x128xf32, #tpu.memory_space<vmem>>
    %dma_start3A_759 = tpu.memref_squeeze %dma_start3A_758 : memref<1x80x128xf32, #tpu.memory_space<vmem>> -> memref<80x128xf32, #tpu.memory_space<vmem>>
    tpu.enqueue_dma source(%dma_start3A_759 : memref<80x128xf32, #tpu.memory_space<vmem>>) target(%dma_start3A_755 : memref<80x128xf32, #tpu.memory_space<hbm>>) target_semaphore(%arg20 : memref<!tpu.dma_semaphore, #tpu.memory_space<semaphore_mem>>)
    %dma_wait3A_760 = arith.constant 0 : i32
    %dma_wait3A_761 = arith.constant 4 : i32
    %dma_wait3A_762 = arith.constant 0 : i32
    %dma_wait3A_763 = arith.constant 0 : i32
    %dma_wait3A_764 = tpu.memref_slice %arg6[%dma_wait3A_761, %dma_wait3A_762, %dma_wait3A_763] : memref<10x80x128xf32, #tpu.memory_space<vmem>> -> memref<1x80x128xf32, #tpu.memory_space<vmem>>
    %dma_wait3A_765 = tpu.memref_squeeze %dma_wait3A_764 : memref<1x80x128xf32, #tpu.memory_space<vmem>> -> memref<80x128xf32, #tpu.memory_space<vmem>>
    %dma_wait3A_766 = arith.constant 0 : i32
    %dma_wait3A_767 = tpu.memref_slice %arg5[%dma_wait3A_760, %dma_wait3A_766] : memref<125x80xi32, #tpu.memory_space<vmem>> -> memref<1x80xi32, #tpu.memory_space<vmem>>
    %dma_wait3A_768 = tpu.memref_squeeze %dma_wait3A_767 : memref<1x80xi32, #tpu.memory_space<vmem>> -> memref<80xi32, #tpu.memory_space<vmem>>
    %dma_wait3A_769 = arith.constant 0 : i32
    %dma_wait3A_770 = arith.constant 0 : i32
    %dma_wait3A_771 = tpu.memref_slice %arg3[%select_n3A, %dma_wait3A_769, %dma_wait3A_770] : memref<2x10000x128xf32, #tpu.memory_space<hbm>> -> memref<1x10000x128xf32, #tpu.memory_space<hbm>>
    %dma_wait3A_772 = tpu.memref_squeeze %dma_wait3A_771 : memref<1x10000x128xf32, #tpu.memory_space<hbm>> -> memref<10000x128xf32, #tpu.memory_space<hbm>>
    %dma_wait3A_773 = arith.constant 0 : i32
    %dma_wait3A_774 = arith.constant 0 : i32
    %dma_wait3A_775 = tpu.memref_slice %dma_wait3A_772[%dma_wait3A_773, %dma_wait3A_774] : memref<10000x128xf32, #tpu.memory_space<hbm>> -> memref<10000x128xf32, #tpu.memory_space<hbm>>
    tpu.wait_indirect_dma semaphore(%arg11 : memref<!tpu.dma_semaphore, #tpu.memory_space<semaphore_mem>>) src(%dma_wait3A_775 : memref<10000x128xf32, #tpu.memory_space<hbm>>) dst(%dma_wait3A_765 : memref<80x128xf32, #tpu.memory_space<vmem>>)
    %add3A_776 = arith.constant 9920 : i32
    %add3A_777 = arith.addi %mul3A_2, %add3A_776 : i32
    %dma_start3A_778 = arith.constant 4 : i32
    %dma_start3A_779 = arith.constant 0 : i32
    %dma_start3A_780 = arith.constant 0 : i32
    %dma_start3A_781 = tpu.memref_slice %arg6[%dma_start3A_778, %dma_start3A_779, %dma_start3A_780] : memref<10x80x128xf32, #tpu.memory_space<vmem>> -> memref<1x80x128xf32, #tpu.memory_space<vmem>>
    %dma_start3A_782 = tpu.memref_squeeze %dma_start3A_781 : memref<1x80x128xf32, #tpu.memory_space<vmem>> -> memref<80x128xf32, #tpu.memory_space<vmem>>
    %dma_start3A_783 = arith.constant 0 : i32
    %dma_start3A_784 = tpu.memref_slice %arg4[%add3A_777, %dma_start3A_783] : memref<320000x128xf32, #tpu.memory_space<hbm>> -> memref<80x128xf32, #tpu.memory_space<hbm>>
    %dma_start3A_785 = arith.constant 0 : i32
    %dma_start3A_786 = tpu.memref_slice %arg4[%add3A_777, %dma_start3A_785] : memref<320000x128xf32, #tpu.memory_space<hbm>> -> memref<80x128xf32, #tpu.memory_space<hbm>>
    %dma_start3A_787 = arith.constant 0 : i32
    %dma_start3A_788 = arith.constant 0 : i32
    %dma_start3A_789 = tpu.memref_slice %arg6[%dma_start3A_778, %dma_start3A_787, %dma_start3A_788] : memref<10x80x128xf32, #tpu.memory_space<vmem>> -> memref<1x80x128xf32, #tpu.memory_space<vmem>>
    %dma_start3A_790 = tpu.memref_squeeze %dma_start3A_789 : memref<1x80x128xf32, #tpu.memory_space<vmem>> -> memref<80x128xf32, #tpu.memory_space<vmem>>
    tpu.enqueue_dma source(%dma_start3A_790 : memref<80x128xf32, #tpu.memory_space<vmem>>) target(%dma_start3A_786 : memref<80x128xf32, #tpu.memory_space<hbm>>) target_semaphore(%arg21 : memref<!tpu.dma_semaphore, #tpu.memory_space<semaphore_mem>>)
    %dma_wait3A_791 = arith.constant 0 : i32
    %dma_wait3A_792 = arith.constant 0 : i32
    %dma_wait3A_793 = arith.constant 0 : i32
    %dma_wait3A_794 = tpu.memref_slice %arg6[%dma_wait3A_791, %dma_wait3A_792, %dma_wait3A_793] : memref<10x80x128xf32, #tpu.memory_space<vmem>> -> memref<1x80x128xf32, #tpu.memory_space<vmem>>
    %dma_wait3A_795 = tpu.memref_squeeze %dma_wait3A_794 : memref<1x80x128xf32, #tpu.memory_space<vmem>> -> memref<80x128xf32, #tpu.memory_space<vmem>>
    %dma_wait3A_796 = arith.constant 0 : i32
    %dma_wait3A_797 = tpu.memref_slice %arg4[%mul3A_2, %dma_wait3A_796] : memref<320000x128xf32, #tpu.memory_space<hbm>> -> memref<80x128xf32, #tpu.memory_space<hbm>>
    %dma_wait3A_798 = arith.constant 0 : i32
    %dma_wait3A_799 = tpu.memref_slice %arg4[%mul3A_2, %dma_wait3A_798] : memref<320000x128xf32, #tpu.memory_space<hbm>> -> memref<80x128xf32, #tpu.memory_space<hbm>>
    %dma_wait3A_800 = arith.constant 0 : i32
    %dma_wait3A_801 = arith.constant 0 : i32
    %dma_wait3A_802 = tpu.memref_slice %arg6[%dma_wait3A_791, %dma_wait3A_800, %dma_wait3A_801] : memref<10x80x128xf32, #tpu.memory_space<vmem>> -> memref<1x80x128xf32, #tpu.memory_space<vmem>>
    %dma_wait3A_803 = tpu.memref_squeeze %dma_wait3A_802 : memref<1x80x128xf32, #tpu.memory_space<vmem>> -> memref<80x128xf32, #tpu.memory_space<vmem>>
    tpu.wait_dma2 semaphore(%arg17 : memref<!tpu.dma_semaphore, #tpu.memory_space<semaphore_mem>>) src(%dma_wait3A_803 : memref<80x128xf32, #tpu.memory_space<vmem>>) dst(%dma_wait3A_799 : memref<80x128xf32, #tpu.memory_space<hbm>>)
    %dma_wait3A_804 = arith.constant 1 : i32
    %dma_wait3A_805 = arith.constant 0 : i32
    %dma_wait3A_806 = arith.constant 0 : i32
    %dma_wait3A_807 = tpu.memref_slice %arg6[%dma_wait3A_804, %dma_wait3A_805, %dma_wait3A_806] : memref<10x80x128xf32, #tpu.memory_space<vmem>> -> memref<1x80x128xf32, #tpu.memory_space<vmem>>
    %dma_wait3A_808 = tpu.memref_squeeze %dma_wait3A_807 : memref<1x80x128xf32, #tpu.memory_space<vmem>> -> memref<80x128xf32, #tpu.memory_space<vmem>>
    %dma_wait3A_809 = arith.constant 0 : i32
    %dma_wait3A_810 = tpu.memref_slice %arg4[%mul3A_2, %dma_wait3A_809] : memref<320000x128xf32, #tpu.memory_space<hbm>> -> memref<80x128xf32, #tpu.memory_space<hbm>>
    %dma_wait3A_811 = arith.constant 0 : i32
    %dma_wait3A_812 = tpu.memref_slice %arg4[%mul3A_2, %dma_wait3A_811] : memref<320000x128xf32, #tpu.memory_space<hbm>> -> memref<80x128xf32, #tpu.memory_space<hbm>>
    %dma_wait3A_813 = arith.constant 0 : i32
    %dma_wait3A_814 = arith.constant 0 : i32
    %dma_wait3A_815 = tpu.memref_slice %arg6[%dma_wait3A_804, %dma_wait3A_813, %dma_wait3A_814] : memref<10x80x128xf32, #tpu.memory_space<vmem>> -> memref<1x80x128xf32, #tpu.memory_space<vmem>>
    %dma_wait3A_816 = tpu.memref_squeeze %dma_wait3A_815 : memref<1x80x128xf32, #tpu.memory_space<vmem>> -> memref<80x128xf32, #tpu.memory_space<vmem>>
    tpu.wait_dma2 semaphore(%arg18 : memref<!tpu.dma_semaphore, #tpu.memory_space<semaphore_mem>>) src(%dma_wait3A_816 : memref<80x128xf32, #tpu.memory_space<vmem>>) dst(%dma_wait3A_812 : memref<80x128xf32, #tpu.memory_space<hbm>>)
    %dma_wait3A_817 = arith.constant 2 : i32
    %dma_wait3A_818 = arith.constant 0 : i32
    %dma_wait3A_819 = arith.constant 0 : i32
    %dma_wait3A_820 = tpu.memref_slice %arg6[%dma_wait3A_817, %dma_wait3A_818, %dma_wait3A_819] : memref<10x80x128xf32, #tpu.memory_space<vmem>> -> memref<1x80x128xf32, #tpu.memory_space<vmem>>
    %dma_wait3A_821 = tpu.memref_squeeze %dma_wait3A_820 : memref<1x80x128xf32, #tpu.memory_space<vmem>> -> memref<80x128xf32, #tpu.memory_space<vmem>>
    %dma_wait3A_822 = arith.constant 0 : i32
    %dma_wait3A_823 = tpu.memref_slice %arg4[%mul3A_2, %dma_wait3A_822] : memref<320000x128xf32, #tpu.memory_space<hbm>> -> memref<80x128xf32, #tpu.memory_space<hbm>>
    %dma_wait3A_824 = arith.constant 0 : i32
    %dma_wait3A_825 = tpu.memref_slice %arg4[%mul3A_2, %dma_wait3A_824] : memref<320000x128xf32, #tpu.memory_space<hbm>> -> memref<80x128xf32, #tpu.memory_space<hbm>>
    %dma_wait3A_826 = arith.constant 0 : i32
    %dma_wait3A_827 = arith.constant 0 : i32
    %dma_wait3A_828 = tpu.memref_slice %arg6[%dma_wait3A_817, %dma_wait3A_826, %dma_wait3A_827] : memref<10x80x128xf32, #tpu.memory_space<vmem>> -> memref<1x80x128xf32, #tpu.memory_space<vmem>>
    %dma_wait3A_829 = tpu.memref_squeeze %dma_wait3A_828 : memref<1x80x128xf32, #tpu.memory_space<vmem>> -> memref<80x128xf32, #tpu.memory_space<vmem>>
    tpu.wait_dma2 semaphore(%arg19 : memref<!tpu.dma_semaphore, #tpu.memory_space<semaphore_mem>>) src(%dma_wait3A_829 : memref<80x128xf32, #tpu.memory_space<vmem>>) dst(%dma_wait3A_825 : memref<80x128xf32, #tpu.memory_space<hbm>>)
    %dma_wait3A_830 = arith.constant 3 : i32
    %dma_wait3A_831 = arith.constant 0 : i32
    %dma_wait3A_832 = arith.constant 0 : i32
    %dma_wait3A_833 = tpu.memref_slice %arg6[%dma_wait3A_830, %dma_wait3A_831, %dma_wait3A_832] : memref<10x80x128xf32, #tpu.memory_space<vmem>> -> memref<1x80x128xf32, #tpu.memory_space<vmem>>
    %dma_wait3A_834 = tpu.memref_squeeze %dma_wait3A_833 : memref<1x80x128xf32, #tpu.memory_space<vmem>> -> memref<80x128xf32, #tpu.memory_space<vmem>>
    %dma_wait3A_835 = arith.constant 0 : i32
    %dma_wait3A_836 = tpu.memref_slice %arg4[%mul3A_2, %dma_wait3A_835] : memref<320000x128xf32, #tpu.memory_space<hbm>> -> memref<80x128xf32, #tpu.memory_space<hbm>>
    %dma_wait3A_837 = arith.constant 0 : i32
    %dma_wait3A_838 = tpu.memref_slice %arg4[%mul3A_2, %dma_wait3A_837] : memref<320000x128xf32, #tpu.memory_space<hbm>> -> memref<80x128xf32, #tpu.memory_space<hbm>>
    %dma_wait3A_839 = arith.constant 0 : i32
    %dma_wait3A_840 = arith.constant 0 : i32
    %dma_wait3A_841 = tpu.memref_slice %arg6[%dma_wait3A_830, %dma_wait3A_839, %dma_wait3A_840] : memref<10x80x128xf32, #tpu.memory_space<vmem>> -> memref<1x80x128xf32, #tpu.memory_space<vmem>>
    %dma_wait3A_842 = tpu.memref_squeeze %dma_wait3A_841 : memref<1x80x128xf32, #tpu.memory_space<vmem>> -> memref<80x128xf32, #tpu.memory_space<vmem>>
    tpu.wait_dma2 semaphore(%arg20 : memref<!tpu.dma_semaphore, #tpu.memory_space<semaphore_mem>>) src(%dma_wait3A_842 : memref<80x128xf32, #tpu.memory_space<vmem>>) dst(%dma_wait3A_838 : memref<80x128xf32, #tpu.memory_space<hbm>>)
    %dma_wait3A_843 = arith.constant 4 : i32
    %dma_wait3A_844 = arith.constant 0 : i32
    %dma_wait3A_845 = arith.constant 0 : i32
    %dma_wait3A_846 = tpu.memref_slice %arg6[%dma_wait3A_843, %dma_wait3A_844, %dma_wait3A_845] : memref<10x80x128xf32, #tpu.memory_space<vmem>> -> memref<1x80x128xf32, #tpu.memory_space<vmem>>
    %dma_wait3A_847 = tpu.memref_squeeze %dma_wait3A_846 : memref<1x80x128xf32, #tpu.memory_space<vmem>> -> memref<80x128xf32, #tpu.memory_space<vmem>>
    %dma_wait3A_848 = arith.constant 0 : i32
    %dma_wait3A_849 = tpu.memref_slice %arg4[%mul3A_2, %dma_wait3A_848] : memref<320000x128xf32, #tpu.memory_space<hbm>> -> memref<80x128xf32, #tpu.memory_space<hbm>>
    %dma_wait3A_850 = arith.constant 0 : i32
    %dma_wait3A_851 = tpu.memref_slice %arg4[%mul3A_2, %dma_wait3A_850] : memref<320000x128xf32, #tpu.memory_space<hbm>> -> memref<80x128xf32, #tpu.memory_space<hbm>>
    %dma_wait3A_852 = arith.constant 0 : i32
    %dma_wait3A_853 = arith.constant 0 : i32
    %dma_wait3A_854 = tpu.memref_slice %arg6[%dma_wait3A_843, %dma_wait3A_852, %dma_wait3A_853] : memref<10x80x128xf32, #tpu.memory_space<vmem>> -> memref<1x80x128xf32, #tpu.memory_space<vmem>>
    %dma_wait3A_855 = tpu.memref_squeeze %dma_wait3A_854 : memref<1x80x128xf32, #tpu.memory_space<vmem>> -> memref<80x128xf32, #tpu.memory_space<vmem>>
    tpu.wait_dma2 semaphore(%arg21 : memref<!tpu.dma_semaphore, #tpu.memory_space<semaphore_mem>>) src(%dma_wait3A_855 : memref<80x128xf32, #tpu.memory_space<vmem>>) dst(%dma_wait3A_851 : memref<80x128xf32, #tpu.memory_space<hbm>>)
    %dma_wait3A_856 = arith.constant 5 : i32
    %dma_wait3A_857 = arith.constant 0 : i32
    %dma_wait3A_858 = arith.constant 0 : i32
    %dma_wait3A_859 = tpu.memref_slice %arg6[%dma_wait3A_856, %dma_wait3A_857, %dma_wait3A_858] : memref<10x80x128xf32, #tpu.memory_space<vmem>> -> memref<1x80x128xf32, #tpu.memory_space<vmem>>
    %dma_wait3A_860 = tpu.memref_squeeze %dma_wait3A_859 : memref<1x80x128xf32, #tpu.memory_space<vmem>> -> memref<80x128xf32, #tpu.memory_space<vmem>>
    %dma_wait3A_861 = arith.constant 0 : i32
    %dma_wait3A_862 = tpu.memref_slice %arg4[%mul3A_2, %dma_wait3A_861] : memref<320000x128xf32, #tpu.memory_space<hbm>> -> memref<80x128xf32, #tpu.memory_space<hbm>>
    %dma_wait3A_863 = arith.constant 0 : i32
    %dma_wait3A_864 = tpu.memref_slice %arg4[%mul3A_2, %dma_wait3A_863] : memref<320000x128xf32, #tpu.memory_space<hbm>> -> memref<80x128xf32, #tpu.memory_space<hbm>>
    %dma_wait3A_865 = arith.constant 0 : i32
    %dma_wait3A_866 = arith.constant 0 : i32
    %dma_wait3A_867 = tpu.memref_slice %arg6[%dma_wait3A_856, %dma_wait3A_865, %dma_wait3A_866] : memref<10x80x128xf32, #tpu.memory_space<vmem>> -> memref<1x80x128xf32, #tpu.memory_space<vmem>>
    %dma_wait3A_868 = tpu.memref_squeeze %dma_wait3A_867 : memref<1x80x128xf32, #tpu.memory_space<vmem>> -> memref<80x128xf32, #tpu.memory_space<vmem>>
    tpu.wait_dma2 semaphore(%arg22 : memref<!tpu.dma_semaphore, #tpu.memory_space<semaphore_mem>>) src(%dma_wait3A_868 : memref<80x128xf32, #tpu.memory_space<vmem>>) dst(%dma_wait3A_864 : memref<80x128xf32, #tpu.memory_space<hbm>>)
    %dma_wait3A_869 = arith.constant 6 : i32
    %dma_wait3A_870 = arith.constant 0 : i32
    %dma_wait3A_871 = arith.constant 0 : i32
    %dma_wait3A_872 = tpu.memref_slice %arg6[%dma_wait3A_869, %dma_wait3A_870, %dma_wait3A_871] : memref<10x80x128xf32, #tpu.memory_space<vmem>> -> memref<1x80x128xf32, #tpu.memory_space<vmem>>
    %dma_wait3A_873 = tpu.memref_squeeze %dma_wait3A_872 : memref<1x80x128xf32, #tpu.memory_space<vmem>> -> memref<80x128xf32, #tpu.memory_space<vmem>>
    %dma_wait3A_874 = arith.constant 0 : i32
    %dma_wait3A_875 = tpu.memref_slice %arg4[%mul3A_2, %dma_wait3A_874] : memref<320000x128xf32, #tpu.memory_space<hbm>> -> memref<80x128xf32, #tpu.memory_space<hbm>>
    %dma_wait3A_876 = arith.constant 0 : i32
    %dma_wait3A_877 = tpu.memref_slice %arg4[%mul3A_2, %dma_wait3A_876] : memref<320000x128xf32, #tpu.memory_space<hbm>> -> memref<80x128xf32, #tpu.memory_space<hbm>>
    %dma_wait3A_878 = arith.constant 0 : i32
    %dma_wait3A_879 = arith.constant 0 : i32
    %dma_wait3A_880 = tpu.memref_slice %arg6[%dma_wait3A_869, %dma_wait3A_878, %dma_wait3A_879] : memref<10x80x128xf32, #tpu.memory_space<vmem>> -> memref<1x80x128xf32, #tpu.memory_space<vmem>>
    %dma_wait3A_881 = tpu.memref_squeeze %dma_wait3A_880 : memref<1x80x128xf32, #tpu.memory_space<vmem>> -> memref<80x128xf32, #tpu.memory_space<vmem>>
    tpu.wait_dma2 semaphore(%arg23 : memref<!tpu.dma_semaphore, #tpu.memory_space<semaphore_mem>>) src(%dma_wait3A_881 : memref<80x128xf32, #tpu.memory_space<vmem>>) dst(%dma_wait3A_877 : memref<80x128xf32, #tpu.memory_space<hbm>>)
    %dma_wait3A_882 = arith.constant 7 : i32
    %dma_wait3A_883 = arith.constant 0 : i32
    %dma_wait3A_884 = arith.constant 0 : i32
    %dma_wait3A_885 = tpu.memref_slice %arg6[%dma_wait3A_882, %dma_wait3A_883, %dma_wait3A_884] : memref<10x80x128xf32, #tpu.memory_space<vmem>> -> memref<1x80x128xf32, #tpu.memory_space<vmem>>
    %dma_wait3A_886 = tpu.memref_squeeze %dma_wait3A_885 : memref<1x80x128xf32, #tpu.memory_space<vmem>> -> memref<80x128xf32, #tpu.memory_space<vmem>>
    %dma_wait3A_887 = arith.constant 0 : i32
    %dma_wait3A_888 = tpu.memref_slice %arg4[%mul3A_2, %dma_wait3A_887] : memref<320000x128xf32, #tpu.memory_space<hbm>> -> memref<80x128xf32, #tpu.memory_space<hbm>>
    %dma_wait3A_889 = arith.constant 0 : i32
    %dma_wait3A_890 = tpu.memref_slice %arg4[%mul3A_2, %dma_wait3A_889] : memref<320000x128xf32, #tpu.memory_space<hbm>> -> memref<80x128xf32, #tpu.memory_space<hbm>>
    %dma_wait3A_891 = arith.constant 0 : i32
    %dma_wait3A_892 = arith.constant 0 : i32
    %dma_wait3A_893 = tpu.memref_slice %arg6[%dma_wait3A_882, %dma_wait3A_891, %dma_wait3A_892] : memref<10x80x128xf32, #tpu.memory_space<vmem>> -> memref<1x80x128xf32, #tpu.memory_space<vmem>>
    %dma_wait3A_894 = tpu.memref_squeeze %dma_wait3A_893 : memref<1x80x128xf32, #tpu.memory_space<vmem>> -> memref<80x128xf32, #tpu.memory_space<vmem>>
    tpu.wait_dma2 semaphore(%arg24 : memref<!tpu.dma_semaphore, #tpu.memory_space<semaphore_mem>>) src(%dma_wait3A_894 : memref<80x128xf32, #tpu.memory_space<vmem>>) dst(%dma_wait3A_890 : memref<80x128xf32, #tpu.memory_space<hbm>>)
    %dma_wait3A_895 = arith.constant 8 : i32
    %dma_wait3A_896 = arith.constant 0 : i32
    %dma_wait3A_897 = arith.constant 0 : i32
    %dma_wait3A_898 = tpu.memref_slice %arg6[%dma_wait3A_895, %dma_wait3A_896, %dma_wait3A_897] : memref<10x80x128xf32, #tpu.memory_space<vmem>> -> memref<1x80x128xf32, #tpu.memory_space<vmem>>
    %dma_wait3A_899 = tpu.memref_squeeze %dma_wait3A_898 : memref<1x80x128xf32, #tpu.memory_space<vmem>> -> memref<80x128xf32, #tpu.memory_space<vmem>>
    %dma_wait3A_900 = arith.constant 0 : i32
    %dma_wait3A_901 = tpu.memref_slice %arg4[%mul3A_2, %dma_wait3A_900] : memref<320000x128xf32, #tpu.memory_space<hbm>> -> memref<80x128xf32, #tpu.memory_space<hbm>>
    %dma_wait3A_902 = arith.constant 0 : i32
    %dma_wait3A_903 = tpu.memref_slice %arg4[%mul3A_2, %dma_wait3A_902] : memref<320000x128xf32, #tpu.memory_space<hbm>> -> memref<80x128xf32, #tpu.memory_space<hbm>>
    %dma_wait3A_904 = arith.constant 0 : i32
    %dma_wait3A_905 = arith.constant 0 : i32
    %dma_wait3A_906 = tpu.memref_slice %arg6[%dma_wait3A_895, %dma_wait3A_904, %dma_wait3A_905] : memref<10x80x128xf32, #tpu.memory_space<vmem>> -> memref<1x80x128xf32, #tpu.memory_space<vmem>>
    %dma_wait3A_907 = tpu.memref_squeeze %dma_wait3A_906 : memref<1x80x128xf32, #tpu.memory_space<vmem>> -> memref<80x128xf32, #tpu.memory_space<vmem>>
    tpu.wait_dma2 semaphore(%arg25 : memref<!tpu.dma_semaphore, #tpu.memory_space<semaphore_mem>>) src(%dma_wait3A_907 : memref<80x128xf32, #tpu.memory_space<vmem>>) dst(%dma_wait3A_903 : memref<80x128xf32, #tpu.memory_space<hbm>>)
    %dma_wait3A_908 = arith.constant 9 : i32
    %dma_wait3A_909 = arith.constant 0 : i32
    %dma_wait3A_910 = arith.constant 0 : i32
    %dma_wait3A_911 = tpu.memref_slice %arg6[%dma_wait3A_908, %dma_wait3A_909, %dma_wait3A_910] : memref<10x80x128xf32, #tpu.memory_space<vmem>> -> memref<1x80x128xf32, #tpu.memory_space<vmem>>
    %dma_wait3A_912 = tpu.memref_squeeze %dma_wait3A_911 : memref<1x80x128xf32, #tpu.memory_space<vmem>> -> memref<80x128xf32, #tpu.memory_space<vmem>>
    %dma_wait3A_913 = arith.constant 0 : i32
    %dma_wait3A_914 = tpu.memref_slice %arg4[%mul3A_2, %dma_wait3A_913] : memref<320000x128xf32, #tpu.memory_space<hbm>> -> memref<80x128xf32, #tpu.memory_space<hbm>>
    %dma_wait3A_915 = arith.constant 0 : i32
    %dma_wait3A_916 = tpu.memref_slice %arg4[%mul3A_2, %dma_wait3A_915] : memref<320000x128xf32, #tpu.memory_space<hbm>> -> memref<80x128xf32, #tpu.memory_space<hbm>>
    %dma_wait3A_917 = arith.constant 0 : i32
    %dma_wait3A_918 = arith.constant 0 : i32
    %dma_wait3A_919 = tpu.memref_slice %arg6[%dma_wait3A_908, %dma_wait3A_917, %dma_wait3A_918] : memref<10x80x128xf32, #tpu.memory_space<vmem>> -> memref<1x80x128xf32, #tpu.memory_space<vmem>>
    %dma_wait3A_920 = tpu.memref_squeeze %dma_wait3A_919 : memref<1x80x128xf32, #tpu.memory_space<vmem>> -> memref<80x128xf32, #tpu.memory_space<vmem>>
    tpu.wait_dma2 semaphore(%arg26 : memref<!tpu.dma_semaphore, #tpu.memory_space<semaphore_mem>>) src(%dma_wait3A_920 : memref<80x128xf32, #tpu.memory_space<vmem>>) dst(%dma_wait3A_916 : memref<80x128xf32, #tpu.memory_space<hbm>>)
    return
  }
}

module attributes {stable_mosaic.version = 14 : i64} {
  func.func @_broadcast_body(%arg0: i32, %arg1: memref<1000x128xf32, #tpu.memory_space<vmem>>, %arg2: memref<1000x16x128xf32, #tpu.memory_space<vmem>>) attributes {dimension_semantics = [#tpu.dimension_semantics<arbitrary>], iteration_bounds = array<i64: 20>, scalar_prefetch = 0 : i64, scratch_operands = 0 : i64, tpu.core_type = #tpu.core_type<tc>, window_params = [{transform_indices = @transform_0, window_bounds = array<i64: 1000, 128>}, {transform_indices = @transform_1, window_bounds = array<i64: 1000, 16, 128>}]} {
    %get3A = arith.constant 0 : index
    %get3A_0 = arith.constant 0 : index
    %get3A_1 = vector.load %arg1[%get3A, %get3A_0] : memref<1000x128xf32, #tpu.memory_space<vmem>>, vector<1000x128xf32>
    %broadcast_in_dim3A = vector.shape_cast %get3A_1 : vector<1000x128xf32> to vector<1000x1x128xf32>
    %broadcast_in_dim3A_2 = vector.shape_cast %broadcast_in_dim3A : vector<1000x1x128xf32> to vector<1000x1x128xf32>
    %broadcast_in_dim3A_3 = vector.broadcast %broadcast_in_dim3A_2 : vector<1000x1x128xf32> to vector<1000x16x128xf32>
    %swap3A = arith.constant 0 : index
    %swap3A_4 = arith.constant 0 : index
    %swap3A_5 = arith.constant 0 : index
    %swap3A_6 = vector.load %arg2[%swap3A, %swap3A_4, %swap3A_5] : memref<1000x16x128xf32, #tpu.memory_space<vmem>>, vector<1000x16x128xf32>
    tpu.vector_store %arg2[%swap3A, %swap3A_4, %swap3A_5], %broadcast_in_dim3A_3 {strides = array<i32>} : memref<1000x16x128xf32, #tpu.memory_space<vmem>>, vector<1000x16x128xf32>,
    return
  }
  func.func @transform_0(%arg0: i32) -> (i32, i32) {
    %c0_i32 = arith.constant 0 : i32
    %c0_i32_0 = arith.constant 0 : i32
    return %arg0, %c0_i32 : i32, i32
  }
  func.func @transform_1(%arg0: i32) -> (i32, i32, i32) {
    %c0_i32 = arith.constant 0 : i32
    %c0_i32_0 = arith.constant 0 : i32
    %c0_i32_1 = arith.constant 0 : i32
    return %arg0, %c0_i32, %c0_i32_0 : i32, i32, i32
  }
}

</mosaic_0001>

<sc_bundles>
// kernel: kernel.4.cloned.1.call-start
scs
__scs_entry_jumppad:
0x0: {  	(pc) =	sbr.rel $0x88, $3  }
0x1: {  	(tag) =	ssettag $0x0;
	lr =	simm.s32 $0x1  }
0x2: {  	[smem:$0x3F9F] =	sst lr;
	_ =	strace $0xD0000000  }
0x3: {  	_ = 	snop  }
0x4: {  	_ = 	snop  }
0x5: {  	_ = 	snop  }
0x6: {  	_ = 	snop  }
0x7: {  	_ = 	snop  }
__scs_overlays_trampoline_lowered:
0x8: {  	[smem:$0x3FAE] =	sst s0  }
0x9: {  	[smem:$0x3FAF] =	sst s1  }
0xa: {  	[smem:$0x3FB0] =	sst s2  }
0xb: {  	[smem:$0x3FB1] =	sst s3  }
0xc: {  	[smem:$0x3FB2] =	sst s4  }
0xd: {  	[smem:$0x3FB3] =	sst s5  }
0xe: {  	[smem:$0x3FB4] =	sst s6  }
0xf: {  	[smem:$0x3FB5] =	sst s7  }
0x10: {  	[smem:$0x3FB6] =	sst s8  }
0x11: {  	[smem:$0x3FB7] =	sst s9;
	s0 =	simm.s32 @!p0 $0x0  }
0x12: {  	s1 =	sld [smem:$0x3F9D];
	s0 =	simm.s32 @p0 $0x1  }
0x13: {  	[smem:$0x3FB8] =	sst s0;
	s0 =	simm.s32 @!p1 $0x0  }
0x14: {  	s2 =	sld [smem:$0x3F9C];
	s0 =	simm.s32 @p1 $0x1  }
0x15: {  	[smem:$0x3FB9] =	sst s0;
	s0 =	simm.s32 @!p2 $0x0  }
0x16: {  	s3 =	sld [smem:$0x3FDB];
	s0 =	simm.s32 @p2 $0x1  }
0x17: {  	s4 =	simm.s32 $0x1BF5;
	[smem:$0x3FBB] =	sst s0  }
0x18: {  	s0 =	sld [smem:$0x3F9E];
	_ =	swait.ge [sflag:s4], $0x0  }
0x19: {  	s7 =	sld [smem:$0x3F9F]  }
0x1a: {  	s8 =	sadd.s32 $0xFFFFE003, lr  }
0x1b: {  	s9 =	sadd.s32 $0xFFFFFEF7, lr;
	s5 =	simm.s32 $0xFFFFFFFF;
	p2 =	slt.u32 s8, $0xFFFFF086  }
0x1c: {  	p1 =	slt.u32 s9, $0xF7A;
	s5 =	simm.s32 @!p2 $0x0  }
0x1d: {  	s5 =	simm.s32 @p1 $0x1;
	p0 =	seq.s32 s7, s2  }
0x1e: {  	s7 =	smul.u32 @!p0 $0xF7A, s2;
	p2 =	seq.s32 @!p0 s5, $0x0  }
0x1f: {  	s9 =	smul.u32 $0xF7A, s1;
	s8 =	simm.s32 @!p0 $0x1BF5;
	p2 =	por !p2, p0  }
0x20: {  	[sflag:s8] =	ssyncset.s32 @!p0 $0xFFFFF086;
	s6 =	sadd.s32 @!p0 s3, s7;
	s7 =	simm.s32 @!p0 $0x108  }
0x21: {  	s3 =	sadd.s32 s3, s9;
	s6 =	sadd.s32 @!p0 $0x88, s6;
	s7 =	simm.s32 @p2 $0x1082  }
0x22: {  	[simem:s7], [sflag:s8] =	dma.local @!p0 [hbm:s6], $0xF7A  }
0x23: {  	s9 =	sor.u32 $0xD0000000, s2;
	s6 =	simm.s32 $0x108;
	_ =	swait.ge @!p0 [sflag:s8], $0x0  }
0x24: {  	s3 =	sadd.s32 $0x88, s3;
	s6 =	simm.s32 @!p1 $0x1082;
	[sflag:s4] =	ssyncset.s32 $0xFFFFF086  }
0x25: {  	[simem:s6], [sflag:s4] =	dma.local [hbm:s3], $0xF7A  }
0x26: {  	[smem:$0x3F9F] =	sst s1;
	(tag) =	ssettag s2;
	_ =	strace s9  }
0x27: {  	s1 =	sld [smem:$0x3FAF]  }
0x28: {  	s2 =	sld [smem:$0x3FB0]  }
0x29: {  	s4 =	sld [smem:$0x3FB2]  }
0x2a: {  	p0 =	seq.s32 s5, $0x0;
	s5 =	sld [smem:$0x3FB3]  }
0x2b: {  	s6 =	sld [smem:$0x3FB4]  }
0x2c: {  	s7 =	sld [smem:$0x3FB5]  }
0x2d: {  	s3 =	simm.s32 $0x108;
	s8 =	sld [smem:$0x3FB6]  }
0x2e: {  	s3 =	simm.s32 @!p0 $0x1082;
	s9 =	sld [smem:$0x3FB7]  }
0x2f: {  	lr =	sadd.s32 s0, s3;
	s0 =	sld [smem:$0x3FAE]  }
0x30: {  	s3 =	sld [smem:$0x3FB1]  }
0x31: {  	[smem:$0x3FBA] =	sst s10  }
0x32: {  	s10 =	sld [smem:$0x3FB8];
	_ =	sdelay $0x3  }
0x33: {  	p0 =	seq.s32 s10, $0x1;
	s10 =	sld [smem:$0x3FBA];
	_ =	sdelay $0x3  }
0x34: {  	[smem:$0x3FBA] =	sst s10  }
0x35: {  	s10 =	sld [smem:$0x3FB9];
	_ =	sdelay $0x3  }
0x36: {  	p1 =	seq.s32 s10, $0x1;
	s10 =	sld [smem:$0x3FBA];
	_ =	sdelay $0x3  }
0x37: {  	[smem:$0x3FBA] =	sst s10  }
0x38: {  	s10 =	sld [smem:$0x3FBB]  }
0x39: {  	_ = 	snop;
	(pc) =	sbr.ind lr, $3  }
0x3a: {  	_ = 	snop  }
0x3b: {  	_ = 	snop  }
0x3c: {  	p2 =	seq.s32 s10, $0x1;
	s10 =	sld [smem:$0x3FBA]  }
0x3d: {  	_ =	shalt  }
0x3e: {  	_ =	shalt  }
0x3f: {  	_ =	shalt  }
0x40: {  	_ =	shalt  }
0x41: {  	_ =	shalt  }
0x42: {  	_ =	shalt  }
0x43: {  	_ =	shalt  }
0x44: {  	_ =	shalt  }
0x45: {  	_ =	shalt  }
0x46: {  	_ =	shalt  }
0x47: {  	_ =	shalt  }
0x48: {  	_ =	shalt  }
0x49: {  	_ =	shalt  }
0x4a: {  	_ =	shalt  }
0x4b: {  	_ =	shalt  }
0x4c: {  	_ =	shalt  }
0x4d: {  	_ =	shalt  }
0x4e: {  	_ =	shalt  }
0x4f: {  	_ =	shalt  }
0x50: {  	_ =	shalt  }
0x51: {  	_ =	shalt  }
0x52: {  	_ =	shalt  }
0x53: {  	_ =	shalt  }
0x54: {  	_ =	shalt  }
0x55: {  	_ =	shalt  }
0x56: {  	_ =	shalt  }
0x57: {  	_ =	shalt  }
0x58: {  	_ =	shalt  }
0x59: {  	_ =	shalt  }
0x5a: {  	_ =	shalt  }
0x5b: {  	_ =	shalt  }
0x5c: {  	_ =	shalt  }
0x5d: {  	_ =	shalt  }
0x5e: {  	_ =	shalt  }
0x5f: {  	_ =	shalt  }
0x60: {  	_ =	shalt  }
0x61: {  	_ =	shalt  }
0x62: {  	_ =	shalt  }
0x63: {  	_ =	shalt  }
0x64: {  	_ =	shalt  }
0x65: {  	_ =	shalt  }
0x66: {  	_ =	shalt  }
0x67: {  	_ =	shalt  }
0x68: {  	_ =	shalt  }
0x69: {  	_ =	shalt  }
0x6a: {  	_ =	shalt  }
0x6b: {  	_ =	shalt  }
0x6c: {  	_ =	shalt  }
0x6d: {  	_ =	shalt  }
0x6e: {  	_ =	shalt  }
0x6f: {  	_ =	shalt  }
0x70: {  	_ =	shalt  }
0x71: {  	_ =	shalt  }
0x72: {  	_ =	shalt  }
0x73: {  	_ =	shalt  }
0x74: {  	_ =	shalt  }
0x75: {  	_ =	shalt  }
0x76: {  	_ =	shalt  }
0x77: {  	_ =	shalt  }
0x78: {  	_ =	shalt  }
0x79: {  	_ =	shalt  }
0x7a: {  	_ =	shalt  }
0x7b: {  	_ =	shalt  }
0x7c: {  	_ =	shalt  }
0x7d: {  	_ =	shalt  }
0x7e: {  	_ =	shalt  }
0x7f: {  	_ =	shalt  }
0x80: {  	_ =	shalt  }
0x81: {  	_ =	shalt  }
0x82: {  	_ =	shalt  }
0x83: {  	_ =	shalt  }
0x84: {  	_ =	shalt  }
0x85: {  	_ =	shalt  }
0x86: {  	_ =	shalt  }
0x87: {  	_ =	shalt  }
.Lfunc_end0:
.L_simem_size_0:
called_computation_lowered:
.L_overlay_start_0:
0x88: {  	s2 =	sld [smem:$0x3FD9]  }
0x89: {  	s3 =	sld [smem:$0x3FFE];
	_ =	sdelay $0x1  }
0x8a: {  	s1 =	srdreg.scid  }
0x8b: {  	s0 =	sand.u32 $0x1, s1  }
0x8c: {  	s14 =	sshll.u32 s0, $0xA;
	s2 =	sadd.s32 s3, s2  }
0x8d: {  	s2 =	sadd.s32 s2, s14  }
0x8e: {  	[smem:$0x3FC6] =	sst s2  }
0x8f: {  	_ = 	snop  }
0x90: {  	s2 =	sld [smem:$0x3FD0];
	_ =	sdelay $0x2  }
0x91: {  	s4 =	simm.s32 $0xA;
	s5 =	simm.s32 $0x10;
	s15 =	sld [smem:$0x3FC9]  }
0x92: {  	[smem:s5], [sflag:s4] =	dma.local [hbm:s2], $0x1  }
0x93: {  	_ =	swait.eq [sflag:s4], $0x1  }
0x94: {  	[sflag:s4] =	ssyncset.done $0x0  }
0x95: {  	[sflag:s4] =	ssyncadd.s32 $0xFFFFFFFF  }
0x96: {  	s16 =	sld [smem:$0x11];
	(tm) =	ssettm $0x1  }
0x97: {  	s17 =	sld [smem:$0x3FFB];
	_ =	sdelay $0x3  }
0x98: {  	_ =	strace s17  }
0x99: {  	s4 =	sld [smem:$0x3FFC];
	_ =	sdelay $0x3  }
0x9a: {  	_ =	strace s4  }
0x9b: {  	s4 =	sld [smem:$0x3FFD];
	_ =	sdelay $0x3  }
0x9c: {  	_ =	strace s4  }
0x9d: {  	_ =	strace $0x8FFFFFFF  }
0x9e: {  	s18 =	sld [smem:$0x3FDB];
	_ =	sdelay $0x1  }
0x9f: {  	s19 =	simm.s32 $_scs_section_size  }
0xa0: {  	s6 =	simm.s32 $_size__tile_overlayer_lowered;
	s7 =	simm.s32 $_tile_overlayer_lowered  }
0xa1: {  	s22 =	simm.s32 $0x1BFF;
	s21 =	sshll.u32 s7, $0x1;
	s4 =	sadd.s32 s19, s18  }
0xa2: {  	s8 =	simm.s32 $0x0;
	s20 =	sshll.u32 s6, $0x1;
	s6 =	sadd.s32 s21, s4  }
0xa3: {  	[timem:s8], [sflag:s22] =	dma.local [hbm:s6], s20  }
0xa4: {  	_ =	swait.ge [sflag:s22], s20  }
0xa5: {  	s5 =	ssub.s32 $0x0, s20;
	[sflag:s22] =	ssyncset.done $0x0  }
0xa6: {  	[sflag:s22] =	ssyncadd.s32 s5;
	_ =	sdelay $0x1  }
0xa7: {  	s23 =	simm.s32 $0x1B8B  }
0xa8: {  	_ =	swait.ge [sflag:s23], $0x1  }
0xa9: {  	[sflag:s23] =	ssyncset.done $0x0  }
0xaa: {  	s25 =	simm.s32 $0x1B8E;
	s24 =	sld [smem:$0x3FFE];
	[sflag:s23] =	ssyncadd.s32 $0xFFFFFFFF  }
0xab: {  	s26 =	simm.s32 $execute0_lowered;
	[smem:$0x3FD2] =	sst s25  }
0xac: {  	s6 =	sshll.u32 s26, $0x1;
	_ =	strace $0x80000046;
	[dreg:$0x1] =	wrdreg $0xFFFFFFFF  }
0xad: {  	s28 =	simm.s32 $_size_execute0_lowered;
	s4 =	sadd.s32 s4, s6;
	[dreg:$0x0] =	wrdreg $0x0  }
0xae: {  	s6 =	sshll.u32 s28, $0x1;
	[dreg:$0x2] =	wrdreg s4  }
0xaf: {  	[dreg:$0x3] =	wrdreg s6  }
0xb0: {  	[dreg:$0x4] =	wrdreg $0xC0  }
0xb1: {  	_ =	task [dreg:s8], $0x5FFFF  }
0xb2: {  	[dreg:$0x1] =	wrdreg $0xFFFFFFFF  }
0xb3: {  	[dreg:$0x0] =	wrdreg $0x60  }
0xb4: {  	[dreg:$0x2] =	wrdreg s24  }
0xb5: {  	[dreg:$0x3] =	wrdreg s15  }
0xb6: {  	[dreg:$0x4] =	wrdreg s16  }
0xb7: {  	[dreg:$0x5] =	wrdreg $0x9  }
0xb8: {  	_ =	task.clear_ibuf [dreg:s8], $0x6FFFF;
	_ =	strace $0x90000046  }
0xb9: {  	s29 =	simm.s32 $0x9;
	_ =	strace $0x80000048  }
0xba: {  	_ =	swait.ge [sflag:s29], $0x1  }
0xbb: {  	[sflag:s29] =	ssyncadd.s32 $0xFFFFFFFF  }
0xbc: {  	_ =	strace $0x90000048  }
0xbd: {  	_ =	sfence  }
0xbe: {  	s30 =	sld [smem:$0x0];
	_ =	sdelay $0x2  }
0xbf: {  	s31 =	sshll.u32 s1, $0xD;
	s1 =	sshrl.u32 s1, $0x2  }
0xc0: {  	s3 =	sand.u32 $0x4000, s31;
	s1 =	sadd.s32 s1, s30  }
0xc1: {  	s0 =	sor.u32 s3, s0;
	s1 =	sshll.u32 s1, $0x11  }
0xc2: {  	s0 =	sor.u32 s1, s0  }
0xc3: {  	s0 =	sadd.s32 $0x8F2B, s0  }
0xc4: {  	[sflag:s0] =	ssyncadd.remote.s32 $0x1  }
0xc5: {  	_ =	sfence.sel $0xFFFF  }
0xc6: {  	[dreg:$0x0] =	wrdreg $0xFFFFFFFF;
	(pc) =	sbr.abs _section_cstart, $3  }
0xc7: {  	[dreg:$0x1] =	wrdreg $0xFFFFFFFF  }
0xc8: {  	_ =	task.clear_ibuf [dreg:s8], $0x2FFFF;
	_ =	strace $0x9FFFFFFF  }
0xc9: {  	(tm) =	ssettm $0x7FFFFFFF  }
tec
execute0_lowered:
.L_overlay_start_1:
0x0: {  	(tag) =	ssettag $0x1  }
0x1: {  	s0 =	rddreg [dreg:$0x0]  }
0x2: {  	s1 =	rddreg [dreg:$0x1]  }
0x3: {  	s3 =	rddreg [dreg:$0x2]  }
0x4: {  	s4 =	srdreg.scid;
	s11 =	stileid.u32  }
0x5: {  	s2 =	simm.s32 $0x0;
	s5 =	sand.u32 $0x1, s4;
	s30 =	sshll.u32 s11, $0x1  }
0x6: {  	[smem:$0x7FF] =	sst s2;
	s4 =	sor.u32 s5, s30  }
0x7: {  	s31 =	ssub.s32 $0x2, s5;
	s6 =	sshll.u32 s4, $0xB;
	s8 =	smul.u32 $0x138800, s4  }
0x8: {  	s9 =	sshrl.u32 s31, $0x1;
	s10 =	smul.u32 $0x27100, s4;
	s0 =	sadd.s32 s6, s0  }
0x9: {  	_ =	strace $0x80000047;
	s6 =	ssub.s32 s31, s9;
	s0 =	sadd.s32 $0x600, s0  }
0xa: {  	s12 =	sshrl.u32 s8, $0x3;
	s14 =	sadd.s32 s3, s10;
	[dreg:$0x4] =	wrdreg s0  }
0xb: {  	s30 =	smax.u32 s6, $0x1;
	s13 =	sadd.s32 s3, s12;
	[dreg:$0x5] =	wrdreg s14  }
0xc: {  	s7 =	sshrl.u32 s11, $0x3;
	[dreg:$0x14] =	wrdreg s30;
	s15 =	sadd.s32 $0x500, s13  }
0xd: {  	s24 =	smul.u32 $0x4E200, s11;
	s16 =	sadd.s32 $0xA00, s13;
	[dreg:$0x6] =	wrdreg s15  }
0xe: {  	s7 =	smul.u32 $0x27100, s7;
	s17 =	sadd.s32 $0xF00, s13;
	[dreg:$0x7] =	wrdreg s16  }
0xf: {  	s5 =	smul.u32 $0x27100, s5;
	s18 =	sadd.s32 $0x1400, s13;
	[dreg:$0x8] =	wrdreg s17  }
0x10: {  	s4 =	sadd.s32 s1, s7;
	s19 =	sadd.s32 $0x1900, s13;
	[dreg:$0x9] =	wrdreg s18  }
0x11: {  	s1 =	sadd.s32 s24, s3;
	s20 =	sadd.s32 $0x1E00, s13;
	[dreg:$0xa] =	wrdreg s19  }
0x12: {  	s7 =	simm.s32 $0x13000;
	s21 =	sadd.s32 $0x2300, s13;
	[dreg:$0xb] =	wrdreg s20  }
0x13: {  	s9 =	simm.s32 $0x15800;
	s22 =	sadd.s32 $0x2800, s13;
	[dreg:$0xc] =	wrdreg s21  }
0x14: {  	s24 =	simm.s32 $0x13;
	s23 =	sadd.s32 $0x2D00, s13;
	[dreg:$0xd] =	wrdreg s22  }
0x15: {  	s31 =	sadd.s32 s5, s1;
	s25 =	sadd.s32 $0x25800, s13;
	[dreg:$0xe] =	wrdreg s23  }
0x16: {  	s5 =	simm.s32 $0x10800;
	s26 =	sadd.s32 $0x25D00, s13;
	[dreg:$0xf] =	wrdreg s25  }
0x17: {  	s10 =	simm.s32 $0x18000;
	s28 =	sadd.s32 $0x26200, s13;
	[dreg:$0x10] =	wrdreg s26  }
0x18: {  	s12 =	simm.s32 $0x6;
	s29 =	sadd.s32 $0x26700, s13;
	[dreg:$0x11] =	wrdreg s28  }
0x19: {  	s14 =	simm.s32 $0xD;
	s0 =	sadd.s32 $0x26C00, s13;
	[dreg:$0x12] =	wrdreg s29  }
0x1a: {  	s13 =	simm.s32 $0x7;
	[dreg:$0x13] =	wrdreg s0;
	s0 =	sadd.s32 $0x3200, s31  }
0x1b: {  	s23 =	simm.s32 $0x50;
	s15 =	simm.s32 $0x8;
	s16 =	simm.s32 $0xE  }
0x1c: {  	s17 =	simm.s32 $0x9;
	s18 =	simm.s32 $0xF;
	s19 =	simm.s32 $0xA  }
0x1d: {  	s20 =	simm.s32 $0x10;
	s22 =	simm.s32 $0x11;
	s21 =	simm.s32 $0x12  }
0x1e: {  	s26 =	simm.s32 $0x14;
	[dreg:$0x15] =	wrdreg s0;
	s0 =	simm.s32 $0x0  }
.LBB2_1:
0x1f: {  	[dreg:$0x16] =	wrdreg s0  }
0x20: {  	s1 =	rddreg [dreg:$0x4];
	s8 =	simm.s32 $0x15  }
0x21: {  	[tilespmem:s2], [sflag:$0x15] =	stream.linear.gather [hbm4b:s1+s2], $0x3E80, $0x38;
	[tilespmem:$0x1D000] =	vst v63  }
0x22: {  	_ =	swait.ge [sflag:s8], $0x3E80  }
0x23: {  	[sflag:s8] =	ssyncset.done $0x0  }
0x24: {  	s29 =	simm.s32 $0x4000;
	[sflag:s8] =	ssyncadd.s32 $0xFFFFC180  }
0x25: {  	[tilespmem:s29], [sflag:$0x1] =	stream.indirect.gather [hbm4b:s4+s23], $0x80, s2, s23, $0xb8;
	[tilespmem:$0x1D000] =	vst v63  }
0x26: {  	s11 =	simm.s32 $0x80;
	s25 =	simm.s32 $0x6800  }
0x27: {  	[tilespmem:s25], [sflag:$0x2] =	stream.indirect.gather [hbm4b:s4+s23], $0x80, s11, s23, $0xb8;
	[tilespmem:$0x1D000] =	vst v63  }
0x28: {  	s28 =	simm.s32 $0x100;
	s30 =	simm.s32 $0x9000  }
0x29: {  	[tilespmem:s30], [sflag:$0x3] =	stream.indirect.gather [hbm4b:s4+s23], $0x80, s28, s23, $0xb8;
	[tilespmem:$0x1D000] =	vst v63  }
0x2a: {  	s0 =	simm.s32 $0x180;
	s6 =	simm.s32 $0xB800  }
0x2b: {  	[tilespmem:s6], [sflag:$0x4] =	stream.indirect.gather [hbm4b:s4+s23], $0x80, s0, s23, $0xb8;
	[tilespmem:$0x1D000] =	vst v63  }
0x2c: {  	s8 =	simm.s32 $0x200;
	s11 =	simm.s32 $0xE000  }
0x2d: {  	[tilespmem:s11], [sflag:$0x5] =	stream.indirect.gather [hbm4b:s4+s23], $0x80, s8, s23, $0xb8;
	[tilespmem:$0x1D000] =	vst v63  }
0x2e: {  	s28 =	simm.s32 $0x280;
	s0 =	simm.s32 $0x1  }
0x2f: {  	[tilespmem:s5], [sflag:$0x6] =	stream.indirect.gather [hbm4b:s4+s23], $0x80, s28, s23, $0xb8;
	[tilespmem:$0x1D000] =	vst v63  }
0x30: {  	_ =	swait.ge [sflag:s0], $0x2800  }
0x31: {  	[sflag:s0] =	ssyncset.done $0x0  }
0x32: {  	s30 =	rddreg [dreg:$0x5];
	[sflag:s0] =	ssyncadd.s32 $0xFFFFD800  }
0x33: {  	[hbm4b:s30+s2] =	stream.linear.scatter [tilespmem:s29], [sflag:$0xB], $0x2800, $0x38;
	[tilespmem:$0x1D000] =	vst v63  }
0x34: {  	s11 =	simm.s32 $0x300;
	s30 =	simm.s32 $0x2  }
0x35: {  	[tilespmem:s7], [sflag:$0x7] =	stream.indirect.gather [hbm4b:s4+s23], $0x80, s11, s23, $0xb8;
	[tilespmem:$0x1D000] =	vst v63  }
0x36: {  	_ =	swait.ge [sflag:s30], $0x2800  }
0x37: {  	[sflag:s30] =	ssyncset.done $0x0  }
0x38: {  	s28 =	rddreg [dreg:$0x6];
	[sflag:s30] =	ssyncadd.s32 $0xFFFFD800  }
0x39: {  	[hbm4b:s28+s2] =	stream.linear.scatter [tilespmem:s25], [sflag:$0xC], $0x2800, $0x38;
	[tilespmem:$0x1D000] =	vst v63  }
0x3a: {  	s31 =	simm.s32 $0x3;
	s11 =	simm.s32 $0x380  }
0x3b: {  	[tilespmem:s9], [sflag:$0x8] =	stream.indirect.gather [hbm4b:s4+s23], $0x80, s11, s23, $0xb8;
	[tilespmem:$0x1D000] =	vst v63  }
0x3c: {  	_ =	swait.ge [sflag:s31], $0x2800  }
0x3d: {  	[sflag:s31] =	ssyncset.done $0x0  }
0x3e: {  	s3 =	simm.s32 $0x9000;
	s28 =	rddreg [dreg:$0x7];
	[sflag:s31] =	ssyncadd.s32 $0xFFFFD800  }
0x3f: {  	[hbm4b:s28+s2] =	stream.linear.scatter [tilespmem:s3], [sflag:$0xD], $0x2800, $0x38;
	[tilespmem:$0x1D000] =	vst v63  }
0x40: {  	s3 =	simm.s32 $0x400  }
0x41: {  	[tilespmem:s10], [sflag:$0x9] =	stream.indirect.gather [hbm4b:s4+s23], $0x80, s3, s23, $0xb8;
	[tilespmem:$0x1D000] =	vst v63  }
0x42: {  	s3 =	simm.s32 $0x4  }
0x43: {  	_ =	swait.ge [sflag:s3], $0x2800  }
0x44: {  	[sflag:s3] =	ssyncset.done $0x0  }
0x45: {  	s6 =	simm.s32 $0xB800;
	s11 =	rddreg [dreg:$0x8];
	[sflag:s3] =	ssyncadd.s32 $0xFFFFD800  }
0x46: {  	[hbm4b:s11+s2] =	stream.linear.scatter [tilespmem:s6], [sflag:$0xE], $0x2800, $0x38;
	[tilespmem:$0x1D000] =	vst v63  }
0x47: {  	s6 =	simm.s32 $0x480;
	s11 =	simm.s32 $0x1A800  }
0x48: {  	[tilespmem:s11], [sflag:$0xA] =	stream.indirect.gather [hbm4b:s4+s23], $0x80, s6, s23, $0xb8;
	[tilespmem:$0x1D000] =	vst v63  }
0x49: {  	s6 =	simm.s32 $0x5  }
0x4a: {  	_ =	swait.ge [sflag:s6], $0x2800  }
0x4b: {  	[sflag:s6] =	ssyncset.done $0x0  }
0x4c: {  	s8 =	simm.s32 $0xE000;
	s11 =	rddreg [dreg:$0x9];
	[sflag:s6] =	ssyncadd.s32 $0xFFFFD800  }
0x4d: {  	[hbm4b:s11+s2] =	stream.linear.scatter [tilespmem:s8], [sflag:$0xF], $0x2800, $0x38;
	[tilespmem:$0x1D000] =	vst v63  }
0x4e: {  	s8 =	simm.s32 $0xB  }
0x4f: {  	_ =	swait.ge [sflag:s8], $0x2800  }
0x50: {  	[sflag:s8] =	ssyncset.done $0x0  }
0x51: {  	s11 =	simm.s32 $0x500;
	[sflag:s8] =	ssyncadd.s32 $0xFFFFD800  }
0x52: {  	[tilespmem:s29], [sflag:$0x1] =	stream.indirect.gather [hbm4b:s4+s23], $0x80, s11, s23, $0xb8;
	[tilespmem:$0x1D000] =	vst v63  }
0x53: {  	_ =	swait.ge [sflag:s12], $0x2800  }
0x54: {  	[sflag:s12] =	ssyncset.done $0x0  }
0x55: {  	s11 =	rddreg [dreg:$0xa];
	[sflag:s12] =	ssyncadd.s32 $0xFFFFD800  }
0x56: {  	[hbm4b:s11+s2] =	stream.linear.scatter [tilespmem:s5], [sflag:$0x10], $0x2800, $0x38;
	[tilespmem:$0x1D000] =	vst v63  }
0x57: {  	s11 =	simm.s32 $0xC  }
0x58: {  	_ =	swait.ge [sflag:s11], $0x2800  }
0x59: {  	[sflag:s11] =	ssyncset.done $0x0  }
0x5a: {  	s12 =	simm.s32 $0x580;
	[sflag:s11] =	ssyncadd.s32 $0xFFFFD800  }
0x5b: {  	[tilespmem:s25], [sflag:$0x2] =	stream.indirect.gather [hbm4b:s4+s23], $0x80, s12, s23, $0xb8;
	[tilespmem:$0x1D000] =	vst v63  }
0x5c: {  	_ =	swait.ge [sflag:s13], $0x2800  }
0x5d: {  	[sflag:s13] =	ssyncset.done $0x0  }
0x5e: {  	s12 =	rddreg [dreg:$0xb];
	[sflag:s13] =	ssyncadd.s32 $0xFFFFD800  }
0x5f: {  	[hbm4b:s12+s2] =	stream.linear.scatter [tilespmem:s7], [sflag:$0x11], $0x2800, $0x38;
	[tilespmem:$0x1D000] =	vst v63  }
0x60: {  	_ =	swait.ge [sflag:s14], $0x2800  }
0x61: {  	[sflag:s14] =	ssyncset.done $0x0  }
0x62: {  	s28 =	simm.s32 $0x9000;
	s12 =	simm.s32 $0x600;
	[sflag:s14] =	ssyncadd.s32 $0xFFFFD800  }
0x63: {  	[tilespmem:s28], [sflag:$0x3] =	stream.indirect.gather [hbm4b:s4+s23], $0x80, s12, s23, $0xb8;
	[tilespmem:$0x1D000] =	vst v63  }
0x64: {  	_ =	swait.ge [sflag:s15], $0x2800  }
0x65: {  	[sflag:s15] =	ssyncset.done $0x0  }
0x66: {  	s28 =	rddreg [dreg:$0xc];
	[sflag:s15] =	ssyncadd.s32 $0xFFFFD800  }
0x67: {  	[hbm4b:s28+s2] =	stream.linear.scatter [tilespmem:s9], [sflag:$0x12], $0x2800, $0x38;
	[tilespmem:$0x1D000] =	vst v63  }
0x68: {  	_ =	swait.ge [sflag:s16], $0x2800  }
0x69: {  	[sflag:s16] =	ssyncset.done $0x0  }
0x6a: {  	s12 =	simm.s32 $0x680;
	s28 =	simm.s32 $0xB800;
	[sflag:s16] =	ssyncadd.s32 $0xFFFFD800  }
0x6b: {  	[tilespmem:s28], [sflag:$0x4] =	stream.indirect.gather [hbm4b:s4+s23], $0x80, s12, s23, $0xb8;
	[tilespmem:$0x1D000] =	vst v63  }
0x6c: {  	_ =	swait.ge [sflag:s17], $0x2800  }
0x6d: {  	[sflag:s17] =	ssyncset.done $0x0  }
0x6e: {  	s28 =	rddreg [dreg:$0xd];
	[sflag:s17] =	ssyncadd.s32 $0xFFFFD800  }
0x6f: {  	[hbm4b:s28+s2] =	stream.linear.scatter [tilespmem:s10], [sflag:$0x13], $0x2800, $0x38;
	[tilespmem:$0x1D000] =	vst v63  }
0x70: {  	_ =	swait.ge [sflag:s18], $0x2800  }
0x71: {  	[sflag:s18] =	ssyncset.done $0x0  }
0x72: {  	s12 =	simm.s32 $0x700;
	s28 =	simm.s32 $0xE000;
	[sflag:s18] =	ssyncadd.s32 $0xFFFFD800  }
0x73: {  	[tilespmem:s28], [sflag:$0x5] =	stream.indirect.gather [hbm4b:s4+s23], $0x80, s12, s23, $0xb8;
	[tilespmem:$0x1D000] =	vst v63  }
0x74: {  	_ =	swait.ge [sflag:s19], $0x2800  }
0x75: {  	[sflag:s19] =	ssyncset.done $0x0  }
0x76: {  	s12 =	simm.s32 $0x1A800;
	s10 =	rddreg [dreg:$0xe];
	[sflag:s19] =	ssyncadd.s32 $0xFFFFD800  }
0x77: {  	[hbm4b:s10+s2] =	stream.linear.scatter [tilespmem:s12], [sflag:$0x14], $0x2800, $0x38;
	[tilespmem:$0x1D000] =	vst v63  }
0x78: {  	_ =	swait.ge [sflag:s20], $0x2800  }
0x79: {  	[sflag:s20] =	ssyncset.done $0x0  }
0x7a: {  	s28 =	simm.s32 $0x780;
	[sflag:s20] =	ssyncadd.s32 $0xFFFFD800  }
0x7b: {  	[tilespmem:s5], [sflag:$0x6] =	stream.indirect.gather [hbm4b:s4+s23], $0x80, s28, s23, $0xb8;
	[tilespmem:$0x1D000] =	vst v63  }
0x7c: {  	_ =	swait.ge [sflag:s0], $0x2800  }
0x7d: {  	[sflag:s0] =	ssyncset.done $0x0  }
0x7e: {  	s28 =	rddreg [dreg:$0x15];
	[sflag:s0] =	ssyncadd.s32 $0xFFFFD800  }
0x7f: {  	[hbm4b:s28+s2] =	stream.linear.scatter [tilespmem:s29], [sflag:$0xB], $0x2800, $0x38;
	[tilespmem:$0x1D000] =	vst v63  }
0x80: {  	_ =	swait.ge [sflag:s22], $0x2800  }
0x81: {  	[sflag:s22] =	ssyncset.done $0x0  }
0x82: {  	s0 =	simm.s32 $0x800;
	[sflag:s22] =	ssyncadd.s32 $0xFFFFD800  }
0x83: {  	[tilespmem:s7], [sflag:$0x7] =	stream.indirect.gather [hbm4b:s4+s23], $0x80, s0, s23, $0xb8;
	[tilespmem:$0x1D000] =	vst v63  }
0x84: {  	_ =	swait.ge [sflag:s30], $0x2800  }
0x85: {  	[sflag:s30] =	ssyncset.done $0x0  }
0x86: {  	s0 =	sadd.s32 $0x500, s28;
	[sflag:s30] =	ssyncadd.s32 $0xFFFFD800  }
0x87: {  	[hbm4b:s0+s2] =	stream.linear.scatter [tilespmem:s25], [sflag:$0xC], $0x2800, $0x38;
	[tilespmem:$0x1D000] =	vst v63  }
0x88: {  	_ =	swait.ge [sflag:s21], $0x2800  }
0x89: {  	[sflag:s21] =	ssyncset.done $0x0  }
0x8a: {  	s30 =	simm.s32 $0x880;
	[sflag:s21] =	ssyncadd.s32 $0xFFFFD800  }
0x8b: {  	[tilespmem:s9], [sflag:$0x8] =	stream.indirect.gather [hbm4b:s4+s23], $0x80, s30, s23, $0xb8;
	[tilespmem:$0x1D000] =	vst v63  }
0x8c: {  	_ =	swait.ge [sflag:s31], $0x2800  }
0x8d: {  	[sflag:s31] =	ssyncset.done $0x0  }
0x8e: {  	s0 =	sadd.s32 $0xA00, s28;
	s30 =	simm.s32 $0x9000;
	[sflag:s31] =	ssyncadd.s32 $0xFFFFD800  }
0x8f: {  	[hbm4b:s0+s2] =	stream.linear.scatter [tilespmem:s30], [sflag:$0xD], $0x2800, $0x38;
	[tilespmem:$0x1D000] =	vst v63  }
0x90: {  	_ =	swait.ge [sflag:s24], $0x2800  }
0x91: {  	[sflag:s24] =	ssyncset.done $0x0  }
0x92: {  	s10 =	simm.s32 $0x18000;
	s0 =	simm.s32 $0x900;
	[sflag:s24] =	ssyncadd.s32 $0xFFFFD800  }
0x93: {  	[tilespmem:s10], [sflag:$0x9] =	stream.indirect.gather [hbm4b:s4+s23], $0x80, s0, s23, $0xb8;
	[tilespmem:$0x1D000] =	vst v63  }
0x94: {  	_ =	swait.ge [sflag:s3], $0x2800  }
0x95: {  	[sflag:s3] =	ssyncset.done $0x0  }
0x96: {  	s0 =	simm.s32 $0xB800;
	[sflag:s3] =	ssyncadd.s32 $0xFFFFD800;
	s3 =	sadd.s32 $0xF00, s28  }
0x97: {  	[hbm4b:s3+s2] =	stream.linear.scatter [tilespmem:s0], [sflag:$0xE], $0x2800, $0x38;
	[tilespmem:$0x1D000] =	vst v63  }
0x98: {  	_ =	swait.ge [sflag:s26], $0x2800  }
0x99: {  	[sflag:s26] =	ssyncset.done $0x0  }
0x9a: {  	s1 =	simm.s32 $0x980;
	s3 =	simm.s32 $0x1A800;
	[sflag:s26] =	ssyncadd.s32 $0xFFFFD800  }
0x9b: {  	[tilespmem:s3], [sflag:$0xA] =	stream.indirect.gather [hbm4b:s4+s23], $0x80, s1, s23, $0xb8;
	[tilespmem:$0x1D000] =	vst v63  }
0x9c: {  	_ =	swait.ge [sflag:s6], $0x2800  }
0x9d: {  	[sflag:s6] =	ssyncset.done $0x0  }
0x9e: {  	s3 =	sadd.s32 $0x1400, s28;
	[sflag:s6] =	ssyncadd.s32 $0xFFFFD800;
	s6 =	simm.s32 $0xE000  }
0x9f: {  	[hbm4b:s3+s2] =	stream.linear.scatter [tilespmem:s6], [sflag:$0xF], $0x2800, $0x38;
	[tilespmem:$0x1D000] =	vst v63  }
0xa0: {  	_ =	swait.ge [sflag:s8], $0x2800  }
0xa1: {  	[sflag:s8] =	ssyncset.done $0x0  }
0xa2: {  	s12 =	simm.s32 $0x6;
	s6 =	simm.s32 $0xA00;
	[sflag:s8] =	ssyncadd.s32 $0xFFFFD800  }
0xa3: {  	[tilespmem:s29], [sflag:$0x1] =	stream.indirect.gather [hbm4b:s4+s23], $0x80, s6, s23, $0xb8;
	[tilespmem:$0x1D000] =	vst v63  }
0xa4: {  	_ =	swait.ge [sflag:s12], $0x2800  }
0xa5: {  	[sflag:s12] =	ssyncset.done $0x0  }
0xa6: {  	s8 =	sadd.s32 $0x1900, s28;
	[sflag:s12] =	ssyncadd.s32 $0xFFFFD800  }
0xa7: {  	[hbm4b:s8+s2] =	stream.linear.scatter [tilespmem:s5], [sflag:$0x10], $0x2800, $0x38;
	[tilespmem:$0x1D000] =	vst v63  }
0xa8: {  	_ =	swait.ge [sflag:s11], $0x2800  }
0xa9: {  	[sflag:s11] =	ssyncset.done $0x0  }
0xaa: {  	s5 =	simm.s32 $0xA80;
	[sflag:s11] =	ssyncadd.s32 $0xFFFFD800  }
0xab: {  	[tilespmem:s25], [sflag:$0x2] =	stream.indirect.gather [hbm4b:s4+s23], $0x80, s5, s23, $0xb8;
	[tilespmem:$0x1D000] =	vst v63  }
0xac: {  	_ =	swait.ge [sflag:s13], $0x2800  }
0xad: {  	[sflag:s13] =	ssyncset.done $0x0  }
0xae: {  	s6 =	sadd.s32 $0x1E00, s28;
	[sflag:s13] =	ssyncadd.s32 $0xFFFFD800  }
0xaf: {  	[hbm4b:s6+s2] =	stream.linear.scatter [tilespmem:s7], [sflag:$0x11], $0x2800, $0x38;
	[tilespmem:$0x1D000] =	vst v63  }
0xb0: {  	_ =	swait.ge [sflag:s14], $0x2800  }
0xb1: {  	[sflag:s14] =	ssyncset.done $0x0  }
0xb2: {  	s30 =	simm.s32 $0x9000;
	s7 =	simm.s32 $0xB00;
	[sflag:s14] =	ssyncadd.s32 $0xFFFFD800  }
0xb3: {  	[tilespmem:s30], [sflag:$0x3] =	stream.indirect.gather [hbm4b:s4+s23], $0x80, s7, s23, $0xb8;
	[tilespmem:$0x1D000] =	vst v63  }
0xb4: {  	_ =	swait.ge [sflag:s15], $0x2800  }
0xb5: {  	[sflag:s15] =	ssyncset.done $0x0  }
0xb6: {  	s8 =	sadd.s32 $0x2300, s28;
	[sflag:s15] =	ssyncadd.s32 $0xFFFFD800  }
0xb7: {  	[hbm4b:s8+s2] =	stream.linear.scatter [tilespmem:s9], [sflag:$0x12], $0x2800, $0x38;
	[tilespmem:$0x1D000] =	vst v63  }
0xb8: {  	_ =	swait.ge [sflag:s16], $0x2800  }
0xb9: {  	[sflag:s16] =	ssyncset.done $0x0  }
0xba: {  	s11 =	simm.s32 $0xB80;
	[sflag:s16] =	ssyncadd.s32 $0xFFFFD800  }
0xbb: {  	[tilespmem:s0], [sflag:$0x4] =	stream.indirect.gather [hbm4b:s4+s23], $0x80, s11, s23, $0xb8;
	[tilespmem:$0x1D000] =	vst v63  }
0xbc: {  	_ =	swait.ge [sflag:s17], $0x2800  }
0xbd: {  	[sflag:s17] =	ssyncset.done $0x0  }
0xbe: {  	s25 =	sadd.s32 $0x2800, s28;
	[sflag:s17] =	ssyncadd.s32 $0xFFFFD800  }
0xbf: {  	[hbm4b:s25+s2] =	stream.linear.scatter [tilespmem:s10], [sflag:$0x13], $0x2800, $0x38;
	[tilespmem:$0x1D000] =	vst v63  }
0xc0: {  	_ =	swait.ge [sflag:s18], $0x2800  }
0xc1: {  	[sflag:s18] =	ssyncset.done $0x0  }
0xc2: {  	s3 =	simm.s32 $0xE000;
	s30 =	simm.s32 $0xC00;
	[sflag:s18] =	ssyncadd.s32 $0xFFFFD800  }
0xc3: {  	[tilespmem:s3], [sflag:$0x5] =	stream.indirect.gather [hbm4b:s4+s23], $0x80, s30, s23, $0xb8;
	[tilespmem:$0x1D000] =	vst v63  }
0xc4: {  	s31 =	sadd.s32 $0x3200, s28;
	s1 =	sadd.s32 $0x2D00, s28;
	_ =	swait.ge [sflag:s19], $0x2800  }
0xc5: {  	s29 =	simm.s32 $0x1400;
	s5 =	simm.s32 $0x10800;
	[sflag:s19] =	ssyncset.done $0x0  }
0xc6: {  	s7 =	simm.s32 $0x13000;
	s9 =	simm.s32 $0x15800;
	[sflag:s19] =	ssyncadd.s32 $0xFFFFD800  }
.LBB2_2:
0xc7: {  	s25 =	simm.s32 $0x1A800  }
0xc8: {  	[hbm4b:s1+s2] =	stream.linear.scatter [tilespmem:s25], [sflag:$0x14], $0x2800, $0x38;
	[tilespmem:$0x1D000] =	vst v63  }
0xc9: {  	s1 =	smov.u32 s29  }
0xca: {  	p0 =	sne.s32 s29, $0xC800;
	s29 =	sadd.s32 $0x1400, s29;
	_ =	swait.ge [sflag:s20], $0x2800  }
0xcb: {  	s1 =	sshra.s32 s1, $0x2;
	[sflag:s20] =	ssyncset.done $0x0  }
0xcc: {  	s0 =	simm.s32 $0x1;
	s28 =	sadd.s32 $0x780, s1;
	[sflag:s20] =	ssyncadd.s32 $0xFFFFD800  }
0xcd: {  	[tilespmem:s5], [sflag:$0x6] =	stream.indirect.gather [hbm4b:s4+s23], $0x80, s28, s23, $0xb8;
	[tilespmem:$0x1D000] =	vst v63  }
0xce: {  	_ =	swait.ge [sflag:s0], $0x2800  }
0xcf: {  	[sflag:s0] =	ssyncset.done $0x0  }
0xd0: {  	s3 =	simm.s32 $0x4000;
	[sflag:s0] =	ssyncadd.s32 $0xFFFFD800  }
0xd1: {  	[hbm4b:s31+s2] =	stream.linear.scatter [tilespmem:s3], [sflag:$0xB], $0x2800, $0x38;
	[tilespmem:$0x1D000] =	vst v63  }
0xd2: {  	_ =	swait.ge [sflag:s22], $0x2800  }
0xd3: {  	[sflag:s22] =	ssyncset.done $0x0  }
0xd4: {  	s28 =	sadd.s32 $0x800, s1;
	s0 =	simm.s32 $0x2;
	[sflag:s22] =	ssyncadd.s32 $0xFFFFD800  }
0xd5: {  	[tilespmem:s7], [sflag:$0x7] =	stream.indirect.gather [hbm4b:s4+s23], $0x80, s28, s23, $0xb8;
	[tilespmem:$0x1D000] =	vst v63  }
0xd6: {  	_ =	swait.ge [sflag:s0], $0x2800  }
0xd7: {  	[sflag:s0] =	ssyncset.done $0x0  }
0xd8: {  	s6 =	simm.s32 $0x6800;
	s28 =	sadd.s32 $0x500, s31;
	[sflag:s0] =	ssyncadd.s32 $0xFFFFD800  }
0xd9: {  	[hbm4b:s28+s2] =	stream.linear.scatter [tilespmem:s6], [sflag:$0xC], $0x2800, $0x38;
	[tilespmem:$0x1D000] =	vst v63  }
0xda: {  	_ =	swait.ge [sflag:s21], $0x2800  }
0xdb: {  	[sflag:s21] =	ssyncset.done $0x0  }
0xdc: {  	s0 =	simm.s32 $0x3;
	s28 =	sadd.s32 $0x880, s1;
	[sflag:s21] =	ssyncadd.s32 $0xFFFFD800  }
0xdd: {  	[tilespmem:s9], [sflag:$0x8] =	stream.indirect.gather [hbm4b:s4+s23], $0x80, s28, s23, $0xb8;
	[tilespmem:$0x1D000] =	vst v63  }
0xde: {  	_ =	swait.ge [sflag:s0], $0x2800  }
0xdf: {  	[sflag:s0] =	ssyncset.done $0x0  }
0xe0: {  	s8 =	simm.s32 $0x9000;
	s28 =	sadd.s32 $0xA00, s31;
	[sflag:s0] =	ssyncadd.s32 $0xFFFFD800  }
0xe1: {  	[hbm4b:s28+s2] =	stream.linear.scatter [tilespmem:s8], [sflag:$0xD], $0x2800, $0x38;
	[tilespmem:$0x1D000] =	vst v63  }
0xe2: {  	_ =	swait.ge [sflag:s24], $0x2800  }
0xe3: {  	[sflag:s24] =	ssyncset.done $0x0  }
0xe4: {  	s0 =	simm.s32 $0x4;
	s28 =	sadd.s32 $0x900, s1;
	[sflag:s24] =	ssyncadd.s32 $0xFFFFD800  }
0xe5: {  	[tilespmem:s10], [sflag:$0x9] =	stream.indirect.gather [hbm4b:s4+s23], $0x80, s28, s23, $0xb8;
	[tilespmem:$0x1D000] =	vst v63  }
0xe6: {  	_ =	swait.ge [sflag:s0], $0x2800  }
0xe7: {  	[sflag:s0] =	ssyncset.done $0x0  }
0xe8: {  	s30 =	simm.s32 $0xB800;
	s28 =	sadd.s32 $0xF00, s31;
	[sflag:s0] =	ssyncadd.s32 $0xFFFFD800  }
0xe9: {  	[hbm4b:s28+s2] =	stream.linear.scatter [tilespmem:s30], [sflag:$0xE], $0x2800, $0x38;
	[tilespmem:$0x1D000] =	vst v63  }
0xea: {  	_ =	swait.ge [sflag:s26], $0x2800  }
0xeb: {  	s11 =	simm.s32 $0x1A800;
	[sflag:s26] =	ssyncset.done $0x0  }
0xec: {  	s0 =	simm.s32 $0x5;
	s28 =	sadd.s32 $0x980, s1;
	[sflag:s26] =	ssyncadd.s32 $0xFFFFD800  }
0xed: {  	[tilespmem:s25], [sflag:$0xA] =	stream.indirect.gather [hbm4b:s4+s23], $0x80, s28, s23, $0xb8;
	[tilespmem:$0x1D000] =	vst v63  }
0xee: {  	_ =	swait.ge [sflag:s0], $0x2800  }
0xef: {  	s28 =	sadd.s32 $0x1400, s31;
	[sflag:s0] =	ssyncset.done $0x0  }
0xf0: {  	s25 =	simm.s32 $0xB;
	[sflag:s0] =	ssyncadd.s32 $0xFFFFD800;
	s0 =	simm.s32 $0xE000  }
0xf1: {  	[hbm4b:s28+s2] =	stream.linear.scatter [tilespmem:s0], [sflag:$0xF], $0x2800, $0x38;
	[tilespmem:$0x1D000] =	vst v63  }
0xf2: {  	_ =	swait.ge [sflag:s25], $0x2800  }
0xf3: {  	[sflag:s25] =	ssyncset.done $0x0  }
0xf4: {  	s28 =	sadd.s32 $0xA00, s1;
	[sflag:s25] =	ssyncadd.s32 $0xFFFFD800;
	s25 =	simm.s32 $0x4000  }
0xf5: {  	[tilespmem:s3], [sflag:$0x1] =	stream.indirect.gather [hbm4b:s4+s23], $0x80, s28, s23, $0xb8;
	[tilespmem:$0x1D000] =	vst v63  }
0xf6: {  	_ =	swait.ge [sflag:s12], $0x2800  }
0xf7: {  	[sflag:s12] =	ssyncset.done $0x0  }
0xf8: {  	s28 =	sadd.s32 $0x1900, s31;
	s3 =	simm.s32 $0xC;
	[sflag:s12] =	ssyncadd.s32 $0xFFFFD800  }
0xf9: {  	[hbm4b:s28+s2] =	stream.linear.scatter [tilespmem:s5], [sflag:$0x10], $0x2800, $0x38;
	[tilespmem:$0x1D000] =	vst v63  }
0xfa: {  	_ =	swait.ge [sflag:s3], $0x2800  }
0xfb: {  	[sflag:s3] =	ssyncset.done $0x0  }
0xfc: {  	s28 =	sadd.s32 $0xA80, s1;
	[sflag:s3] =	ssyncadd.s32 $0xFFFFD800;
	s3 =	simm.s32 $0x6800  }
0xfd: {  	[tilespmem:s6], [sflag:$0x2] =	stream.indirect.gather [hbm4b:s4+s23], $0x80, s28, s23, $0xb8;
	[tilespmem:$0x1D000] =	vst v63  }
0xfe: {  	_ =	swait.ge [sflag:s13], $0x2800  }
0xff: {  	[sflag:s13] =	ssyncset.done $0x0  }
0x100: {  	s28 =	sadd.s32 $0x1E00, s31;
	[sflag:s13] =	ssyncadd.s32 $0xFFFFD800  }
0x101: {  	[hbm4b:s28+s2] =	stream.linear.scatter [tilespmem:s7], [sflag:$0x11], $0x2800, $0x38;
	[tilespmem:$0x1D000] =	vst v63  }
0x102: {  	_ =	swait.ge [sflag:s14], $0x2800  }
0x103: {  	[sflag:s14] =	ssyncset.done $0x0  }
0x104: {  	s6 =	simm.s32 $0x9000;
	s28 =	sadd.s32 $0xB00, s1;
	[sflag:s14] =	ssyncadd.s32 $0xFFFFD800  }
0x105: {  	[tilespmem:s8], [sflag:$0x3] =	stream.indirect.gather [hbm4b:s4+s23], $0x80, s28, s23, $0xb8;
	[tilespmem:$0x1D000] =	vst v63  }
0x106: {  	_ =	swait.ge [sflag:s15], $0x2800  }
0x107: {  	[sflag:s15] =	ssyncset.done $0x0  }
0x108: {  	s28 =	sadd.s32 $0x2300, s31;
	[sflag:s15] =	ssyncadd.s32 $0xFFFFD800  }
0x109: {  	[hbm4b:s28+s2] =	stream.linear.scatter [tilespmem:s9], [sflag:$0x12], $0x2800, $0x38;
	[tilespmem:$0x1D000] =	vst v63  }
0x10a: {  	_ =	swait.ge [sflag:s16], $0x2800  }
0x10b: {  	[sflag:s16] =	ssyncset.done $0x0  }
0x10c: {  	s8 =	simm.s32 $0xB800;
	s28 =	sadd.s32 $0xB80, s1;
	[sflag:s16] =	ssyncadd.s32 $0xFFFFD800  }
0x10d: {  	[tilespmem:s30], [sflag:$0x4] =	stream.indirect.gather [hbm4b:s4+s23], $0x80, s28, s23, $0xb8;
	[tilespmem:$0x1D000] =	vst v63  }
0x10e: {  	_ =	swait.ge [sflag:s17], $0x2800  }
0x10f: {  	[sflag:s17] =	ssyncset.done $0x0  }
0x110: {  	s28 =	sadd.s32 $0x2800, s31;
	[sflag:s17] =	ssyncadd.s32 $0xFFFFD800  }
0x111: {  	[hbm4b:s28+s2] =	stream.linear.scatter [tilespmem:s10], [sflag:$0x13], $0x2800, $0x38;
	[tilespmem:$0x1D000] =	vst v63  }
0x112: {  	_ =	swait.ge [sflag:s18], $0x2800  }
0x113: {  	s1 =	sadd.s32 $0xC00, s1;
	[sflag:s18] =	ssyncset.done $0x0  }
.Ltmp0:
0x114: {  	s28 =	simm.s32 $0xE000;
	[sflag:s18] =	ssyncadd.s32 $0xFFFFD800;
	(pc) =	sbr.rel @p0 .LBB2_2-.Ltmp0, $4  }
0x115: {  	[tilespmem:s0], [sflag:$0x5] =	stream.indirect.gather [hbm4b:s4+s23], $0x80, s1, s23, $0xb8;
	[tilespmem:$0x1D000] =	vst v63  }
0x116: {  	_ =	swait.ge [sflag:s19], $0x2800  }
0x117: {  	[sflag:s19] =	ssyncset.done $0x0  }
0x118: {  	s1 =	sadd.s32 $0x2D00, s31;
	s31 =	sadd.s32 $0x3200, s31;
	[sflag:s19] =	ssyncadd.s32 $0xFFFFD800  }
0x119: {  	[hbm4b:s1+s2] =	stream.linear.scatter [tilespmem:s11], [sflag:$0x14], $0x2800, $0x38;
	[tilespmem:$0x1D000] =	vst v63  }
0x11a: {  	s0 =	simm.s32 $0x1  }
0x11b: {  	_ =	swait.ge [sflag:s0], $0x2800  }
0x11c: {  	[sflag:s0] =	ssyncset.done $0x0  }
0x11d: {  	s1 =	simm.s32 $0x2;
	[sflag:s0] =	ssyncadd.s32 $0xFFFFD800;
	s0 =	rddreg [dreg:$0xf]  }
0x11e: {  	[hbm4b:s0+s2] =	stream.linear.scatter [tilespmem:s25], [sflag:$0xB], $0x2800, $0x38;
	[tilespmem:$0x1D000] =	vst v63  }
0x11f: {  	_ =	swait.ge [sflag:s1], $0x2800  }
0x120: {  	[sflag:s1] =	ssyncset.done $0x0  }
0x121: {  	s7 =	simm.s32 $0x3;
	s5 =	rddreg [dreg:$0x10];
	[sflag:s1] =	ssyncadd.s32 $0xFFFFD800  }
0x122: {  	[hbm4b:s5+s2] =	stream.linear.scatter [tilespmem:s3], [sflag:$0xC], $0x2800, $0x38;
	[tilespmem:$0x1D000] =	vst v63  }
0x123: {  	_ =	swait.ge [sflag:s7], $0x2800  }
0x124: {  	[sflag:s7] =	ssyncset.done $0x0  }
0x125: {  	s10 =	simm.s32 $0x4;
	s9 =	rddreg [dreg:$0x11];
	[sflag:s7] =	ssyncadd.s32 $0xFFFFD800  }
0x126: {  	[hbm4b:s9+s2] =	stream.linear.scatter [tilespmem:s6], [sflag:$0xD], $0x2800, $0x38;
	[tilespmem:$0x1D000] =	vst v63  }
0x127: {  	_ =	swait.ge [sflag:s10], $0x2800  }
0x128: {  	[sflag:s10] =	ssyncset.done $0x0  }
0x129: {  	s12 =	simm.s32 $0x5;
	s11 =	rddreg [dreg:$0x12];
	[sflag:s10] =	ssyncadd.s32 $0xFFFFD800  }
0x12a: {  	[hbm4b:s11+s2] =	stream.linear.scatter [tilespmem:s8], [sflag:$0xE], $0x2800, $0x38;
	[tilespmem:$0x1D000] =	vst v63  }
0x12b: {  	_ =	swait.ge [sflag:s12], $0x2800  }
0x12c: {  	[sflag:s12] =	ssyncset.done $0x0  }
0x12d: {  	s25 =	rddreg [dreg:$0x13];
	[sflag:s12] =	ssyncadd.s32 $0xFFFFD800  }
0x12e: {  	[hbm4b:s25+s2] =	stream.linear.scatter [tilespmem:s28], [sflag:$0xF], $0x2800, $0x38;
	[tilespmem:$0x1D000] =	vst v63  }
0x12f: {  	s28 =	simm.s32 $0xB  }
0x130: {  	_ =	swait.ge [sflag:s28], $0x2800  }
0x131: {  	[sflag:s28] =	ssyncset.done $0x0  }
0x132: {  	s29 =	simm.s32 $0xC;
	[sflag:s28] =	ssyncadd.s32 $0xFFFFD800  }
0x133: {  	_ =	swait.ge [sflag:s29], $0x2800  }
0x134: {  	[sflag:s29] =	ssyncset.done $0x0  }
0x135: {  	[sflag:s29] =	ssyncadd.s32 $0xFFFFD800  }
0x136: {  	_ =	swait.ge [sflag:s14], $0x2800  }
0x137: {  	[sflag:s14] =	ssyncset.done $0x0  }
0x138: {  	[sflag:s14] =	ssyncadd.s32 $0xFFFFD800  }
0x139: {  	_ =	swait.ge [sflag:s16], $0x2800  }
0x13a: {  	[sflag:s16] =	ssyncset.done $0x0  }
0x13b: {  	[sflag:s16] =	ssyncadd.s32 $0xFFFFD800  }
0x13c: {  	_ =	swait.ge [sflag:s18], $0x2800  }
0x13d: {  	[sflag:s18] =	ssyncset.done $0x0  }
0x13e: {  	[sflag:s18] =	ssyncadd.s32 $0xFFFFD800  }
0x13f: {  	_ =	swait.ge [sflag:s20], $0x2800  }
0x140: {  	[sflag:s20] =	ssyncset.done $0x0  }
0x141: {  	[sflag:s20] =	ssyncadd.s32 $0xFFFFD800  }
0x142: {  	_ =	swait.ge [sflag:s22], $0x2800  }
0x143: {  	[sflag:s22] =	ssyncset.done $0x0  }
0x144: {  	[sflag:s22] =	ssyncadd.s32 $0xFFFFD800  }
0x145: {  	_ =	swait.ge [sflag:s21], $0x2800  }
0x146: {  	[sflag:s21] =	ssyncset.done $0x0  }
0x147: {  	[sflag:s21] =	ssyncadd.s32 $0xFFFFD800  }
0x148: {  	_ =	swait.ge [sflag:s24], $0x2800  }
0x149: {  	[sflag:s24] =	ssyncset.done $0x0  }
0x14a: {  	[sflag:s24] =	ssyncadd.s32 $0xFFFFD800  }
0x14b: {  	_ =	swait.ge [sflag:s26], $0x2800  }
0x14c: {  	s30 =	rddreg [dreg:$0x16]  }
0x14d: {  	s31 =	rddreg [dreg:$0x14];
	s0 =	sadd.s32 $0x1, s30  }
0x14e: {  	p0 =	sne.s32 s0, s31  }
.Ltmp1:
0x14f: {  	_ = 	snop;
	(pc) =	sbr.rel @p0 .LBB2_1-.Ltmp1, $4  }
0x150: {  	_ = 	snop  }
0x151: {  	s5 =	simm.s32 $0x10800  }
0x152: {  	s7 =	simm.s32 $0x13000;
	s9 =	simm.s32 $0x15800;
	[sflag:s26] =	ssyncset.done $0x0  }
0x153: {  	s10 =	simm.s32 $0x18000;
	s12 =	simm.s32 $0x6;
	[sflag:s26] =	ssyncadd.s32 $0xFFFFD800  }
0x154: {  	_ =	sfence.sel $0x180000  }
0x155: {  	[bflag:$0x0] =	sbarrier.arrive $0xFFFF  }
0x156: {  	_ =	strace $0x90000047  }
0x157: {  	s0 =	stileid.u32;
	[bflag:$0x2] =	sbarrier.arrive $0xFFFF  }
0x158: {  	p0 =	sne.s32 s0, $0x0;
	s0 =	rddreg [dreg:$0x3]  }
0x159: {  	s0 =	sadd.s32 @!p0 $0x100000, s0  }
0x15a: {  	[sflag:s0] =	ssyncadd.tile.s32 @!p0 $0x1;
	_ =	shalt  }
.Lfunc_end2:
_tile_overlayer_lowered:
.L_overlay_start_2:
0x15b: {  	(tag) =	ssettag $0x2  }
0x15c: {  	s0 =	rddreg [dreg:$0x0];
	s2 =	stileid.u32  }
0x15d: {  	s1 =	rddreg [dreg:$0x1];
	p0 =	sne.s32 s2, $0x0  }
0x15e: {  	s3 =	rddreg [dreg:$0x2];
	[bflag:$0x3] =	sbarrier.arrive $0xFFFF;
	s2 =	simm.s32 @!p0 $0x1C15  }
0x15f: {  	[timem:s3], [sflag:s2] =	dma.local @!p0 [hbm:s0], s1  }
0x160: {  	s0 =	simm.s32 @!p0 $0x15  }
0x161: {  	_ =	swait.ge @!p0 [sflag:s0], s1  }
0x162: {  	s1 =	ssub.s32 @!p0 $0x0, s1;
	[sflag:s0] =	ssyncset.done @!p0 $0x0  }
0x163: {  	[sflag:s0] =	ssyncadd.s32 @!p0 s1  }
0x164: {  	[bflag:$0x3] =	sbarrier.arrive $0xFFFF  }
0x165: {  	_ =	shalt  }

</sc_bundles>
